<compile_context>
chip_gen: v7x
topology: tpu7x:2x2x1
jax: 0.10.2.dev20260603
libtpu: 0.0.44.dev20260713+nightly
codegen_flags: <defaults>
</compile_context>

<pallas_src>
import dataclasses
import functools

import jax
import jax.numpy as jnp
from jax import lax
from jax.experimental import pallas as pl
from jax.experimental.pallas import tpu as pltpu
from jax.experimental.pallas import tpu_sc as plsc

N = 10000
E = 320000
D = 128
NC = 2
NS = 16
NW = NC * NS
EPW = E // NW
C = 80
NCH = EPW // C
CS = 40
NCHS = EPW // CS
NPAD = 10240
ROWS_PT = NPAD // NS
NPADH = 10240
HR = NPADH // 16
HR_PT = HR // NS

_mesh = plsc.VectorSubcoreMesh(core_axis_name="c", subcore_axis_name="s")

_cp = pltpu.CompilerParams()
if "needs_layout_passes" in pltpu.CompilerParams.__dataclass_fields__:
    _cp = dataclasses.replace(_cp, needs_layout_passes=False)
_cp_sg = pltpu.CompilerParams()
if "use_tc_tiling_on_sc" in pltpu.CompilerParams.__dataclass_fields__:
    _cp_sg = dataclasses.replace(_cp_sg, use_tc_tiling_on_sc=False)
    _cp = dataclasses.replace(_cp, use_tc_tiling_on_sc=False)

_f32 = jnp.float32
_i32 = jnp.int32


def _zeros16():
    return jnp.zeros((16,), _f32)


def _hist_body(row_hbm, col_hbm, out_hbm, row_v, col_v, degl, selfl,
               idxr, shd_deg, shd_self, sma, smb):
    cid = lax.axis_index("c")
    sid = lax.axis_index("s")
    wid = sid * NC + cid

    pltpu.async_copy(row_hbm.at[wid], row_v, sma)
    pltpu.async_copy(col_hbm.at[wid], col_v, smb)

    @pl.loop(0, HR)
    def _(i):
        degl[i, :] = _zeros16()
        selfl[i, :] = _zeros16()

    pltpu.sync_copy(degl.at[pl.ds(sid * HR_PT, HR_PT)],
                    shd_deg.at[pl.ds(sid * HR_PT, HR_PT)])
    pltpu.sync_copy(selfl.at[pl.ds(sid * HR_PT, HR_PT)],
                    shd_self.at[pl.ds(sid * HR_PT, HR_PT)])

    @pl.loop(0, 5)
    def _(k):
        @pl.loop(0, 8)
        def _(j):
            idxr[k, pl.ds(j * 16, 16)] = (
                lax.iota(_i32, 16) + k * 128 + j * 16)

    ones = jnp.ones((16,), _f32)

    pltpu.make_async_copy(row_hbm.at[wid], row_v, sma).wait()
    pltpu.make_async_copy(col_hbm.at[wid], col_v, smb).wait()

    @pl.loop(0, NCH)
    def _(i):
        @pl.loop(0, C // 16)
        def _(j):
            r = row_v[i, pl.ds(j * 16, 16)]
            cc = col_v[i, pl.ds(j * 16, 16)]
            m = r != cc
            hi = lax.shift_right_logical(r, 4)
            lo = lax.bitwise_and(r, 15)
            plsc.addupdate_scatter(degl, [hi, lo], ones, mask=m)
            plsc.addupdate_scatter(selfl, [hi, lo], ones,
                                   mask=jnp.logical_not(m))

    plsc.subcore_barrier()

    @pl.loop(0, 5)
    def _(k):
        pltpu.sync_copy(degl.at[pl.ds(k * 128, 128)],
                        shd_deg.at[idxr.at[k]], add=True)
        pltpu.sync_copy(selfl.at[pl.ds(k * 128, 128)],
                        shd_self.at[idxr.at[k]], add=True)

    plsc.subcore_barrier()

    pltpu.sync_copy(shd_deg.at[pl.ds(sid * HR_PT, HR_PT)],
                    out_hbm.at[cid, 0, pl.ds(sid * HR_PT, HR_PT)])
    pltpu.sync_copy(shd_self.at[pl.ds(sid * HR_PT, HR_PT)],
                    out_hbm.at[cid, 1, pl.ds(sid * HR_PT, HR_PT)])


def _sc_hist(row2d, col2d):
    k = pl.kernel(
        _hist_body,
        out_type=jax.ShapeDtypeStruct((NC, 2, HR, 16), _f32),
        mesh=_mesh,
        scratch_types=[
            pltpu.VMEM((NCH, C), _i32),
            pltpu.VMEM((NCH, C), _i32),
            pltpu.VMEM((HR, 16), _f32),
            pltpu.VMEM((HR, 16), _f32),
            pltpu.VMEM((5, 128), _i32),
            pltpu.VMEM_SHARED((HR, 16), _f32),
            pltpu.VMEM_SHARED((HR, 16), _f32),
            pltpu.SemaphoreType.DMA,
            pltpu.SemaphoreType.DMA,
        ],
        compiler_params=_cp,
    )
    return k(row2d, col2d)


def _segsum_body(g_hbm, row_hbm, col_hbm, out_hbm, row_v, col_v,
                 gb0, gb1, gb2, gb3, gb4, acc,
                 sg0, sg1, sg2, sg3, sg4, ss0, ss1, ss2, ss3, ss4):
    cid = lax.axis_index("c")
    sid = lax.axis_index("s")
    wid = sid * NC + cid

    gbufs = (gb0, gb1, gb2, gb3, gb4)
    gsems = (sg0, sg1, sg2, sg3, sg4)
    ssems = (ss0, ss1, ss2, ss3, ss4)

    pltpu.async_copy(row_hbm.at[wid], row_v, ss0)
    pltpu.async_copy(col_hbm.at[wid], col_v, sg0)

    def gstart(j, s):
        pltpu.async_copy(g_hbm.at[col_v.at[j]], gbufs[s], gsems[s])

    def gwait(s):
        pltpu.make_async_copy(g_hbm.at[col_v.at[0]], gbufs[s], gsems[s]).wait()

    def sstart(j, s):
        pltpu.async_copy(gbufs[s], acc.at[row_v.at[j]], ssems[s], add=True)

    def swait(s):
        pltpu.make_async_copy(gbufs[s], acc.at[row_v.at[0]], ssems[s]).wait()

    pltpu.make_async_copy(col_hbm.at[wid], col_v, sg0).wait()

    for j in range(4):
        gstart(j, j)

    @pl.loop(0, CS)
    def _(i):
        @pl.loop(0, D // 16)
        def _(j):
            gb4[i, pl.ds(j * 16, 16)] = _zeros16()

    @pl.loop(0, ROWS_PT // (4 * CS))
    def _(w):
        base = sid * ROWS_PT + w * 4 * CS
        for k in range(4):
            pltpu.async_copy(gb4, acc.at[pl.ds(base + k * CS, CS)],
                             ssems[k + 1])
        for k in range(4):
            pltpu.make_async_copy(gb4, acc.at[pl.ds(base + k * CS, CS)],
                                  ssems[k + 1]).wait()

    pltpu.make_async_copy(row_hbm.at[wid], row_v, ss0).wait()

    plsc.subcore_barrier()

    gstart(4, 4)
    gwait(0)
    sstart(0, 0)

    @pl.loop(5, NCHS, step=5)
    def _(jj):
        for u in range(5):
            swait(u)
            gstart(jj + u, u)
            gwait((u + 1) % 5)
            sstart(jj + u - 4, (u + 1) % 5)

    for u in range(4):
        gwait((u + 1) % 5)
        sstart(NCHS - 4 + u, (u + 1) % 5)
    for u in range(5):
        swait(u)

    plsc.subcore_barrier()

    @pl.loop(0, ROWS_PT // 128)
    def _(i):
        pltpu.sync_copy(acc.at[pl.ds(sid * ROWS_PT + i * 128, 128)],
                        out_hbm.at[cid, pl.ds(sid * ROWS_PT + i * 128, 128)])


def _sc_segsum(g, row2d, col2d):
    k = pl.kernel(
        _segsum_body,
        out_type=jax.ShapeDtypeStruct((NC, NPAD, D), _f32),
        mesh=_mesh,
        scratch_types=[
            pltpu.VMEM((NCHS, CS), _i32),
            pltpu.VMEM((NCHS, CS), _i32),
            pltpu.VMEM((CS, D), _f32),
            pltpu.VMEM((CS, D), _f32),
            pltpu.VMEM((CS, D), _f32),
            pltpu.VMEM((CS, D), _f32),
            pltpu.VMEM((CS, D), _f32),
            pltpu.VMEM_SHARED((NPAD, D), _f32),
        ] + [pltpu.SemaphoreType.DMA] * 10,
        compiler_params=_cp_sg,
    )
    return k(g, row2d, col2d)


def _scales_body(h_ref, sp_ref):
    deg = h_ref[0, 0] + h_ref[1, 0]
    c = h_ref[0, 1] + h_ref[1, 1]
    dis = jnp.where(deg > 0, lax.rsqrt(jnp.maximum(deg, 1e-12)), 0.0)
    sp_ref[0] = dis
    sp_ref[1] = c


def _tc_scales(hist):
    return pl.pallas_call(
        _scales_body,
        out_shape=jax.ShapeDtypeStruct((2, HR, 16), _f32),
    )(hist)


def _g1_body(x_ref, dis_ref, w0_ref, g1_ref, xw0_ref):
    x = x_ref[...]
    g1_ref[0:N, :] = dis_ref[0:N, :] * x
    g1_ref[N:NPAD, :] = jnp.zeros((NPAD - N, D), _f32)
    xw0_ref[...] = jnp.dot(x, w0_ref[...], preferred_element_type=_f32)


def _tc_g1(x, dis, W0):
    return pl.pallas_call(
        _g1_body,
        out_shape=[jax.ShapeDtypeStruct((NPAD, D), _f32),
                   jax.ShapeDtypeStruct((N, D), _f32)],
    )(x, dis, W0)


def _mid_body(s1_ref, g1_ref, dis_ref, cc_ref, w1_ref, g2_ref, t1w1_ref):
    dis = dis_ref[...]
    t1 = -dis * (s1_ref[0] + s1_ref[1] - cc_ref[...] * g1_ref[...])
    g2_ref[...] = dis * t1
    t1w1_ref[...] = jnp.dot(t1[0:N, :], w1_ref[...],
                            preferred_element_type=_f32)


def _tc_mid(s1, g1, dis, cc, W1):
    return pl.pallas_call(
        _mid_body,
        out_shape=[jax.ShapeDtypeStruct((NPAD, D), _f32),
                   jax.ShapeDtypeStruct((N, D), _f32)],
    )(s1, g1, dis, cc, W1)


def _final_body(s2_ref, g2_ref, dis_ref, cc_ref, x_ref, xw0_ref, t1w1_ref,
                w2_ref, b_ref, out_ref):
    t2p = -2.0 * dis_ref[...] * (s2_ref[0] + s2_ref[1]
                                 - cc_ref[...] * g2_ref[...])
    t2 = t2p[0:N, :] - x_ref[...]
    out_ref[...] = (xw0_ref[...] + t1w1_ref[...]
                    + jnp.dot(t2, w2_ref[...], preferred_element_type=_f32)
                    + b_ref[...])


def _tc_final(s2, g2, dis, cc, x, xw0, t1w1, W2, b2d):
    return pl.pallas_call(
        _final_body,
        out_shape=jax.ShapeDtypeStruct((N, D), _f32),
    )(s2, g2, dis, cc, x, xw0, t1w1, W2, b2d)


def kernel(x, edge_index, W0, W1, W2, b):
    row2d = edge_index[0].reshape(NW, NCH, C)
    col2d = edge_index[1].reshape(NW, NCH, C)
    row2s = edge_index[0].reshape(NW, NCHS, CS)
    col2s = edge_index[1].reshape(NW, NCHS, CS)

    hist = _sc_hist(row2d, col2d)
    sp = _tc_scales(hist)
    dis = sp[0].reshape(NPADH, 1)
    cc = sp[1].reshape(NPADH, 1)

    g1, xw0 = _tc_g1(x, dis, W0)
    s1 = _sc_segsum(g1, row2s, col2s)
    g2, t1w1 = _tc_mid(s1, g1, dis, cc, W1)
    s2 = _sc_segsum(g2, row2s, col2s)
    return _tc_final(s2, g2, dis, cc, x, xw0, t1w1, W2, b.reshape(1, D))

# --- scband reference (transcript-rebuilt; emitter-appended) ---
"""Pipeline reference for scband-cheby-net-60601988547227 (READ-ONLY COPY).

The authoritative reference and input builder live on the scoring server;
editing this copy changes nothing except your own understanding.
"""

import jax, jax.numpy as jnp
import numpy as np

N_NODES = 10000
N_EDGES = 320000
D_FEAT = 128
UNITS = 128
K = 3


def setup_inputs(seed: int = 0) -> dict:
    key = jax.random.key(seed)
    ks = jax.random.split(key, 8)
    x = jax.random.normal(ks[0], (N_NODES, D_FEAT), dtype=jnp.float32)
    edge_index = jax.random.randint(ks[1], (2, N_EDGES), 0, N_NODES, dtype=jnp.int32)
    # glorot_uniform for [D_FEAT, UNITS] kernels
    lim = float(np.sqrt(6.0 / (D_FEAT + UNITS)))
    W0 = jax.random.uniform(ks[2], (D_FEAT, UNITS), minval=-lim, maxval=lim, dtype=jnp.float32)
    W1 = jax.random.uniform(ks[3], (D_FEAT, UNITS), minval=-lim, maxval=lim, dtype=jnp.float32)
    W2 = jax.random.uniform(ks[4], (D_FEAT, UNITS), minval=-lim, maxval=lim, dtype=jnp.float32)
    b = jnp.zeros((UNITS,), dtype=jnp.float32)
    return {"x": x, "edge_index": edge_index, "W0": W0, "W1": W1, "W2": W2, "b": b}


def reference(x, edge_index, W0, W1, W2, b):
    num_nodes = x.shape[0]
    row = edge_index[0]
    col = edge_index[1]
    # remove self-loops (equivalent: zero their weight before degree computation)
    ew = jnp.where(row == col, 0.0, 1.0).astype(x.dtype)
    deg = jax.ops.segment_sum(ew, row, num_segments=num_nodes)
    deg_inv_sqrt = jnp.where(deg > 0, 1.0 / jnp.sqrt(jnp.maximum(deg, 1e-12)), 0.0)
    # sym-normalized adjacency weights: D^-1/2 A D^-1/2
    w = deg_inv_sqrt[row] * ew * deg_inv_sqrt[col]
    # L = I - A_norm; rescaled L_hat = (2/lambda_max) * L - I with static lambda_max = 2.0
    lambda_max = 2.0
    scale = 2.0 / lambda_max
    edge_w = -w * scale  # off-diagonal part of L_hat
    self_w = scale - 1.0  # diagonal part of L_hat (== 0 when lambda_max == 2)

    def spmm(h):
        gathered = h[col] * edge_w[:, None]
        return jax.ops.segment_sum(gathered, row, num_segments=num_nodes) + self_w * h

    # Chebyshev recurrence T0 = x, T1 = L_hat x, Tk = 2 L_hat T_{k-1} - T_{k-2}
    T0 = x
    T1 = spmm(T0)
    T2 = 2.0 * spmm(T1) - T0
    out = T0 @ W0 + T1 @ W1 + T2 @ W2 + b
    # activation is None
    return out

if __name__ == "__main__":
    import jax
    _d = setup_inputs()
    print(jax.jit(kernel)(*tuple(_d.values())))

</pallas_src>

<mosaic_0001>
#map = affine_map<(d0, d1) -> (0, 0, 0)>
#map1 = affine_map<(d0, d1) -> (0, 0, 0, 0)>
module attributes {stable_mosaic.version = 14 : i64} {
  func.func @_hist_body(%arg0: i32, %arg1: i32, %arg2: memref<32x125x80xi32, #tpu.memory_space<hbm>>, %arg3: memref<32x125x80xi32, #tpu.memory_space<hbm>>, %arg4: memref<2x2x640x16xf32, #tpu.memory_space<hbm>>, %arg5: memref<125x80xi32, #tpu.memory_space<vmem>>, %arg6: memref<125x80xi32, #tpu.memory_space<vmem>>, %arg7: memref<640x16xf32, #tpu.memory_space<vmem>>, %arg8: memref<640x16xf32, #tpu.memory_space<vmem>>, %arg9: memref<5x128xi32, #tpu.memory_space<vmem>>, %arg10: memref<640x16xf32, #tpu.memory_space<vmem_shared>>, %arg11: memref<640x16xf32, #tpu.memory_space<vmem_shared>>, %arg12: memref<!tpu.dma_semaphore, #tpu.memory_space<semaphore_mem>>, %arg13: memref<!tpu.dma_semaphore, #tpu.memory_space<semaphore_mem>>) attributes {dimension_semantics = [#tpu.dimension_semantics<core_parallel>, #tpu.dimension_semantics<subcore_parallel>], iteration_bounds = array<i64: 2, 16>, scalar_prefetch = 0 : i64, scratch_operands = 9 : i64, tpu.core_type = #tpu.core_type<sc_vector_subcore>, window_params = [{transform_indices = #map}, {transform_indices = #map}, {transform_indices = #map1}]} {
    %mul3A = arith.constant 2 : i32
    %mul3A_0 = arith.muli %arg1, %mul3A : i32
    %add3A = arith.addi %mul3A_0, %arg0 : i32
    %dma_start3A = arith.constant 0 : i32
    %dma_start3A_1 = arith.constant 0 : i32
    %dma_start3A_2 = tpu.memref_slice %arg2[%add3A, %dma_start3A, %dma_start3A_1] : memref<32x125x80xi32, #tpu.memory_space<hbm>> -> memref<1x125x80xi32, #tpu.memory_space<hbm>>
    %dma_start3A_3 = tpu.memref_squeeze %dma_start3A_2 : memref<1x125x80xi32, #tpu.memory_space<hbm>> -> memref<125x80xi32, #tpu.memory_space<hbm>>
    %dma_start3A_4 = arith.constant 0 : i32
    %dma_start3A_5 = arith.constant 0 : i32
    %dma_start3A_6 = tpu.memref_slice %arg2[%add3A, %dma_start3A_4, %dma_start3A_5] : memref<32x125x80xi32, #tpu.memory_space<hbm>> -> memref<1x125x80xi32, #tpu.memory_space<hbm>>
    %dma_start3A_7 = tpu.memref_squeeze %dma_start3A_6 : memref<1x125x80xi32, #tpu.memory_space<hbm>> -> memref<125x80xi32, #tpu.memory_space<hbm>>
    tpu.enqueue_dma source(%dma_start3A_7 : memref<125x80xi32, #tpu.memory_space<hbm>>) target(%arg5 : memref<125x80xi32, #tpu.memory_space<vmem>>) target_semaphore(%arg12 : memref<!tpu.dma_semaphore, #tpu.memory_space<semaphore_mem>>)
    %dma_start3A_8 = arith.constant 0 : i32
    %dma_start3A_9 = arith.constant 0 : i32
    %dma_start3A_10 = tpu.memref_slice %arg3[%add3A, %dma_start3A_8, %dma_start3A_9] : memref<32x125x80xi32, #tpu.memory_space<hbm>> -> memref<1x125x80xi32, #tpu.memory_space<hbm>>
    %dma_start3A_11 = tpu.memref_squeeze %dma_start3A_10 : memref<1x125x80xi32, #tpu.memory_space<hbm>> -> memref<125x80xi32, #tpu.memory_space<hbm>>
    %dma_start3A_12 = arith.constant 0 : i32
    %dma_start3A_13 = arith.constant 0 : i32
    %dma_start3A_14 = tpu.memref_slice %arg3[%add3A, %dma_start3A_12, %dma_start3A_13] : memref<32x125x80xi32, #tpu.memory_space<hbm>> -> memref<1x125x80xi32, #tpu.memory_space<hbm>>
    %dma_start3A_15 = tpu.memref_squeeze %dma_start3A_14 : memref<1x125x80xi32, #tpu.memory_space<hbm>> -> memref<125x80xi32, #tpu.memory_space<hbm>>
    tpu.enqueue_dma source(%dma_start3A_15 : memref<125x80xi32, #tpu.memory_space<hbm>>) target(%arg6 : memref<125x80xi32, #tpu.memory_space<vmem>>) target_semaphore(%arg13 : memref<!tpu.dma_semaphore, #tpu.memory_space<semaphore_mem>>)
    %scan3A = arith.constant 0 : i32
    %scan3A_16 = arith.constant 640 : i32
    %scan3A_17 = arith.addi %scan3A, %scan3A_16 : i32
    %scan3A_18 = arith.constant 1 : i32
    scf.for %scan3A_69 = %scan3A to %scan3A_17 step %scan3A_18  : i32 {
      %mul3A_70 = arith.constant 1 : i32
      %mul3A_71 = arith.muli %scan3A_69, %mul3A_70 : i32
      %add3A_72 = arith.constant 0 : i32
      %add3A_73 = arith.addi %add3A_72, %mul3A_71 : i32
      %broadcast_in_dim3A_74 = arith.constant 0.000000e+00 : f32
      %broadcast_in_dim3A_75 = vector.broadcast %broadcast_in_dim3A_74 : f32 to vector<16xf32>
      %swap3A = arith.index_cast %add3A_73 : i32 to index
      %swap3A_76 = arith.constant 0 : index
      %swap3A_77 = tpu.vector_load %arg7[%swap3A, %swap3A_76] {strides = array<i32>} : memref<640x16xf32, #tpu.memory_space<vmem>>, vector<16xf32>,
      tpu.vector_store %arg7[%swap3A, %swap3A_76], %broadcast_in_dim3A_75 {strides = array<i32>} : memref<640x16xf32, #tpu.memory_space<vmem>>, vector<16xf32>,
      %broadcast_in_dim3A_78 = arith.constant 0.000000e+00 : f32
      %broadcast_in_dim3A_79 = vector.broadcast %broadcast_in_dim3A_78 : f32 to vector<16xf32>
      %swap3A_80 = arith.index_cast %add3A_73 : i32 to index
      %swap3A_81 = arith.constant 0 : index
      %swap3A_82 = tpu.vector_load %arg8[%swap3A_80, %swap3A_81] {strides = array<i32>} : memref<640x16xf32, #tpu.memory_space<vmem>>, vector<16xf32>,
      tpu.vector_store %arg8[%swap3A_80, %swap3A_81], %broadcast_in_dim3A_79 {strides = array<i32>} : memref<640x16xf32, #tpu.memory_space<vmem>>, vector<16xf32>,
    }
    %scan3A_19 = arith.constant 640 : i32
    %mul3A_20 = arith.constant 40 : i32
    %mul3A_21 = arith.muli %arg1, %mul3A_20 : i32
    %mul3A_22 = arith.constant 40 : i32
    %mul3A_23 = arith.muli %arg1, %mul3A_22 : i32
    "tpu.region"() ({
      %run_scoped3A_69 = tpu.sem_alloc : memref<!tpu.dma_semaphore, #tpu.memory_space<semaphore_mem>>
      %dma_start3A_70 = arith.constant 0 : i32
      %dma_start3A_71 = tpu.memref_slice %arg7[%mul3A_21, %dma_start3A_70] : memref<640x16xf32, #tpu.memory_space<vmem>> -> memref<40x16xf32, #tpu.memory_space<vmem>>
      %dma_start3A_72 = arith.constant 0 : i32
      %dma_start3A_73 = tpu.memref_slice %arg10[%mul3A_23, %dma_start3A_72] : memref<640x16xf32, #tpu.memory_space<vmem_shared>> -> memref<40x16xf32, #tpu.memory_space<vmem_shared>>
      %dma_start3A_74 = arith.constant 0 : i32
      %dma_start3A_75 = tpu.memref_slice %arg10[%mul3A_23, %dma_start3A_74] : memref<640x16xf32, #tpu.memory_space<vmem_shared>> -> memref<40x16xf32, #tpu.memory_space<vmem_shared>>
      %dma_start3A_76 = arith.constant 0 : i32
      %dma_start3A_77 = tpu.memref_slice %arg7[%mul3A_21, %dma_start3A_76] : memref<640x16xf32, #tpu.memory_space<vmem>> -> memref<40x16xf32, #tpu.memory_space<vmem>>
      tpu.enqueue_dma source(%dma_start3A_77 : memref<40x16xf32, #tpu.memory_space<vmem>>) target(%dma_start3A_75 : memref<40x16xf32, #tpu.memory_space<vmem_shared>>) target_semaphore(%run_scoped3A_69 : memref<!tpu.dma_semaphore, #tpu.memory_space<semaphore_mem>>)
      %dma_wait3A_78 = arith.constant 0 : i32
      %dma_wait3A_79 = tpu.memref_slice %arg7[%mul3A_21, %dma_wait3A_78] : memref<640x16xf32, #tpu.memory_space<vmem>> -> memref<40x16xf32, #tpu.memory_space<vmem>>
      %dma_wait3A_80 = arith.constant 0 : i32
      %dma_wait3A_81 = tpu.memref_slice %arg10[%mul3A_23, %dma_wait3A_80] : memref<640x16xf32, #tpu.memory_space<vmem_shared>> -> memref<40x16xf32, #tpu.memory_space<vmem_shared>>
      %dma_wait3A_82 = arith.constant 0 : i32
      %dma_wait3A_83 = tpu.memref_slice %arg10[%mul3A_23, %dma_wait3A_82] : memref<640x16xf32, #tpu.memory_space<vmem_shared>> -> memref<40x16xf32, #tpu.memory_space<vmem_shared>>
      %dma_wait3A_84 = arith.constant 0 : i32
      %dma_wait3A_85 = tpu.memref_slice %arg7[%mul3A_21, %dma_wait3A_84] : memref<640x16xf32, #tpu.memory_space<vmem>> -> memref<40x16xf32, #tpu.memory_space<vmem>>
      tpu.wait_dma2 semaphore(%run_scoped3A_69 : memref<!tpu.dma_semaphore, #tpu.memory_space<semaphore_mem>>) src(%dma_wait3A_85 : memref<40x16xf32, #tpu.memory_space<vmem>>) dst(%dma_wait3A_83 : memref<40x16xf32, #tpu.memory_space<vmem_shared>>)
      tpu.yield
    }) : () -> ()
    %mul3A_24 = arith.constant 40 : i32
    %mul3A_25 = arith.muli %arg1, %mul3A_24 : i32
    %mul3A_26 = arith.constant 40 : i32
    %mul3A_27 = arith.muli %arg1, %mul3A_26 : i32
    "tpu.region"() ({
      %run_scoped3A_69 = tpu.sem_alloc : memref<!tpu.dma_semaphore, #tpu.memory_space<semaphore_mem>>
      %dma_start3A_70 = arith.constant 0 : i32
      %dma_start3A_71 = tpu.memref_slice %arg8[%mul3A_25, %dma_start3A_70] : memref<640x16xf32, #tpu.memory_space<vmem>> -> memref<40x16xf32, #tpu.memory_space<vmem>>
      %dma_start3A_72 = arith.constant 0 : i32
      %dma_start3A_73 = tpu.memref_slice %arg11[%mul3A_27, %dma_start3A_72] : memref<640x16xf32, #tpu.memory_space<vmem_shared>> -> memref<40x16xf32, #tpu.memory_space<vmem_shared>>
      %dma_start3A_74 = arith.constant 0 : i32
      %dma_start3A_75 = tpu.memref_slice %arg11[%mul3A_27, %dma_start3A_74] : memref<640x16xf32, #tpu.memory_space<vmem_shared>> -> memref<40x16xf32, #tpu.memory_space<vmem_shared>>
      %dma_start3A_76 = arith.constant 0 : i32
      %dma_start3A_77 = tpu.memref_slice %arg8[%mul3A_25, %dma_start3A_76] : memref<640x16xf32, #tpu.memory_space<vmem>> -> memref<40x16xf32, #tpu.memory_space<vmem>>
      tpu.enqueue_dma source(%dma_start3A_77 : memref<40x16xf32, #tpu.memory_space<vmem>>) target(%dma_start3A_75 : memref<40x16xf32, #tpu.memory_space<vmem_shared>>) target_semaphore(%run_scoped3A_69 : memref<!tpu.dma_semaphore, #tpu.memory_space<semaphore_mem>>)
      %dma_wait3A_78 = arith.constant 0 : i32
      %dma_wait3A_79 = tpu.memref_slice %arg8[%mul3A_25, %dma_wait3A_78] : memref<640x16xf32, #tpu.memory_space<vmem>> -> memref<40x16xf32, #tpu.memory_space<vmem>>
      %dma_wait3A_80 = arith.constant 0 : i32
      %dma_wait3A_81 = tpu.memref_slice %arg11[%mul3A_27, %dma_wait3A_80] : memref<640x16xf32, #tpu.memory_space<vmem_shared>> -> memref<40x16xf32, #tpu.memory_space<vmem_shared>>
      %dma_wait3A_82 = arith.constant 0 : i32
      %dma_wait3A_83 = tpu.memref_slice %arg11[%mul3A_27, %dma_wait3A_82] : memref<640x16xf32, #tpu.memory_space<vmem_shared>> -> memref<40x16xf32, #tpu.memory_space<vmem_shared>>
      %dma_wait3A_84 = arith.constant 0 : i32
      %dma_wait3A_85 = tpu.memref_slice %arg8[%mul3A_25, %dma_wait3A_84] : memref<640x16xf32, #tpu.memory_space<vmem>> -> memref<40x16xf32, #tpu.memory_space<vmem>>
      tpu.wait_dma2 semaphore(%run_scoped3A_69 : memref<!tpu.dma_semaphore, #tpu.memory_space<semaphore_mem>>) src(%dma_wait3A_85 : memref<40x16xf32, #tpu.memory_space<vmem>>) dst(%dma_wait3A_83 : memref<40x16xf32, #tpu.memory_space<vmem_shared>>)
      tpu.yield
    }) : () -> ()
    %scan3A_28 = arith.constant 0 : i32
    %scan3A_29 = arith.constant 5 : i32
    %scan3A_30 = arith.addi %scan3A_28, %scan3A_29 : i32
    %scan3A_31 = arith.constant 1 : i32
    scf.for %scan3A_69 = %scan3A_28 to %scan3A_30 step %scan3A_31  : i32 {
      %mul3A_70 = arith.constant 1 : i32
      %mul3A_71 = arith.muli %scan3A_69, %mul3A_70 : i32
      %add3A_72 = arith.constant 0 : i32
      %add3A_73 = arith.addi %add3A_72, %mul3A_71 : i32
      %scan3A_74 = arith.constant 0 : i32
      %scan3A_75 = arith.constant 8 : i32
      %scan3A_76 = arith.addi %scan3A_74, %scan3A_75 : i32
      %scan3A_77 = arith.constant 1 : i32
      scf.for %scan3A_79 = %scan3A_74 to %scan3A_76 step %scan3A_77  : i32 {
        %mul3A_80 = arith.constant 1 : i32
        %mul3A_81 = arith.muli %scan3A_79, %mul3A_80 : i32
        %add3A_82 = arith.constant 0 : i32
        %add3A_83 = arith.addi %add3A_82, %mul3A_81 : i32
        %iota3A = tpu.iota {dimensions = array<i32: 0>} : vector<16xi32>
        %mul3A_84 = arith.constant 128 : i32
        %mul3A_85 = arith.muli %add3A_73, %mul3A_84 : i32
        %add3A_86 = vector.broadcast %mul3A_85 : i32 to vector<16xi32>
        %add3A_87 = arith.addi %iota3A, %add3A_86 : vector<16xi32>
        %mul3A_88 = arith.constant 16 : i32
        %mul3A_89 = arith.muli %add3A_83, %mul3A_88 : i32
        %add3A_90 = vector.broadcast %mul3A_89 : i32 to vector<16xi32>
        %add3A_91 = arith.addi %add3A_87, %add3A_90 : vector<16xi32>
        %mul3A_92 = arith.constant 16 : i32
        %mul3A_93 = arith.muli %add3A_83, %mul3A_92 : i32
        %swap3A = arith.index_cast %add3A_73 : i32 to index
        %swap3A_94 = arith.index_cast %mul3A_93 : i32 to index
        %swap3A_95 = tpu.vector_load %arg9[%swap3A, %swap3A_94] {strides = array<i32>} : memref<5x128xi32, #tpu.memory_space<vmem>>, vector<16xi32>,
        tpu.vector_store %arg9[%swap3A, %swap3A_94], %add3A_91 {strides = array<i32>} : memref<5x128xi32, #tpu.memory_space<vmem>>, vector<16xi32>,
      }
      %scan3A_78 = arith.constant 8 : i32
    }
    %scan3A_32 = arith.constant 5 : i32
    %broadcast_in_dim3A = arith.constant 1.000000e+00 : f32
    %broadcast_in_dim3A_33 = vector.broadcast %broadcast_in_dim3A : f32 to vector<16xf32>
    %dma_wait3A = arith.constant 0 : i32
    %dma_wait3A_34 = arith.constant 0 : i32
    %dma_wait3A_35 = tpu.memref_slice %arg2[%add3A, %dma_wait3A, %dma_wait3A_34] : memref<32x125x80xi32, #tpu.memory_space<hbm>> -> memref<1x125x80xi32, #tpu.memory_space<hbm>>
    %dma_wait3A_36 = tpu.memref_squeeze %dma_wait3A_35 : memref<1x125x80xi32, #tpu.memory_space<hbm>> -> memref<125x80xi32, #tpu.memory_space<hbm>>
    %dma_wait3A_37 = arith.constant 0 : i32
    %dma_wait3A_38 = arith.constant 0 : i32
    %dma_wait3A_39 = tpu.memref_slice %arg2[%add3A, %dma_wait3A_37, %dma_wait3A_38] : memref<32x125x80xi32, #tpu.memory_space<hbm>> -> memref<1x125x80xi32, #tpu.memory_space<hbm>>
    %dma_wait3A_40 = tpu.memref_squeeze %dma_wait3A_39 : memref<1x125x80xi32, #tpu.memory_space<hbm>> -> memref<125x80xi32, #tpu.memory_space<hbm>>
    tpu.wait_dma2 semaphore(%arg12 : memref<!tpu.dma_semaphore, #tpu.memory_space<semaphore_mem>>) src(%dma_wait3A_40 : memref<125x80xi32, #tpu.memory_space<hbm>>) dst(%arg5 : memref<125x80xi32, #tpu.memory_space<vmem>>)
    %dma_wait3A_41 = arith.constant 0 : i32
    %dma_wait3A_42 = arith.constant 0 : i32
    %dma_wait3A_43 = tpu.memref_slice %arg3[%add3A, %dma_wait3A_41, %dma_wait3A_42] : memref<32x125x80xi32, #tpu.memory_space<hbm>> -> memref<1x125x80xi32, #tpu.memory_space<hbm>>
    %dma_wait3A_44 = tpu.memref_squeeze %dma_wait3A_43 : memref<1x125x80xi32, #tpu.memory_space<hbm>> -> memref<125x80xi32, #tpu.memory_space<hbm>>
    %dma_wait3A_45 = arith.constant 0 : i32
    %dma_wait3A_46 = arith.constant 0 : i32
    %dma_wait3A_47 = tpu.memref_slice %arg3[%add3A, %dma_wait3A_45, %dma_wait3A_46] : memref<32x125x80xi32, #tpu.memory_space<hbm>> -> memref<1x125x80xi32, #tpu.memory_space<hbm>>
    %dma_wait3A_48 = tpu.memref_squeeze %dma_wait3A_47 : memref<1x125x80xi32, #tpu.memory_space<hbm>> -> memref<125x80xi32, #tpu.memory_space<hbm>>
    tpu.wait_dma2 semaphore(%arg13 : memref<!tpu.dma_semaphore, #tpu.memory_space<semaphore_mem>>) src(%dma_wait3A_48 : memref<125x80xi32, #tpu.memory_space<hbm>>) dst(%arg6 : memref<125x80xi32, #tpu.memory_space<vmem>>)
    %scan3A_49 = arith.constant 0 : i32
    %scan3A_50 = arith.constant 125 : i32
    %scan3A_51 = arith.addi %scan3A_49, %scan3A_50 : i32
    %scan3A_52 = arith.constant 1 : i32
    scf.for %scan3A_69 = %scan3A_49 to %scan3A_51 step %scan3A_52  : i32 {
      %mul3A_70 = arith.constant 1 : i32
      %mul3A_71 = arith.muli %scan3A_69, %mul3A_70 : i32
      %add3A_72 = arith.constant 0 : i32
      %add3A_73 = arith.addi %add3A_72, %mul3A_71 : i32
      %scan3A_74 = arith.constant 0 : i32
      %scan3A_75 = arith.constant 5 : i32
      %scan3A_76 = arith.addi %scan3A_74, %scan3A_75 : i32
      %scan3A_77 = arith.constant 1 : i32
      scf.for %scan3A_79 = %scan3A_74 to %scan3A_76 step %scan3A_77  : i32 {
        %mul3A_80 = arith.constant 1 : i32
        %mul3A_81 = arith.muli %scan3A_79, %mul3A_80 : i32
        %add3A_82 = arith.constant 0 : i32
        %add3A_83 = arith.addi %add3A_82, %mul3A_81 : i32
        %mul3A_84 = arith.constant 16 : i32
        %mul3A_85 = arith.muli %add3A_83, %mul3A_84 : i32
        %get3A = arith.index_cast %add3A_73 : i32 to index
        %get3A_86 = arith.index_cast %mul3A_85 : i32 to index
        %get3A_87 = tpu.vector_load %arg5[%get3A, %get3A_86] {strides = array<i32>} : memref<125x80xi32, #tpu.memory_space<vmem>>, vector<16xi32>,
        %mul3A_88 = arith.constant 16 : i32
        %mul3A_89 = arith.muli %add3A_83, %mul3A_88 : i32
        %get3A_90 = arith.index_cast %add3A_73 : i32 to index
        %get3A_91 = arith.index_cast %mul3A_89 : i32 to index
        %get3A_92 = tpu.vector_load %arg6[%get3A_90, %get3A_91] {strides = array<i32>} : memref<125x80xi32, #tpu.memory_space<vmem>>, vector<16xi32>,
        %ne3A = arith.cmpi ne, %get3A_87, %get3A_92 : vector<16xi32>
        %shift_right_logical3A = arith.constant 4 : i32
        %shift_right_logical3A_93 = vector.broadcast %shift_right_logical3A : i32 to vector<16xi32>
        %shift_right_logical3A_94 = arith.shrui %get3A_87, %shift_right_logical3A_93 : vector<16xi32>
        %and3A = arith.constant 15 : i32
        %and3A_95 = vector.broadcast %and3A : i32 to vector<16xi32>
        %and3A_96 = arith.andi %get3A_87, %and3A_95 : vector<16xi32>
        tpu.vector_store_idx %arg7[%shift_right_logical3A_94, %and3A_96], %broadcast_in_dim3A_33 masked %ne3A {add = true} : memref<640x16xf32, #tpu.memory_space<vmem>>[vector<16xi32>, vector<16xi32>], vector<16xf32>, vector<16xi1>
        %not3A = arith.constant dense<true> : vector<16xi1>
        %not3A_97 = arith.xori %ne3A, %not3A : vector<16xi1>
        tpu.vector_store_idx %arg8[%shift_right_logical3A_94, %and3A_96], %broadcast_in_dim3A_33 masked %not3A_97 {add = true} : memref<640x16xf32, #tpu.memory_space<vmem>>[vector<16xi32>, vector<16xi32>], vector<16xf32>, vector<16xi1>
      }
      %scan3A_78 = arith.constant 5 : i32
    }
    %scan3A_53 = arith.constant 125 : i32
    %barrier3A = arith.constant 0 : index
    tpu.barrier barrier_id(%barrier3A)
    %scan3A_54 = arith.constant 0 : i32
    %scan3A_55 = arith.constant 5 : i32
    %scan3A_56 = arith.addi %scan3A_54, %scan3A_55 : i32
    %scan3A_57 = arith.constant 1 : i32
    scf.for %scan3A_69 = %scan3A_54 to %scan3A_56 step %scan3A_57  : i32 {
      %mul3A_70 = arith.constant 1 : i32
      %mul3A_71 = arith.muli %scan3A_69, %mul3A_70 : i32
      %add3A_72 = arith.constant 0 : i32
      %add3A_73 = arith.addi %add3A_72, %mul3A_71 : i32
      %mul3A_74 = arith.constant 128 : i32
      %mul3A_75 = arith.muli %add3A_73, %mul3A_74 : i32
      "tpu.region"() ({
        %run_scoped3A_78 = tpu.sem_alloc : memref<!tpu.dma_semaphore, #tpu.memory_space<semaphore_mem>>
        %dma_start3A_79 = arith.constant 0 : i32
        %dma_start3A_80 = tpu.memref_slice %arg7[%mul3A_75, %dma_start3A_79] : memref<640x16xf32, #tpu.memory_space<vmem>> -> memref<128x16xf32, #tpu.memory_space<vmem>>
        %dma_start3A_81 = arith.constant 0 : i32
        %dma_start3A_82 = tpu.memref_slice %arg9[%add3A_73, %dma_start3A_81] : memref<5x128xi32, #tpu.memory_space<vmem>> -> memref<1x128xi32, #tpu.memory_space<vmem>>
        %dma_start3A_83 = tpu.memref_squeeze %dma_start3A_82 : memref<1x128xi32, #tpu.memory_space<vmem>> -> memref<128xi32, #tpu.memory_space<vmem>>
        %dma_start3A_84 = arith.constant 0 : i32
        %dma_start3A_85 = arith.constant 0 : i32
        %dma_start3A_86 = tpu.memref_slice %arg10[%dma_start3A_84, %dma_start3A_85] : memref<640x16xf32, #tpu.memory_space<vmem_shared>> -> memref<640x16xf32, #tpu.memory_space<vmem_shared>>
        tpu.enqueue_indirect_dma source(%dma_start3A_80 : memref<128x16xf32, #tpu.memory_space<vmem>>) target(%dma_start3A_86 : memref<640x16xf32, #tpu.memory_space<vmem_shared>>) offsets(%dma_start3A_83 : memref<128xi32, #tpu.memory_space<vmem>>) semaphore(%run_scoped3A_78 : memref<!tpu.dma_semaphore, #tpu.memory_space<semaphore_mem>>) {add = true}
        %dma_wait3A_87 = arith.constant 0 : i32
        %dma_wait3A_88 = tpu.memref_slice %arg7[%mul3A_75, %dma_wait3A_87] : memref<640x16xf32, #tpu.memory_space<vmem>> -> memref<128x16xf32, #tpu.memory_space<vmem>>
        %dma_wait3A_89 = arith.constant 0 : i32
        %dma_wait3A_90 = tpu.memref_slice %arg9[%add3A_73, %dma_wait3A_89] : memref<5x128xi32, #tpu.memory_space<vmem>> -> memref<1x128xi32, #tpu.memory_space<vmem>>
        %dma_wait3A_91 = tpu.memref_squeeze %dma_wait3A_90 : memref<1x128xi32, #tpu.memory_space<vmem>> -> memref<128xi32, #tpu.memory_space<vmem>>
        %dma_wait3A_92 = arith.constant 0 : i32
        %dma_wait3A_93 = arith.constant 0 : i32
        %dma_wait3A_94 = tpu.memref_slice %arg10[%dma_wait3A_92, %dma_wait3A_93] : memref<640x16xf32, #tpu.memory_space<vmem_shared>> -> memref<640x16xf32, #tpu.memory_space<vmem_shared>>
        tpu.wait_indirect_dma semaphore(%run_scoped3A_78 : memref<!tpu.dma_semaphore, #tpu.memory_space<semaphore_mem>>) src(%dma_wait3A_88 : memref<128x16xf32, #tpu.memory_space<vmem>>) dst(%dma_wait3A_94 : memref<640x16xf32, #tpu.memory_space<vmem_shared>>)
        tpu.yield
      }) : () -> ()
      %mul3A_76 = arith.constant 128 : i32
      %mul3A_77 = arith.muli %add3A_73, %mul3A_76 : i32
      "tpu.region"() ({
        %run_scoped3A_78 = tpu.sem_alloc : memref<!tpu.dma_semaphore, #tpu.memory_space<semaphore_mem>>
        %dma_start3A_79 = arith.constant 0 : i32
        %dma_start3A_80 = tpu.memref_slice %arg8[%mul3A_77, %dma_start3A_79] : memref<640x16xf32, #tpu.memory_space<vmem>> -> memref<128x16xf32, #tpu.memory_space<vmem>>
        %dma_start3A_81 = arith.constant 0 : i32
        %dma_start3A_82 = tpu.memref_slice %arg9[%add3A_73, %dma_start3A_81] : memref<5x128xi32, #tpu.memory_space<vmem>> -> memref<1x128xi32, #tpu.memory_space<vmem>>
        %dma_start3A_83 = tpu.memref_squeeze %dma_start3A_82 : memref<1x128xi32, #tpu.memory_space<vmem>> -> memref<128xi32, #tpu.memory_space<vmem>>
        %dma_start3A_84 = arith.constant 0 : i32
        %dma_start3A_85 = arith.constant 0 : i32
        %dma_start3A_86 = tpu.memref_slice %arg11[%dma_start3A_84, %dma_start3A_85] : memref<640x16xf32, #tpu.memory_space<vmem_shared>> -> memref<640x16xf32, #tpu.memory_space<vmem_shared>>
        tpu.enqueue_indirect_dma source(%dma_start3A_80 : memref<128x16xf32, #tpu.memory_space<vmem>>) target(%dma_start3A_86 : memref<640x16xf32, #tpu.memory_space<vmem_shared>>) offsets(%dma_start3A_83 : memref<128xi32, #tpu.memory_space<vmem>>) semaphore(%run_scoped3A_78 : memref<!tpu.dma_semaphore, #tpu.memory_space<semaphore_mem>>) {add = true}
        %dma_wait3A_87 = arith.constant 0 : i32
        %dma_wait3A_88 = tpu.memref_slice %arg8[%mul3A_77, %dma_wait3A_87] : memref<640x16xf32, #tpu.memory_space<vmem>> -> memref<128x16xf32, #tpu.memory_space<vmem>>
        %dma_wait3A_89 = arith.constant 0 : i32
        %dma_wait3A_90 = tpu.memref_slice %arg9[%add3A_73, %dma_wait3A_89] : memref<5x128xi32, #tpu.memory_space<vmem>> -> memref<1x128xi32, #tpu.memory_space<vmem>>
        %dma_wait3A_91 = tpu.memref_squeeze %dma_wait3A_90 : memref<1x128xi32, #tpu.memory_space<vmem>> -> memref<128xi32, #tpu.memory_space<vmem>>
        %dma_wait3A_92 = arith.constant 0 : i32
        %dma_wait3A_93 = arith.constant 0 : i32
        %dma_wait3A_94 = tpu.memref_slice %arg11[%dma_wait3A_92, %dma_wait3A_93] : memref<640x16xf32, #tpu.memory_space<vmem_shared>> -> memref<640x16xf32, #tpu.memory_space<vmem_shared>>
        tpu.wait_indirect_dma semaphore(%run_scoped3A_78 : memref<!tpu.dma_semaphore, #tpu.memory_space<semaphore_mem>>) src(%dma_wait3A_88 : memref<128x16xf32, #tpu.memory_space<vmem>>) dst(%dma_wait3A_94 : memref<640x16xf32, #tpu.memory_space<vmem_shared>>)
        tpu.yield
      }) : () -> ()
    }
    %scan3A_58 = arith.constant 5 : i32
    %barrier3A_59 = arith.constant 0 : index
    tpu.barrier barrier_id(%barrier3A_59)
    %mul3A_60 = arith.constant 40 : i32
    %mul3A_61 = arith.muli %arg1, %mul3A_60 : i32
    %mul3A_62 = arith.constant 40 : i32
    %mul3A_63 = arith.muli %arg1, %mul3A_62 : i32
    %run_scoped3A = arith.constant 0 : i32
    "tpu.region"() ({
      %run_scoped3A_69 = tpu.sem_alloc : memref<!tpu.dma_semaphore, #tpu.memory_space<semaphore_mem>>
      %dma_start3A_70 = arith.constant 0 : i32
      %dma_start3A_71 = tpu.memref_slice %arg4[%arg0, %run_scoped3A, %mul3A_63, %dma_start3A_70] : memref<2x2x640x16xf32, #tpu.memory_space<hbm>> -> memref<1x1x40x16xf32, #tpu.memory_space<hbm>>
      %dma_start3A_72 = tpu.memref_squeeze %dma_start3A_71 : memref<1x1x40x16xf32, #tpu.memory_space<hbm>> -> memref<40x16xf32, #tpu.memory_space<hbm>>
      %dma_start3A_73 = arith.constant 0 : i32
      %dma_start3A_74 = tpu.memref_slice %arg10[%mul3A_61, %dma_start3A_73] : memref<640x16xf32, #tpu.memory_space<vmem_shared>> -> memref<40x16xf32, #tpu.memory_space<vmem_shared>>
      tpu.enqueue_dma source(%dma_start3A_74 : memref<40x16xf32, #tpu.memory_space<vmem_shared>>) target(%dma_start3A_72 : memref<40x16xf32, #tpu.memory_space<hbm>>) target_semaphore(%run_scoped3A_69 : memref<!tpu.dma_semaphore, #tpu.memory_space<semaphore_mem>>)
      %dma_wait3A_75 = arith.constant 0 : i32
      %dma_wait3A_76 = tpu.memref_slice %arg4[%arg0, %run_scoped3A, %mul3A_63, %dma_wait3A_75] : memref<2x2x640x16xf32, #tpu.memory_space<hbm>> -> memref<1x1x40x16xf32, #tpu.memory_space<hbm>>
      %dma_wait3A_77 = tpu.memref_squeeze %dma_wait3A_76 : memref<1x1x40x16xf32, #tpu.memory_space<hbm>> -> memref<40x16xf32, #tpu.memory_space<hbm>>
      %dma_wait3A_78 = arith.constant 0 : i32
      %dma_wait3A_79 = tpu.memref_slice %arg10[%mul3A_61, %dma_wait3A_78] : memref<640x16xf32, #tpu.memory_space<vmem_shared>> -> memref<40x16xf32, #tpu.memory_space<vmem_shared>>
      tpu.wait_dma2 semaphore(%run_scoped3A_69 : memref<!tpu.dma_semaphore, #tpu.memory_space<semaphore_mem>>) src(%dma_wait3A_79 : memref<40x16xf32, #tpu.memory_space<vmem_shared>>) dst(%dma_wait3A_77 : memref<40x16xf32, #tpu.memory_space<hbm>>)
      tpu.yield
    }) : () -> ()
    %mul3A_64 = arith.constant 40 : i32
    %mul3A_65 = arith.muli %arg1, %mul3A_64 : i32
    %mul3A_66 = arith.constant 40 : i32
    %mul3A_67 = arith.muli %arg1, %mul3A_66 : i32
    %run_scoped3A_68 = arith.constant 1 : i32
    "tpu.region"() ({
      %run_scoped3A_69 = tpu.sem_alloc : memref<!tpu.dma_semaphore, #tpu.memory_space<semaphore_mem>>
      %dma_start3A_70 = arith.constant 0 : i32
      %dma_start3A_71 = tpu.memref_slice %arg4[%arg0, %run_scoped3A_68, %mul3A_67, %dma_start3A_70] : memref<2x2x640x16xf32, #tpu.memory_space<hbm>> -> memref<1x1x40x16xf32, #tpu.memory_space<hbm>>
      %dma_start3A_72 = tpu.memref_squeeze %dma_start3A_71 : memref<1x1x40x16xf32, #tpu.memory_space<hbm>> -> memref<40x16xf32, #tpu.memory_space<hbm>>
      %dma_start3A_73 = arith.constant 0 : i32
      %dma_start3A_74 = tpu.memref_slice %arg11[%mul3A_65, %dma_start3A_73] : memref<640x16xf32, #tpu.memory_space<vmem_shared>> -> memref<40x16xf32, #tpu.memory_space<vmem_shared>>
      tpu.enqueue_dma source(%dma_start3A_74 : memref<40x16xf32, #tpu.memory_space<vmem_shared>>) target(%dma_start3A_72 : memref<40x16xf32, #tpu.memory_space<hbm>>) target_semaphore(%run_scoped3A_69 : memref<!tpu.dma_semaphore, #tpu.memory_space<semaphore_mem>>)
      %dma_wait3A_75 = arith.constant 0 : i32
      %dma_wait3A_76 = tpu.memref_slice %arg4[%arg0, %run_scoped3A_68, %mul3A_67, %dma_wait3A_75] : memref<2x2x640x16xf32, #tpu.memory_space<hbm>> -> memref<1x1x40x16xf32, #tpu.memory_space<hbm>>
      %dma_wait3A_77 = tpu.memref_squeeze %dma_wait3A_76 : memref<1x1x40x16xf32, #tpu.memory_space<hbm>> -> memref<40x16xf32, #tpu.memory_space<hbm>>
      %dma_wait3A_78 = arith.constant 0 : i32
      %dma_wait3A_79 = tpu.memref_slice %arg11[%mul3A_65, %dma_wait3A_78] : memref<640x16xf32, #tpu.memory_space<vmem_shared>> -> memref<40x16xf32, #tpu.memory_space<vmem_shared>>
      tpu.wait_dma2 semaphore(%run_scoped3A_69 : memref<!tpu.dma_semaphore, #tpu.memory_space<semaphore_mem>>) src(%dma_wait3A_79 : memref<40x16xf32, #tpu.memory_space<vmem_shared>>) dst(%dma_wait3A_77 : memref<40x16xf32, #tpu.memory_space<hbm>>)
      tpu.yield
    }) : () -> ()
    return
  }
}

#map = affine_map<(d0, d1) -> (0, 0)>
#map1 = affine_map<(d0, d1) -> (0, 0, 0)>
module attributes {stable_mosaic.version = 14 : i64} {
  func.func @_segsum_body(%arg0: i32, %arg1: i32, %arg2: memref<10240x128xf32, #tpu.memory_space<hbm>>, %arg3: memref<32x250x40xi32, #tpu.memory_space<hbm>>, %arg4: memref<32x250x40xi32, #tpu.memory_space<hbm>>, %arg5: memref<2x10240x128xf32, #tpu.memory_space<hbm>>, %arg6: memref<250x40xi32, #tpu.memory_space<vmem>>, %arg7: memref<250x40xi32, #tpu.memory_space<vmem>>, %arg8: memref<40x128xf32, #tpu.memory_space<vmem>>, %arg9: memref<40x128xf32, #tpu.memory_space<vmem>>, %arg10: memref<40x128xf32, #tpu.memory_space<vmem>>, %arg11: memref<40x128xf32, #tpu.memory_space<vmem>>, %arg12: memref<40x128xf32, #tpu.memory_space<vmem>>, %arg13: memref<10240x128xf32, #tpu.memory_space<vmem_shared>>, %arg14: memref<!tpu.dma_semaphore, #tpu.memory_space<semaphore_mem>>, %arg15: memref<!tpu.dma_semaphore, #tpu.memory_space<semaphore_mem>>, %arg16: memref<!tpu.dma_semaphore, #tpu.memory_space<semaphore_mem>>, %arg17: memref<!tpu.dma_semaphore, #tpu.memory_space<semaphore_mem>>, %arg18: memref<!tpu.dma_semaphore, #tpu.memory_space<semaphore_mem>>, %arg19: memref<!tpu.dma_semaphore, #tpu.memory_space<semaphore_mem>>, %arg20: memref<!tpu.dma_semaphore, #tpu.memory_space<semaphore_mem>>, %arg21: memref<!tpu.dma_semaphore, #tpu.memory_space<semaphore_mem>>, %arg22: memref<!tpu.dma_semaphore, #tpu.memory_space<semaphore_mem>>, %arg23: memref<!tpu.dma_semaphore, #tpu.memory_space<semaphore_mem>>) attributes {dimension_semantics = [#tpu.dimension_semantics<core_parallel>, #tpu.dimension_semantics<subcore_parallel>], iteration_bounds = array<i64: 2, 16>, scalar_prefetch = 0 : i64, scratch_operands = 18 : i64, tpu.core_type = #tpu.core_type<sc_vector_subcore>, window_params = [{transform_indices = #map}, {transform_indices = #map1}, {transform_indices = #map1}, {transform_indices = #map1}]} {
    %mul3A = arith.constant 2 : i32
    %mul3A_0 = arith.muli %arg1, %mul3A : i32
    %add3A = arith.addi %mul3A_0, %arg0 : i32
    %dma_start3A = arith.constant 0 : i32
    %dma_start3A_1 = arith.constant 0 : i32
    %dma_start3A_2 = tpu.memref_slice %arg3[%add3A, %dma_start3A, %dma_start3A_1] : memref<32x250x40xi32, #tpu.memory_space<hbm>> -> memref<1x250x40xi32, #tpu.memory_space<hbm>>
    %dma_start3A_3 = tpu.memref_squeeze %dma_start3A_2 : memref<1x250x40xi32, #tpu.memory_space<hbm>> -> memref<250x40xi32, #tpu.memory_space<hbm>>
    %dma_start3A_4 = arith.constant 0 : i32
    %dma_start3A_5 = arith.constant 0 : i32
    %dma_start3A_6 = tpu.memref_slice %arg3[%add3A, %dma_start3A_4, %dma_start3A_5] : memref<32x250x40xi32, #tpu.memory_space<hbm>> -> memref<1x250x40xi32, #tpu.memory_space<hbm>>
    %dma_start3A_7 = tpu.memref_squeeze %dma_start3A_6 : memref<1x250x40xi32, #tpu.memory_space<hbm>> -> memref<250x40xi32, #tpu.memory_space<hbm>>
    tpu.enqueue_dma source(%dma_start3A_7 : memref<250x40xi32, #tpu.memory_space<hbm>>) target(%arg6 : memref<250x40xi32, #tpu.memory_space<vmem>>) target_semaphore(%arg19 : memref<!tpu.dma_semaphore, #tpu.memory_space<semaphore_mem>>)
    %dma_start3A_8 = arith.constant 0 : i32
    %dma_start3A_9 = arith.constant 0 : i32
    %dma_start3A_10 = tpu.memref_slice %arg4[%add3A, %dma_start3A_8, %dma_start3A_9] : memref<32x250x40xi32, #tpu.memory_space<hbm>> -> memref<1x250x40xi32, #tpu.memory_space<hbm>>
    %dma_start3A_11 = tpu.memref_squeeze %dma_start3A_10 : memref<1x250x40xi32, #tpu.memory_space<hbm>> -> memref<250x40xi32, #tpu.memory_space<hbm>>
    %dma_start3A_12 = arith.constant 0 : i32
    %dma_start3A_13 = arith.constant 0 : i32
    %dma_start3A_14 = tpu.memref_slice %arg4[%add3A, %dma_start3A_12, %dma_start3A_13] : memref<32x250x40xi32, #tpu.memory_space<hbm>> -> memref<1x250x40xi32, #tpu.memory_space<hbm>>
    %dma_start3A_15 = tpu.memref_squeeze %dma_start3A_14 : memref<1x250x40xi32, #tpu.memory_space<hbm>> -> memref<250x40xi32, #tpu.memory_space<hbm>>
    tpu.enqueue_dma source(%dma_start3A_15 : memref<250x40xi32, #tpu.memory_space<hbm>>) target(%arg7 : memref<250x40xi32, #tpu.memory_space<vmem>>) target_semaphore(%arg14 : memref<!tpu.dma_semaphore, #tpu.memory_space<semaphore_mem>>)
    %dma_wait3A = arith.constant 0 : i32
    %dma_wait3A_16 = arith.constant 0 : i32
    %dma_wait3A_17 = tpu.memref_slice %arg4[%add3A, %dma_wait3A, %dma_wait3A_16] : memref<32x250x40xi32, #tpu.memory_space<hbm>> -> memref<1x250x40xi32, #tpu.memory_space<hbm>>
    %dma_wait3A_18 = tpu.memref_squeeze %dma_wait3A_17 : memref<1x250x40xi32, #tpu.memory_space<hbm>> -> memref<250x40xi32, #tpu.memory_space<hbm>>
    %dma_wait3A_19 = arith.constant 0 : i32
    %dma_wait3A_20 = arith.constant 0 : i32
    %dma_wait3A_21 = tpu.memref_slice %arg4[%add3A, %dma_wait3A_19, %dma_wait3A_20] : memref<32x250x40xi32, #tpu.memory_space<hbm>> -> memref<1x250x40xi32, #tpu.memory_space<hbm>>
    %dma_wait3A_22 = tpu.memref_squeeze %dma_wait3A_21 : memref<1x250x40xi32, #tpu.memory_space<hbm>> -> memref<250x40xi32, #tpu.memory_space<hbm>>
    tpu.wait_dma2 semaphore(%arg14 : memref<!tpu.dma_semaphore, #tpu.memory_space<semaphore_mem>>) src(%dma_wait3A_22 : memref<250x40xi32, #tpu.memory_space<hbm>>) dst(%arg7 : memref<250x40xi32, #tpu.memory_space<vmem>>)
    %dma_start3A_23 = arith.constant 0 : i32
    %dma_start3A_24 = arith.constant 0 : i32
    %dma_start3A_25 = tpu.memref_slice %arg7[%dma_start3A_23, %dma_start3A_24] : memref<250x40xi32, #tpu.memory_space<vmem>> -> memref<1x40xi32, #tpu.memory_space<vmem>>
    %dma_start3A_26 = tpu.memref_squeeze %dma_start3A_25 : memref<1x40xi32, #tpu.memory_space<vmem>> -> memref<40xi32, #tpu.memory_space<vmem>>
    %dma_start3A_27 = arith.constant 0 : i32
    %dma_start3A_28 = arith.constant 0 : i32
    %dma_start3A_29 = tpu.memref_slice %arg2[%dma_start3A_27, %dma_start3A_28] : memref<10240x128xf32, #tpu.memory_space<hbm>> -> memref<10240x128xf32, #tpu.memory_space<hbm>>
    tpu.enqueue_indirect_dma source(%dma_start3A_29 : memref<10240x128xf32, #tpu.memory_space<hbm>>) target(%arg8 : memref<40x128xf32, #tpu.memory_space<vmem>>) offsets(%dma_start3A_26 : memref<40xi32, #tpu.memory_space<vmem>>) semaphore(%arg14 : memref<!tpu.dma_semaphore, #tpu.memory_space<semaphore_mem>>)
    %dma_start3A_30 = arith.constant 1 : i32
    %dma_start3A_31 = arith.constant 0 : i32
    %dma_start3A_32 = tpu.memref_slice %arg7[%dma_start3A_30, %dma_start3A_31] : memref<250x40xi32, #tpu.memory_space<vmem>> -> memref<1x40xi32, #tpu.memory_space<vmem>>
    %dma_start3A_33 = tpu.memref_squeeze %dma_start3A_32 : memref<1x40xi32, #tpu.memory_space<vmem>> -> memref<40xi32, #tpu.memory_space<vmem>>
    %dma_start3A_34 = arith.constant 0 : i32
    %dma_start3A_35 = arith.constant 0 : i32
    %dma_start3A_36 = tpu.memref_slice %arg2[%dma_start3A_34, %dma_start3A_35] : memref<10240x128xf32, #tpu.memory_space<hbm>> -> memref<10240x128xf32, #tpu.memory_space<hbm>>
    tpu.enqueue_indirect_dma source(%dma_start3A_36 : memref<10240x128xf32, #tpu.memory_space<hbm>>) target(%arg9 : memref<40x128xf32, #tpu.memory_space<vmem>>) offsets(%dma_start3A_33 : memref<40xi32, #tpu.memory_space<vmem>>) semaphore(%arg15 : memref<!tpu.dma_semaphore, #tpu.memory_space<semaphore_mem>>)
    %dma_start3A_37 = arith.constant 2 : i32
    %dma_start3A_38 = arith.constant 0 : i32
    %dma_start3A_39 = tpu.memref_slice %arg7[%dma_start3A_37, %dma_start3A_38] : memref<250x40xi32, #tpu.memory_space<vmem>> -> memref<1x40xi32, #tpu.memory_space<vmem>>
    %dma_start3A_40 = tpu.memref_squeeze %dma_start3A_39 : memref<1x40xi32, #tpu.memory_space<vmem>> -> memref<40xi32, #tpu.memory_space<vmem>>
    %dma_start3A_41 = arith.constant 0 : i32
    %dma_start3A_42 = arith.constant 0 : i32
    %dma_start3A_43 = tpu.memref_slice %arg2[%dma_start3A_41, %dma_start3A_42] : memref<10240x128xf32, #tpu.memory_space<hbm>> -> memref<10240x128xf32, #tpu.memory_space<hbm>>
    tpu.enqueue_indirect_dma source(%dma_start3A_43 : memref<10240x128xf32, #tpu.memory_space<hbm>>) target(%arg10 : memref<40x128xf32, #tpu.memory_space<vmem>>) offsets(%dma_start3A_40 : memref<40xi32, #tpu.memory_space<vmem>>) semaphore(%arg16 : memref<!tpu.dma_semaphore, #tpu.memory_space<semaphore_mem>>)
    %dma_start3A_44 = arith.constant 3 : i32
    %dma_start3A_45 = arith.constant 0 : i32
    %dma_start3A_46 = tpu.memref_slice %arg7[%dma_start3A_44, %dma_start3A_45] : memref<250x40xi32, #tpu.memory_space<vmem>> -> memref<1x40xi32, #tpu.memory_space<vmem>>
    %dma_start3A_47 = tpu.memref_squeeze %dma_start3A_46 : memref<1x40xi32, #tpu.memory_space<vmem>> -> memref<40xi32, #tpu.memory_space<vmem>>
    %dma_start3A_48 = arith.constant 0 : i32
    %dma_start3A_49 = arith.constant 0 : i32
    %dma_start3A_50 = tpu.memref_slice %arg2[%dma_start3A_48, %dma_start3A_49] : memref<10240x128xf32, #tpu.memory_space<hbm>> -> memref<10240x128xf32, #tpu.memory_space<hbm>>
    tpu.enqueue_indirect_dma source(%dma_start3A_50 : memref<10240x128xf32, #tpu.memory_space<hbm>>) target(%arg11 : memref<40x128xf32, #tpu.memory_space<vmem>>) offsets(%dma_start3A_47 : memref<40xi32, #tpu.memory_space<vmem>>) semaphore(%arg17 : memref<!tpu.dma_semaphore, #tpu.memory_space<semaphore_mem>>)
    %scan3A = arith.constant 0 : i32
    %scan3A_51 = arith.constant 40 : i32
    %scan3A_52 = arith.addi %scan3A, %scan3A_51 : i32
    %scan3A_53 = arith.constant 1 : i32
    scf.for %scan3A_191 = %scan3A to %scan3A_52 step %scan3A_53  : i32 {
      %mul3A_192 = arith.constant 1 : i32
      %mul3A_193 = arith.muli %scan3A_191, %mul3A_192 : i32
      %add3A_194 = arith.constant 0 : i32
      %add3A_195 = arith.addi %add3A_194, %mul3A_193 : i32
      %scan3A_196 = arith.constant 0 : i32
      %scan3A_197 = arith.constant 8 : i32
      %scan3A_198 = arith.addi %scan3A_196, %scan3A_197 : i32
      %scan3A_199 = arith.constant 1 : i32
      scf.for %scan3A_201 = %scan3A_196 to %scan3A_198 step %scan3A_199  : i32 {
        %mul3A_202 = arith.constant 1 : i32
        %mul3A_203 = arith.muli %scan3A_201, %mul3A_202 : i32
        %add3A_204 = arith.constant 0 : i32
        %add3A_205 = arith.addi %add3A_204, %mul3A_203 : i32
        %broadcast_in_dim3A = arith.constant 0.000000e+00 : f32
        %broadcast_in_dim3A_206 = vector.broadcast %broadcast_in_dim3A : f32 to vector<16xf32>
        %mul3A_207 = arith.constant 16 : i32
        %mul3A_208 = arith.muli %add3A_205, %mul3A_207 : i32
        %swap3A = arith.index_cast %add3A_195 : i32 to index
        %swap3A_209 = arith.index_cast %mul3A_208 : i32 to index
        %swap3A_210 = tpu.vector_load %arg12[%swap3A, %swap3A_209] {strides = array<i32>} : memref<40x128xf32, #tpu.memory_space<vmem>>, vector<1x16xf32>,
        %swap3A_211 = vector.shape_cast %swap3A_210 : vector<1x16xf32> to vector<16xf32>
        %swap3A_212 = vector.shape_cast %broadcast_in_dim3A_206 : vector<16xf32> to vector<1x16xf32>
        tpu.vector_store %arg12[%swap3A, %swap3A_209], %swap3A_212 {strides = array<i32>} : memref<40x128xf32, #tpu.memory_space<vmem>>, vector<1x16xf32>,
      }
      %scan3A_200 = arith.constant 8 : i32
    }
    %scan3A_54 = arith.constant 40 : i32
    %scan3A_55 = arith.constant 0 : i32
    %scan3A_56 = arith.constant 4 : i32
    %scan3A_57 = arith.addi %scan3A_55, %scan3A_56 : i32
    %scan3A_58 = arith.constant 1 : i32
    scf.for %scan3A_191 = %scan3A_55 to %scan3A_57 step %scan3A_58  : i32 {
      %mul3A_192 = arith.constant 1 : i32
      %mul3A_193 = arith.muli %scan3A_191, %mul3A_192 : i32
      %add3A_194 = arith.constant 0 : i32
      %add3A_195 = arith.addi %add3A_194, %mul3A_193 : i32
      %mul3A_196 = arith.constant 640 : i32
      %mul3A_197 = arith.muli %arg1, %mul3A_196 : i32
      %mul3A_198 = arith.constant 4 : i32
      %mul3A_199 = arith.muli %add3A_195, %mul3A_198 : i32
      %mul3A_200 = arith.constant 40 : i32
      %mul3A_201 = arith.muli %mul3A_199, %mul3A_200 : i32
      %add3A_202 = arith.addi %mul3A_197, %mul3A_201 : i32
      %add3A_203 = arith.constant 0 : i32
      %add3A_204 = arith.addi %add3A_202, %add3A_203 : i32
      %dma_start3A_205 = arith.constant 0 : i32
      %dma_start3A_206 = tpu.memref_slice %arg13[%add3A_204, %dma_start3A_205] : memref<10240x128xf32, #tpu.memory_space<vmem_shared>> -> memref<40x128xf32, #tpu.memory_space<vmem_shared>>
      %dma_start3A_207 = arith.constant 0 : i32
      %dma_start3A_208 = tpu.memref_slice %arg13[%add3A_204, %dma_start3A_207] : memref<10240x128xf32, #tpu.memory_space<vmem_shared>> -> memref<40x128xf32, #tpu.memory_space<vmem_shared>>
      tpu.enqueue_dma source(%arg12 : memref<40x128xf32, #tpu.memory_space<vmem>>) target(%dma_start3A_208 : memref<40x128xf32, #tpu.memory_space<vmem_shared>>) target_semaphore(%arg20 : memref<!tpu.dma_semaphore, #tpu.memory_space<semaphore_mem>>)
      %add3A_209 = arith.constant 40 : i32
      %add3A_210 = arith.addi %add3A_202, %add3A_209 : i32
      %dma_start3A_211 = arith.constant 0 : i32
      %dma_start3A_212 = tpu.memref_slice %arg13[%add3A_210, %dma_start3A_211] : memref<10240x128xf32, #tpu.memory_space<vmem_shared>> -> memref<40x128xf32, #tpu.memory_space<vmem_shared>>
      %dma_start3A_213 = arith.constant 0 : i32
      %dma_start3A_214 = tpu.memref_slice %arg13[%add3A_210, %dma_start3A_213] : memref<10240x128xf32, #tpu.memory_space<vmem_shared>> -> memref<40x128xf32, #tpu.memory_space<vmem_shared>>
      tpu.enqueue_dma source(%arg12 : memref<40x128xf32, #tpu.memory_space<vmem>>) target(%dma_start3A_214 : memref<40x128xf32, #tpu.memory_space<vmem_shared>>) target_semaphore(%arg21 : memref<!tpu.dma_semaphore, #tpu.memory_space<semaphore_mem>>)
      %add3A_215 = arith.constant 80 : i32
      %add3A_216 = arith.addi %add3A_202, %add3A_215 : i32
      %dma_start3A_217 = arith.constant 0 : i32
      %dma_start3A_218 = tpu.memref_slice %arg13[%add3A_216, %dma_start3A_217] : memref<10240x128xf32, #tpu.memory_space<vmem_shared>> -> memref<40x128xf32, #tpu.memory_space<vmem_shared>>
      %dma_start3A_219 = arith.constant 0 : i32
      %dma_start3A_220 = tpu.memref_slice %arg13[%add3A_216, %dma_start3A_219] : memref<10240x128xf32, #tpu.memory_space<vmem_shared>> -> memref<40x128xf32, #tpu.memory_space<vmem_shared>>
      tpu.enqueue_dma source(%arg12 : memref<40x128xf32, #tpu.memory_space<vmem>>) target(%dma_start3A_220 : memref<40x128xf32, #tpu.memory_space<vmem_shared>>) target_semaphore(%arg22 : memref<!tpu.dma_semaphore, #tpu.memory_space<semaphore_mem>>)
      %add3A_221 = arith.constant 120 : i32
      %add3A_222 = arith.addi %add3A_202, %add3A_221 : i32
      %dma_start3A_223 = arith.constant 0 : i32
      %dma_start3A_224 = tpu.memref_slice %arg13[%add3A_222, %dma_start3A_223] : memref<10240x128xf32, #tpu.memory_space<vmem_shared>> -> memref<40x128xf32, #tpu.memory_space<vmem_shared>>
      %dma_start3A_225 = arith.constant 0 : i32
      %dma_start3A_226 = tpu.memref_slice %arg13[%add3A_222, %dma_start3A_225] : memref<10240x128xf32, #tpu.memory_space<vmem_shared>> -> memref<40x128xf32, #tpu.memory_space<vmem_shared>>
      tpu.enqueue_dma source(%arg12 : memref<40x128xf32, #tpu.memory_space<vmem>>) target(%dma_start3A_226 : memref<40x128xf32, #tpu.memory_space<vmem_shared>>) target_semaphore(%arg23 : memref<!tpu.dma_semaphore, #tpu.memory_space<semaphore_mem>>)
      %add3A_227 = arith.constant 0 : i32
      %add3A_228 = arith.addi %add3A_202, %add3A_227 : i32
      %dma_wait3A_229 = arith.constant 0 : i32
      %dma_wait3A_230 = tpu.memref_slice %arg13[%add3A_228, %dma_wait3A_229] : memref<10240x128xf32, #tpu.memory_space<vmem_shared>> -> memref<40x128xf32, #tpu.memory_space<vmem_shared>>
      %dma_wait3A_231 = arith.constant 0 : i32
      %dma_wait3A_232 = tpu.memref_slice %arg13[%add3A_228, %dma_wait3A_231] : memref<10240x128xf32, #tpu.memory_space<vmem_shared>> -> memref<40x128xf32, #tpu.memory_space<vmem_shared>>
      tpu.wait_dma2 semaphore(%arg20 : memref<!tpu.dma_semaphore, #tpu.memory_space<semaphore_mem>>) src(%arg12 : memref<40x128xf32, #tpu.memory_space<vmem>>) dst(%dma_wait3A_232 : memref<40x128xf32, #tpu.memory_space<vmem_shared>>)
      %add3A_233 = arith.constant 40 : i32
      %add3A_234 = arith.addi %add3A_202, %add3A_233 : i32
      %dma_wait3A_235 = arith.constant 0 : i32
      %dma_wait3A_236 = tpu.memref_slice %arg13[%add3A_234, %dma_wait3A_235] : memref<10240x128xf32, #tpu.memory_space<vmem_shared>> -> memref<40x128xf32, #tpu.memory_space<vmem_shared>>
      %dma_wait3A_237 = arith.constant 0 : i32
      %dma_wait3A_238 = tpu.memref_slice %arg13[%add3A_234, %dma_wait3A_237] : memref<10240x128xf32, #tpu.memory_space<vmem_shared>> -> memref<40x128xf32, #tpu.memory_space<vmem_shared>>
      tpu.wait_dma2 semaphore(%arg21 : memref<!tpu.dma_semaphore, #tpu.memory_space<semaphore_mem>>) src(%arg12 : memref<40x128xf32, #tpu.memory_space<vmem>>) dst(%dma_wait3A_238 : memref<40x128xf32, #tpu.memory_space<vmem_shared>>)
      %add3A_239 = arith.constant 80 : i32
      %add3A_240 = arith.addi %add3A_202, %add3A_239 : i32
      %dma_wait3A_241 = arith.constant 0 : i32
      %dma_wait3A_242 = tpu.memref_slice %arg13[%add3A_240, %dma_wait3A_241] : memref<10240x128xf32, #tpu.memory_space<vmem_shared>> -> memref<40x128xf32, #tpu.memory_space<vmem_shared>>
      %dma_wait3A_243 = arith.constant 0 : i32
      %dma_wait3A_244 = tpu.memref_slice %arg13[%add3A_240, %dma_wait3A_243] : memref<10240x128xf32, #tpu.memory_space<vmem_shared>> -> memref<40x128xf32, #tpu.memory_space<vmem_shared>>
      tpu.wait_dma2 semaphore(%arg22 : memref<!tpu.dma_semaphore, #tpu.memory_space<semaphore_mem>>) src(%arg12 : memref<40x128xf32, #tpu.memory_space<vmem>>) dst(%dma_wait3A_244 : memref<40x128xf32, #tpu.memory_space<vmem_shared>>)
      %add3A_245 = arith.constant 120 : i32
      %add3A_246 = arith.addi %add3A_202, %add3A_245 : i32
      %dma_wait3A_247 = arith.constant 0 : i32
      %dma_wait3A_248 = tpu.memref_slice %arg13[%add3A_246, %dma_wait3A_247] : memref<10240x128xf32, #tpu.memory_space<vmem_shared>> -> memref<40x128xf32, #tpu.memory_space<vmem_shared>>
      %dma_wait3A_249 = arith.constant 0 : i32
      %dma_wait3A_250 = tpu.memref_slice %arg13[%add3A_246, %dma_wait3A_249] : memref<10240x128xf32, #tpu.memory_space<vmem_shared>> -> memref<40x128xf32, #tpu.memory_space<vmem_shared>>
      tpu.wait_dma2 semaphore(%arg23 : memref<!tpu.dma_semaphore, #tpu.memory_space<semaphore_mem>>) src(%arg12 : memref<40x128xf32, #tpu.memory_space<vmem>>) dst(%dma_wait3A_250 : memref<40x128xf32, #tpu.memory_space<vmem_shared>>)
    }
    %scan3A_59 = arith.constant 4 : i32
    %dma_wait3A_60 = arith.constant 0 : i32
    %dma_wait3A_61 = arith.constant 0 : i32
    %dma_wait3A_62 = tpu.memref_slice %arg3[%add3A, %dma_wait3A_60, %dma_wait3A_61] : memref<32x250x40xi32, #tpu.memory_space<hbm>> -> memref<1x250x40xi32, #tpu.memory_space<hbm>>
    %dma_wait3A_63 = tpu.memref_squeeze %dma_wait3A_62 : memref<1x250x40xi32, #tpu.memory_space<hbm>> -> memref<250x40xi32, #tpu.memory_space<hbm>>
    %dma_wait3A_64 = arith.constant 0 : i32
    %dma_wait3A_65 = arith.constant 0 : i32
    %dma_wait3A_66 = tpu.memref_slice %arg3[%add3A, %dma_wait3A_64, %dma_wait3A_65] : memref<32x250x40xi32, #tpu.memory_space<hbm>> -> memref<1x250x40xi32, #tpu.memory_space<hbm>>
    %dma_wait3A_67 = tpu.memref_squeeze %dma_wait3A_66 : memref<1x250x40xi32, #tpu.memory_space<hbm>> -> memref<250x40xi32, #tpu.memory_space<hbm>>
    tpu.wait_dma2 semaphore(%arg19 : memref<!tpu.dma_semaphore, #tpu.memory_space<semaphore_mem>>) src(%dma_wait3A_67 : memref<250x40xi32, #tpu.memory_space<hbm>>) dst(%arg6 : memref<250x40xi32, #tpu.memory_space<vmem>>)
    %barrier3A = arith.constant 0 : index
    tpu.barrier barrier_id(%barrier3A)
    %dma_start3A_68 = arith.constant 4 : i32
    %dma_start3A_69 = arith.constant 0 : i32
    %dma_start3A_70 = tpu.memref_slice %arg7[%dma_start3A_68, %dma_start3A_69] : memref<250x40xi32, #tpu.memory_space<vmem>> -> memref<1x40xi32, #tpu.memory_space<vmem>>
    %dma_start3A_71 = tpu.memref_squeeze %dma_start3A_70 : memref<1x40xi32, #tpu.memory_space<vmem>> -> memref<40xi32, #tpu.memory_space<vmem>>
    %dma_start3A_72 = arith.constant 0 : i32
    %dma_start3A_73 = arith.constant 0 : i32
    %dma_start3A_74 = tpu.memref_slice %arg2[%dma_start3A_72, %dma_start3A_73] : memref<10240x128xf32, #tpu.memory_space<hbm>> -> memref<10240x128xf32, #tpu.memory_space<hbm>>
    tpu.enqueue_indirect_dma source(%dma_start3A_74 : memref<10240x128xf32, #tpu.memory_space<hbm>>) target(%arg12 : memref<40x128xf32, #tpu.memory_space<vmem>>) offsets(%dma_start3A_71 : memref<40xi32, #tpu.memory_space<vmem>>) semaphore(%arg18 : memref<!tpu.dma_semaphore, #tpu.memory_space<semaphore_mem>>)
    %dma_wait3A_75 = arith.constant 0 : i32
    %dma_wait3A_76 = arith.constant 0 : i32
    %dma_wait3A_77 = tpu.memref_slice %arg7[%dma_wait3A_75, %dma_wait3A_76] : memref<250x40xi32, #tpu.memory_space<vmem>> -> memref<1x40xi32, #tpu.memory_space<vmem>>
    %dma_wait3A_78 = tpu.memref_squeeze %dma_wait3A_77 : memref<1x40xi32, #tpu.memory_space<vmem>> -> memref<40xi32, #tpu.memory_space<vmem>>
    %dma_wait3A_79 = arith.constant 0 : i32
    %dma_wait3A_80 = arith.constant 0 : i32
    %dma_wait3A_81 = tpu.memref_slice %arg2[%dma_wait3A_79, %dma_wait3A_80] : memref<10240x128xf32, #tpu.memory_space<hbm>> -> memref<10240x128xf32, #tpu.memory_space<hbm>>
    tpu.wait_indirect_dma semaphore(%arg14 : memref<!tpu.dma_semaphore, #tpu.memory_space<semaphore_mem>>) src(%dma_wait3A_81 : memref<10240x128xf32, #tpu.memory_space<hbm>>) dst(%arg8 : memref<40x128xf32, #tpu.memory_space<vmem>>)
    %dma_start3A_82 = arith.constant 0 : i32
    %dma_start3A_83 = arith.constant 0 : i32
    %dma_start3A_84 = tpu.memref_slice %arg6[%dma_start3A_82, %dma_start3A_83] : memref<250x40xi32, #tpu.memory_space<vmem>> -> memref<1x40xi32, #tpu.memory_space<vmem>>
    %dma_start3A_85 = tpu.memref_squeeze %dma_start3A_84 : memref<1x40xi32, #tpu.memory_space<vmem>> -> memref<40xi32, #tpu.memory_space<vmem>>
    %dma_start3A_86 = arith.constant 0 : i32
    %dma_start3A_87 = arith.constant 0 : i32
    %dma_start3A_88 = tpu.memref_slice %arg13[%dma_start3A_86, %dma_start3A_87] : memref<10240x128xf32, #tpu.memory_space<vmem_shared>> -> memref<10240x128xf32, #tpu.memory_space<vmem_shared>>
    tpu.enqueue_indirect_dma source(%arg8 : memref<40x128xf32, #tpu.memory_space<vmem>>) target(%dma_start3A_88 : memref<10240x128xf32, #tpu.memory_space<vmem_shared>>) offsets(%dma_start3A_85 : memref<40xi32, #tpu.memory_space<vmem>>) semaphore(%arg19 : memref<!tpu.dma_semaphore, #tpu.memory_space<semaphore_mem>>) {add = true}
    %scan3A_89 = arith.constant 0 : i32
    %scan3A_90 = arith.constant 49 : i32
    %scan3A_91 = arith.addi %scan3A_89, %scan3A_90 : i32
    %scan3A_92 = arith.constant 1 : i32
    scf.for %scan3A_191 = %scan3A_89 to %scan3A_91 step %scan3A_92  : i32 {
      %mul3A_192 = arith.constant 5 : i32
      %mul3A_193 = arith.muli %scan3A_191, %mul3A_192 : i32
      %add3A_194 = arith.constant 5 : i32
      %add3A_195 = arith.addi %add3A_194, %mul3A_193 : i32
      %dma_wait3A_196 = arith.constant 0 : i32
      %dma_wait3A_197 = arith.constant 0 : i32
      %dma_wait3A_198 = tpu.memref_slice %arg6[%dma_wait3A_196, %dma_wait3A_197] : memref<250x40xi32, #tpu.memory_space<vmem>> -> memref<1x40xi32, #tpu.memory_space<vmem>>
      %dma_wait3A_199 = tpu.memref_squeeze %dma_wait3A_198 : memref<1x40xi32, #tpu.memory_space<vmem>> -> memref<40xi32, #tpu.memory_space<vmem>>
      %dma_wait3A_200 = arith.constant 0 : i32
      %dma_wait3A_201 = arith.constant 0 : i32
      %dma_wait3A_202 = tpu.memref_slice %arg13[%dma_wait3A_200, %dma_wait3A_201] : memref<10240x128xf32, #tpu.memory_space<vmem_shared>> -> memref<10240x128xf32, #tpu.memory_space<vmem_shared>>
      tpu.wait_indirect_dma semaphore(%arg19 : memref<!tpu.dma_semaphore, #tpu.memory_space<semaphore_mem>>) src(%arg8 : memref<40x128xf32, #tpu.memory_space<vmem>>) dst(%dma_wait3A_202 : memref<10240x128xf32, #tpu.memory_space<vmem_shared>>)
      %add3A_203 = arith.constant 0 : i32
      %add3A_204 = arith.addi %add3A_195, %add3A_203 : i32
      %dma_start3A_205 = arith.constant 0 : i32
      %dma_start3A_206 = tpu.memref_slice %arg7[%add3A_204, %dma_start3A_205] : memref<250x40xi32, #tpu.memory_space<vmem>> -> memref<1x40xi32, #tpu.memory_space<vmem>>
      %dma_start3A_207 = tpu.memref_squeeze %dma_start3A_206 : memref<1x40xi32, #tpu.memory_space<vmem>> -> memref<40xi32, #tpu.memory_space<vmem>>
      %dma_start3A_208 = arith.constant 0 : i32
      %dma_start3A_209 = arith.constant 0 : i32
      %dma_start3A_210 = tpu.memref_slice %arg2[%dma_start3A_208, %dma_start3A_209] : memref<10240x128xf32, #tpu.memory_space<hbm>> -> memref<10240x128xf32, #tpu.memory_space<hbm>>
      tpu.enqueue_indirect_dma source(%dma_start3A_210 : memref<10240x128xf32, #tpu.memory_space<hbm>>) target(%arg8 : memref<40x128xf32, #tpu.memory_space<vmem>>) offsets(%dma_start3A_207 : memref<40xi32, #tpu.memory_space<vmem>>) semaphore(%arg14 : memref<!tpu.dma_semaphore, #tpu.memory_space<semaphore_mem>>)
      %dma_wait3A_211 = arith.constant 0 : i32
      %dma_wait3A_212 = arith.constant 0 : i32
      %dma_wait3A_213 = tpu.memref_slice %arg7[%dma_wait3A_211, %dma_wait3A_212] : memref<250x40xi32, #tpu.memory_space<vmem>> -> memref<1x40xi32, #tpu.memory_space<vmem>>
      %dma_wait3A_214 = tpu.memref_squeeze %dma_wait3A_213 : memref<1x40xi32, #tpu.memory_space<vmem>> -> memref<40xi32, #tpu.memory_space<vmem>>
      %dma_wait3A_215 = arith.constant 0 : i32
      %dma_wait3A_216 = arith.constant 0 : i32
      %dma_wait3A_217 = tpu.memref_slice %arg2[%dma_wait3A_215, %dma_wait3A_216] : memref<10240x128xf32, #tpu.memory_space<hbm>> -> memref<10240x128xf32, #tpu.memory_space<hbm>>
      tpu.wait_indirect_dma semaphore(%arg15 : memref<!tpu.dma_semaphore, #tpu.memory_space<semaphore_mem>>) src(%dma_wait3A_217 : memref<10240x128xf32, #tpu.memory_space<hbm>>) dst(%arg9 : memref<40x128xf32, #tpu.memory_space<vmem>>)
      %add3A_218 = arith.constant 0 : i32
      %add3A_219 = arith.addi %add3A_195, %add3A_218 : i32
      %sub3A = arith.constant 4 : i32
      %sub3A_220 = arith.subi %add3A_219, %sub3A : i32
      %dma_start3A_221 = arith.constant 0 : i32
      %dma_start3A_222 = tpu.memref_slice %arg6[%sub3A_220, %dma_start3A_221] : memref<250x40xi32, #tpu.memory_space<vmem>> -> memref<1x40xi32, #tpu.memory_space<vmem>>
      %dma_start3A_223 = tpu.memref_squeeze %dma_start3A_222 : memref<1x40xi32, #tpu.memory_space<vmem>> -> memref<40xi32, #tpu.memory_space<vmem>>
      %dma_start3A_224 = arith.constant 0 : i32
      %dma_start3A_225 = arith.constant 0 : i32
      %dma_start3A_226 = tpu.memref_slice %arg13[%dma_start3A_224, %dma_start3A_225] : memref<10240x128xf32, #tpu.memory_space<vmem_shared>> -> memref<10240x128xf32, #tpu.memory_space<vmem_shared>>
      tpu.enqueue_indirect_dma source(%arg9 : memref<40x128xf32, #tpu.memory_space<vmem>>) target(%dma_start3A_226 : memref<10240x128xf32, #tpu.memory_space<vmem_shared>>) offsets(%dma_start3A_223 : memref<40xi32, #tpu.memory_space<vmem>>) semaphore(%arg20 : memref<!tpu.dma_semaphore, #tpu.memory_space<semaphore_mem>>) {add = true}
      %dma_wait3A_227 = arith.constant 0 : i32
      %dma_wait3A_228 = arith.constant 0 : i32
      %dma_wait3A_229 = tpu.memref_slice %arg6[%dma_wait3A_227, %dma_wait3A_228] : memref<250x40xi32, #tpu.memory_space<vmem>> -> memref<1x40xi32, #tpu.memory_space<vmem>>
      %dma_wait3A_230 = tpu.memref_squeeze %dma_wait3A_229 : memref<1x40xi32, #tpu.memory_space<vmem>> -> memref<40xi32, #tpu.memory_space<vmem>>
      %dma_wait3A_231 = arith.constant 0 : i32
      %dma_wait3A_232 = arith.constant 0 : i32
      %dma_wait3A_233 = tpu.memref_slice %arg13[%dma_wait3A_231, %dma_wait3A_232] : memref<10240x128xf32, #tpu.memory_space<vmem_shared>> -> memref<10240x128xf32, #tpu.memory_space<vmem_shared>>
      tpu.wait_indirect_dma semaphore(%arg20 : memref<!tpu.dma_semaphore, #tpu.memory_space<semaphore_mem>>) src(%arg9 : memref<40x128xf32, #tpu.memory_space<vmem>>) dst(%dma_wait3A_233 : memref<10240x128xf32, #tpu.memory_space<vmem_shared>>)
      %add3A_234 = arith.constant 1 : i32
      %add3A_235 = arith.addi %add3A_195, %add3A_234 : i32
      %dma_start3A_236 = arith.constant 0 : i32
      %dma_start3A_237 = tpu.memref_slice %arg7[%add3A_235, %dma_start3A_236] : memref<250x40xi32, #tpu.memory_space<vmem>> -> memref<1x40xi32, #tpu.memory_space<vmem>>
      %dma_start3A_238 = tpu.memref_squeeze %dma_start3A_237 : memref<1x40xi32, #tpu.memory_space<vmem>> -> memref<40xi32, #tpu.memory_space<vmem>>
      %dma_start3A_239 = arith.constant 0 : i32
      %dma_start3A_240 = arith.constant 0 : i32
      %dma_start3A_241 = tpu.memref_slice %arg2[%dma_start3A_239, %dma_start3A_240] : memref<10240x128xf32, #tpu.memory_space<hbm>> -> memref<10240x128xf32, #tpu.memory_space<hbm>>
      tpu.enqueue_indirect_dma source(%dma_start3A_241 : memref<10240x128xf32, #tpu.memory_space<hbm>>) target(%arg9 : memref<40x128xf32, #tpu.memory_space<vmem>>) offsets(%dma_start3A_238 : memref<40xi32, #tpu.memory_space<vmem>>) semaphore(%arg15 : memref<!tpu.dma_semaphore, #tpu.memory_space<semaphore_mem>>)
      %dma_wait3A_242 = arith.constant 0 : i32
      %dma_wait3A_243 = arith.constant 0 : i32
      %dma_wait3A_244 = tpu.memref_slice %arg7[%dma_wait3A_242, %dma_wait3A_243] : memref<250x40xi32, #tpu.memory_space<vmem>> -> memref<1x40xi32, #tpu.memory_space<vmem>>
      %dma_wait3A_245 = tpu.memref_squeeze %dma_wait3A_244 : memref<1x40xi32, #tpu.memory_space<vmem>> -> memref<40xi32, #tpu.memory_space<vmem>>
      %dma_wait3A_246 = arith.constant 0 : i32
      %dma_wait3A_247 = arith.constant 0 : i32
      %dma_wait3A_248 = tpu.memref_slice %arg2[%dma_wait3A_246, %dma_wait3A_247] : memref<10240x128xf32, #tpu.memory_space<hbm>> -> memref<10240x128xf32, #tpu.memory_space<hbm>>
      tpu.wait_indirect_dma semaphore(%arg16 : memref<!tpu.dma_semaphore, #tpu.memory_space<semaphore_mem>>) src(%dma_wait3A_248 : memref<10240x128xf32, #tpu.memory_space<hbm>>) dst(%arg10 : memref<40x128xf32, #tpu.memory_space<vmem>>)
      %add3A_249 = arith.constant 1 : i32
      %add3A_250 = arith.addi %add3A_195, %add3A_249 : i32
      %sub3A_251 = arith.constant 4 : i32
      %sub3A_252 = arith.subi %add3A_250, %sub3A_251 : i32
      %dma_start3A_253 = arith.constant 0 : i32
      %dma_start3A_254 = tpu.memref_slice %arg6[%sub3A_252, %dma_start3A_253] : memref<250x40xi32, #tpu.memory_space<vmem>> -> memref<1x40xi32, #tpu.memory_space<vmem>>
      %dma_start3A_255 = tpu.memref_squeeze %dma_start3A_254 : memref<1x40xi32, #tpu.memory_space<vmem>> -> memref<40xi32, #tpu.memory_space<vmem>>
      %dma_start3A_256 = arith.constant 0 : i32
      %dma_start3A_257 = arith.constant 0 : i32
      %dma_start3A_258 = tpu.memref_slice %arg13[%dma_start3A_256, %dma_start3A_257] : memref<10240x128xf32, #tpu.memory_space<vmem_shared>> -> memref<10240x128xf32, #tpu.memory_space<vmem_shared>>
      tpu.enqueue_indirect_dma source(%arg10 : memref<40x128xf32, #tpu.memory_space<vmem>>) target(%dma_start3A_258 : memref<10240x128xf32, #tpu.memory_space<vmem_shared>>) offsets(%dma_start3A_255 : memref<40xi32, #tpu.memory_space<vmem>>) semaphore(%arg21 : memref<!tpu.dma_semaphore, #tpu.memory_space<semaphore_mem>>) {add = true}
      %dma_wait3A_259 = arith.constant 0 : i32
      %dma_wait3A_260 = arith.constant 0 : i32
      %dma_wait3A_261 = tpu.memref_slice %arg6[%dma_wait3A_259, %dma_wait3A_260] : memref<250x40xi32, #tpu.memory_space<vmem>> -> memref<1x40xi32, #tpu.memory_space<vmem>>
      %dma_wait3A_262 = tpu.memref_squeeze %dma_wait3A_261 : memref<1x40xi32, #tpu.memory_space<vmem>> -> memref<40xi32, #tpu.memory_space<vmem>>
      %dma_wait3A_263 = arith.constant 0 : i32
      %dma_wait3A_264 = arith.constant 0 : i32
      %dma_wait3A_265 = tpu.memref_slice %arg13[%dma_wait3A_263, %dma_wait3A_264] : memref<10240x128xf32, #tpu.memory_space<vmem_shared>> -> memref<10240x128xf32, #tpu.memory_space<vmem_shared>>
      tpu.wait_indirect_dma semaphore(%arg21 : memref<!tpu.dma_semaphore, #tpu.memory_space<semaphore_mem>>) src(%arg10 : memref<40x128xf32, #tpu.memory_space<vmem>>) dst(%dma_wait3A_265 : memref<10240x128xf32, #tpu.memory_space<vmem_shared>>)
      %add3A_266 = arith.constant 2 : i32
      %add3A_267 = arith.addi %add3A_195, %add3A_266 : i32
      %dma_start3A_268 = arith.constant 0 : i32
      %dma_start3A_269 = tpu.memref_slice %arg7[%add3A_267, %dma_start3A_268] : memref<250x40xi32, #tpu.memory_space<vmem>> -> memref<1x40xi32, #tpu.memory_space<vmem>>
      %dma_start3A_270 = tpu.memref_squeeze %dma_start3A_269 : memref<1x40xi32, #tpu.memory_space<vmem>> -> memref<40xi32, #tpu.memory_space<vmem>>
      %dma_start3A_271 = arith.constant 0 : i32
      %dma_start3A_272 = arith.constant 0 : i32
      %dma_start3A_273 = tpu.memref_slice %arg2[%dma_start3A_271, %dma_start3A_272] : memref<10240x128xf32, #tpu.memory_space<hbm>> -> memref<10240x128xf32, #tpu.memory_space<hbm>>
      tpu.enqueue_indirect_dma source(%dma_start3A_273 : memref<10240x128xf32, #tpu.memory_space<hbm>>) target(%arg10 : memref<40x128xf32, #tpu.memory_space<vmem>>) offsets(%dma_start3A_270 : memref<40xi32, #tpu.memory_space<vmem>>) semaphore(%arg16 : memref<!tpu.dma_semaphore, #tpu.memory_space<semaphore_mem>>)
      %dma_wait3A_274 = arith.constant 0 : i32
      %dma_wait3A_275 = arith.constant 0 : i32
      %dma_wait3A_276 = tpu.memref_slice %arg7[%dma_wait3A_274, %dma_wait3A_275] : memref<250x40xi32, #tpu.memory_space<vmem>> -> memref<1x40xi32, #tpu.memory_space<vmem>>
      %dma_wait3A_277 = tpu.memref_squeeze %dma_wait3A_276 : memref<1x40xi32, #tpu.memory_space<vmem>> -> memref<40xi32, #tpu.memory_space<vmem>>
      %dma_wait3A_278 = arith.constant 0 : i32
      %dma_wait3A_279 = arith.constant 0 : i32
      %dma_wait3A_280 = tpu.memref_slice %arg2[%dma_wait3A_278, %dma_wait3A_279] : memref<10240x128xf32, #tpu.memory_space<hbm>> -> memref<10240x128xf32, #tpu.memory_space<hbm>>
      tpu.wait_indirect_dma semaphore(%arg17 : memref<!tpu.dma_semaphore, #tpu.memory_space<semaphore_mem>>) src(%dma_wait3A_280 : memref<10240x128xf32, #tpu.memory_space<hbm>>) dst(%arg11 : memref<40x128xf32, #tpu.memory_space<vmem>>)
      %add3A_281 = arith.constant 2 : i32
      %add3A_282 = arith.addi %add3A_195, %add3A_281 : i32
      %sub3A_283 = arith.constant 4 : i32
      %sub3A_284 = arith.subi %add3A_282, %sub3A_283 : i32
      %dma_start3A_285 = arith.constant 0 : i32
      %dma_start3A_286 = tpu.memref_slice %arg6[%sub3A_284, %dma_start3A_285] : memref<250x40xi32, #tpu.memory_space<vmem>> -> memref<1x40xi32, #tpu.memory_space<vmem>>
      %dma_start3A_287 = tpu.memref_squeeze %dma_start3A_286 : memref<1x40xi32, #tpu.memory_space<vmem>> -> memref<40xi32, #tpu.memory_space<vmem>>
      %dma_start3A_288 = arith.constant 0 : i32
      %dma_start3A_289 = arith.constant 0 : i32
      %dma_start3A_290 = tpu.memref_slice %arg13[%dma_start3A_288, %dma_start3A_289] : memref<10240x128xf32, #tpu.memory_space<vmem_shared>> -> memref<10240x128xf32, #tpu.memory_space<vmem_shared>>
      tpu.enqueue_indirect_dma source(%arg11 : memref<40x128xf32, #tpu.memory_space<vmem>>) target(%dma_start3A_290 : memref<10240x128xf32, #tpu.memory_space<vmem_shared>>) offsets(%dma_start3A_287 : memref<40xi32, #tpu.memory_space<vmem>>) semaphore(%arg22 : memref<!tpu.dma_semaphore, #tpu.memory_space<semaphore_mem>>) {add = true}
      %dma_wait3A_291 = arith.constant 0 : i32
      %dma_wait3A_292 = arith.constant 0 : i32
      %dma_wait3A_293 = tpu.memref_slice %arg6[%dma_wait3A_291, %dma_wait3A_292] : memref<250x40xi32, #tpu.memory_space<vmem>> -> memref<1x40xi32, #tpu.memory_space<vmem>>
      %dma_wait3A_294 = tpu.memref_squeeze %dma_wait3A_293 : memref<1x40xi32, #tpu.memory_space<vmem>> -> memref<40xi32, #tpu.memory_space<vmem>>
      %dma_wait3A_295 = arith.constant 0 : i32
      %dma_wait3A_296 = arith.constant 0 : i32
      %dma_wait3A_297 = tpu.memref_slice %arg13[%dma_wait3A_295, %dma_wait3A_296] : memref<10240x128xf32, #tpu.memory_space<vmem_shared>> -> memref<10240x128xf32, #tpu.memory_space<vmem_shared>>
      tpu.wait_indirect_dma semaphore(%arg22 : memref<!tpu.dma_semaphore, #tpu.memory_space<semaphore_mem>>) src(%arg11 : memref<40x128xf32, #tpu.memory_space<vmem>>) dst(%dma_wait3A_297 : memref<10240x128xf32, #tpu.memory_space<vmem_shared>>)
      %add3A_298 = arith.constant 3 : i32
      %add3A_299 = arith.addi %add3A_195, %add3A_298 : i32
      %dma_start3A_300 = arith.constant 0 : i32
      %dma_start3A_301 = tpu.memref_slice %arg7[%add3A_299, %dma_start3A_300] : memref<250x40xi32, #tpu.memory_space<vmem>> -> memref<1x40xi32, #tpu.memory_space<vmem>>
      %dma_start3A_302 = tpu.memref_squeeze %dma_start3A_301 : memref<1x40xi32, #tpu.memory_space<vmem>> -> memref<40xi32, #tpu.memory_space<vmem>>
      %dma_start3A_303 = arith.constant 0 : i32
      %dma_start3A_304 = arith.constant 0 : i32
      %dma_start3A_305 = tpu.memref_slice %arg2[%dma_start3A_303, %dma_start3A_304] : memref<10240x128xf32, #tpu.memory_space<hbm>> -> memref<10240x128xf32, #tpu.memory_space<hbm>>
      tpu.enqueue_indirect_dma source(%dma_start3A_305 : memref<10240x128xf32, #tpu.memory_space<hbm>>) target(%arg11 : memref<40x128xf32, #tpu.memory_space<vmem>>) offsets(%dma_start3A_302 : memref<40xi32, #tpu.memory_space<vmem>>) semaphore(%arg17 : memref<!tpu.dma_semaphore, #tpu.memory_space<semaphore_mem>>)
      %dma_wait3A_306 = arith.constant 0 : i32
      %dma_wait3A_307 = arith.constant 0 : i32
      %dma_wait3A_308 = tpu.memref_slice %arg7[%dma_wait3A_306, %dma_wait3A_307] : memref<250x40xi32, #tpu.memory_space<vmem>> -> memref<1x40xi32, #tpu.memory_space<vmem>>
      %dma_wait3A_309 = tpu.memref_squeeze %dma_wait3A_308 : memref<1x40xi32, #tpu.memory_space<vmem>> -> memref<40xi32, #tpu.memory_space<vmem>>
      %dma_wait3A_310 = arith.constant 0 : i32
      %dma_wait3A_311 = arith.constant 0 : i32
      %dma_wait3A_312 = tpu.memref_slice %arg2[%dma_wait3A_310, %dma_wait3A_311] : memref<10240x128xf32, #tpu.memory_space<hbm>> -> memref<10240x128xf32, #tpu.memory_space<hbm>>
      tpu.wait_indirect_dma semaphore(%arg18 : memref<!tpu.dma_semaphore, #tpu.memory_space<semaphore_mem>>) src(%dma_wait3A_312 : memref<10240x128xf32, #tpu.memory_space<hbm>>) dst(%arg12 : memref<40x128xf32, #tpu.memory_space<vmem>>)
      %add3A_313 = arith.constant 3 : i32
      %add3A_314 = arith.addi %add3A_195, %add3A_313 : i32
      %sub3A_315 = arith.constant 4 : i32
      %sub3A_316 = arith.subi %add3A_314, %sub3A_315 : i32
      %dma_start3A_317 = arith.constant 0 : i32
      %dma_start3A_318 = tpu.memref_slice %arg6[%sub3A_316, %dma_start3A_317] : memref<250x40xi32, #tpu.memory_space<vmem>> -> memref<1x40xi32, #tpu.memory_space<vmem>>
      %dma_start3A_319 = tpu.memref_squeeze %dma_start3A_318 : memref<1x40xi32, #tpu.memory_space<vmem>> -> memref<40xi32, #tpu.memory_space<vmem>>
      %dma_start3A_320 = arith.constant 0 : i32
      %dma_start3A_321 = arith.constant 0 : i32
      %dma_start3A_322 = tpu.memref_slice %arg13[%dma_start3A_320, %dma_start3A_321] : memref<10240x128xf32, #tpu.memory_space<vmem_shared>> -> memref<10240x128xf32, #tpu.memory_space<vmem_shared>>
      tpu.enqueue_indirect_dma source(%arg12 : memref<40x128xf32, #tpu.memory_space<vmem>>) target(%dma_start3A_322 : memref<10240x128xf32, #tpu.memory_space<vmem_shared>>) offsets(%dma_start3A_319 : memref<40xi32, #tpu.memory_space<vmem>>) semaphore(%arg23 : memref<!tpu.dma_semaphore, #tpu.memory_space<semaphore_mem>>) {add = true}
      %dma_wait3A_323 = arith.constant 0 : i32
      %dma_wait3A_324 = arith.constant 0 : i32
      %dma_wait3A_325 = tpu.memref_slice %arg6[%dma_wait3A_323, %dma_wait3A_324] : memref<250x40xi32, #tpu.memory_space<vmem>> -> memref<1x40xi32, #tpu.memory_space<vmem>>
      %dma_wait3A_326 = tpu.memref_squeeze %dma_wait3A_325 : memref<1x40xi32, #tpu.memory_space<vmem>> -> memref<40xi32, #tpu.memory_space<vmem>>
      %dma_wait3A_327 = arith.constant 0 : i32
      %dma_wait3A_328 = arith.constant 0 : i32
      %dma_wait3A_329 = tpu.memref_slice %arg13[%dma_wait3A_327, %dma_wait3A_328] : memref<10240x128xf32, #tpu.memory_space<vmem_shared>> -> memref<10240x128xf32, #tpu.memory_space<vmem_shared>>
      tpu.wait_indirect_dma semaphore(%arg23 : memref<!tpu.dma_semaphore, #tpu.memory_space<semaphore_mem>>) src(%arg12 : memref<40x128xf32, #tpu.memory_space<vmem>>) dst(%dma_wait3A_329 : memref<10240x128xf32, #tpu.memory_space<vmem_shared>>)
      %add3A_330 = arith.constant 4 : i32
      %add3A_331 = arith.addi %add3A_195, %add3A_330 : i32
      %dma_start3A_332 = arith.constant 0 : i32
      %dma_start3A_333 = tpu.memref_slice %arg7[%add3A_331, %dma_start3A_332] : memref<250x40xi32, #tpu.memory_space<vmem>> -> memref<1x40xi32, #tpu.memory_space<vmem>>
      %dma_start3A_334 = tpu.memref_squeeze %dma_start3A_333 : memref<1x40xi32, #tpu.memory_space<vmem>> -> memref<40xi32, #tpu.memory_space<vmem>>
      %dma_start3A_335 = arith.constant 0 : i32
      %dma_start3A_336 = arith.constant 0 : i32
      %dma_start3A_337 = tpu.memref_slice %arg2[%dma_start3A_335, %dma_start3A_336] : memref<10240x128xf32, #tpu.memory_space<hbm>> -> memref<10240x128xf32, #tpu.memory_space<hbm>>
      tpu.enqueue_indirect_dma source(%dma_start3A_337 : memref<10240x128xf32, #tpu.memory_space<hbm>>) target(%arg12 : memref<40x128xf32, #tpu.memory_space<vmem>>) offsets(%dma_start3A_334 : memref<40xi32, #tpu.memory_space<vmem>>) semaphore(%arg18 : memref<!tpu.dma_semaphore, #tpu.memory_space<semaphore_mem>>)
      %dma_wait3A_338 = arith.constant 0 : i32
      %dma_wait3A_339 = arith.constant 0 : i32
      %dma_wait3A_340 = tpu.memref_slice %arg7[%dma_wait3A_338, %dma_wait3A_339] : memref<250x40xi32, #tpu.memory_space<vmem>> -> memref<1x40xi32, #tpu.memory_space<vmem>>
      %dma_wait3A_341 = tpu.memref_squeeze %dma_wait3A_340 : memref<1x40xi32, #tpu.memory_space<vmem>> -> memref<40xi32, #tpu.memory_space<vmem>>
      %dma_wait3A_342 = arith.constant 0 : i32
      %dma_wait3A_343 = arith.constant 0 : i32
      %dma_wait3A_344 = tpu.memref_slice %arg2[%dma_wait3A_342, %dma_wait3A_343] : memref<10240x128xf32, #tpu.memory_space<hbm>> -> memref<10240x128xf32, #tpu.memory_space<hbm>>
      tpu.wait_indirect_dma semaphore(%arg14 : memref<!tpu.dma_semaphore, #tpu.memory_space<semaphore_mem>>) src(%dma_wait3A_344 : memref<10240x128xf32, #tpu.memory_space<hbm>>) dst(%arg8 : memref<40x128xf32, #tpu.memory_space<vmem>>)
      %add3A_345 = arith.constant 4 : i32
      %add3A_346 = arith.addi %add3A_195, %add3A_345 : i32
      %sub3A_347 = arith.constant 4 : i32
      %sub3A_348 = arith.subi %add3A_346, %sub3A_347 : i32
      %dma_start3A_349 = arith.constant 0 : i32
      %dma_start3A_350 = tpu.memref_slice %arg6[%sub3A_348, %dma_start3A_349] : memref<250x40xi32, #tpu.memory_space<vmem>> -> memref<1x40xi32, #tpu.memory_space<vmem>>
      %dma_start3A_351 = tpu.memref_squeeze %dma_start3A_350 : memref<1x40xi32, #tpu.memory_space<vmem>> -> memref<40xi32, #tpu.memory_space<vmem>>
      %dma_start3A_352 = arith.constant 0 : i32
      %dma_start3A_353 = arith.constant 0 : i32
      %dma_start3A_354 = tpu.memref_slice %arg13[%dma_start3A_352, %dma_start3A_353] : memref<10240x128xf32, #tpu.memory_space<vmem_shared>> -> memref<10240x128xf32, #tpu.memory_space<vmem_shared>>
      tpu.enqueue_indirect_dma source(%arg8 : memref<40x128xf32, #tpu.memory_space<vmem>>) target(%dma_start3A_354 : memref<10240x128xf32, #tpu.memory_space<vmem_shared>>) offsets(%dma_start3A_351 : memref<40xi32, #tpu.memory_space<vmem>>) semaphore(%arg19 : memref<!tpu.dma_semaphore, #tpu.memory_space<semaphore_mem>>) {add = true}
    }
    %scan3A_93 = arith.constant 49 : i32
    %dma_wait3A_94 = arith.constant 0 : i32
    %dma_wait3A_95 = arith.constant 0 : i32
    %dma_wait3A_96 = tpu.memref_slice %arg7[%dma_wait3A_94, %dma_wait3A_95] : memref<250x40xi32, #tpu.memory_space<vmem>> -> memref<1x40xi32, #tpu.memory_space<vmem>>
    %dma_wait3A_97 = tpu.memref_squeeze %dma_wait3A_96 : memref<1x40xi32, #tpu.memory_space<vmem>> -> memref<40xi32, #tpu.memory_space<vmem>>
    %dma_wait3A_98 = arith.constant 0 : i32
    %dma_wait3A_99 = arith.constant 0 : i32
    %dma_wait3A_100 = tpu.memref_slice %arg2[%dma_wait3A_98, %dma_wait3A_99] : memref<10240x128xf32, #tpu.memory_space<hbm>> -> memref<10240x128xf32, #tpu.memory_space<hbm>>
    tpu.wait_indirect_dma semaphore(%arg15 : memref<!tpu.dma_semaphore, #tpu.memory_space<semaphore_mem>>) src(%dma_wait3A_100 : memref<10240x128xf32, #tpu.memory_space<hbm>>) dst(%arg9 : memref<40x128xf32, #tpu.memory_space<vmem>>)
    %dma_start3A_101 = arith.constant 246 : i32
    %dma_start3A_102 = arith.constant 0 : i32
    %dma_start3A_103 = tpu.memref_slice %arg6[%dma_start3A_101, %dma_start3A_102] : memref<250x40xi32, #tpu.memory_space<vmem>> -> memref<1x40xi32, #tpu.memory_space<vmem>>
    %dma_start3A_104 = tpu.memref_squeeze %dma_start3A_103 : memref<1x40xi32, #tpu.memory_space<vmem>> -> memref<40xi32, #tpu.memory_space<vmem>>
    %dma_start3A_105 = arith.constant 0 : i32
    %dma_start3A_106 = arith.constant 0 : i32
    %dma_start3A_107 = tpu.memref_slice %arg13[%dma_start3A_105, %dma_start3A_106] : memref<10240x128xf32, #tpu.memory_space<vmem_shared>> -> memref<10240x128xf32, #tpu.memory_space<vmem_shared>>
    tpu.enqueue_indirect_dma source(%arg9 : memref<40x128xf32, #tpu.memory_space<vmem>>) target(%dma_start3A_107 : memref<10240x128xf32, #tpu.memory_space<vmem_shared>>) offsets(%dma_start3A_104 : memref<40xi32, #tpu.memory_space<vmem>>) semaphore(%arg20 : memref<!tpu.dma_semaphore, #tpu.memory_space<semaphore_mem>>) {add = true}
    %dma_wait3A_108 = arith.constant 0 : i32
    %dma_wait3A_109 = arith.constant 0 : i32
    %dma_wait3A_110 = tpu.memref_slice %arg7[%dma_wait3A_108, %dma_wait3A_109] : memref<250x40xi32, #tpu.memory_space<vmem>> -> memref<1x40xi32, #tpu.memory_space<vmem>>
    %dma_wait3A_111 = tpu.memref_squeeze %dma_wait3A_110 : memref<1x40xi32, #tpu.memory_space<vmem>> -> memref<40xi32, #tpu.memory_space<vmem>>
    %dma_wait3A_112 = arith.constant 0 : i32
    %dma_wait3A_113 = arith.constant 0 : i32
    %dma_wait3A_114 = tpu.memref_slice %arg2[%dma_wait3A_112, %dma_wait3A_113] : memref<10240x128xf32, #tpu.memory_space<hbm>> -> memref<10240x128xf32, #tpu.memory_space<hbm>>
    tpu.wait_indirect_dma semaphore(%arg16 : memref<!tpu.dma_semaphore, #tpu.memory_space<semaphore_mem>>) src(%dma_wait3A_114 : memref<10240x128xf32, #tpu.memory_space<hbm>>) dst(%arg10 : memref<40x128xf32, #tpu.memory_space<vmem>>)
    %dma_start3A_115 = arith.constant 247 : i32
    %dma_start3A_116 = arith.constant 0 : i32
    %dma_start3A_117 = tpu.memref_slice %arg6[%dma_start3A_115, %dma_start3A_116] : memref<250x40xi32, #tpu.memory_space<vmem>> -> memref<1x40xi32, #tpu.memory_space<vmem>>
    %dma_start3A_118 = tpu.memref_squeeze %dma_start3A_117 : memref<1x40xi32, #tpu.memory_space<vmem>> -> memref<40xi32, #tpu.memory_space<vmem>>
    %dma_start3A_119 = arith.constant 0 : i32
    %dma_start3A_120 = arith.constant 0 : i32
    %dma_start3A_121 = tpu.memref_slice %arg13[%dma_start3A_119, %dma_start3A_120] : memref<10240x128xf32, #tpu.memory_space<vmem_shared>> -> memref<10240x128xf32, #tpu.memory_space<vmem_shared>>
    tpu.enqueue_indirect_dma source(%arg10 : memref<40x128xf32, #tpu.memory_space<vmem>>) target(%dma_start3A_121 : memref<10240x128xf32, #tpu.memory_space<vmem_shared>>) offsets(%dma_start3A_118 : memref<40xi32, #tpu.memory_space<vmem>>) semaphore(%arg21 : memref<!tpu.dma_semaphore, #tpu.memory_space<semaphore_mem>>) {add = true}
    %dma_wait3A_122 = arith.constant 0 : i32
    %dma_wait3A_123 = arith.constant 0 : i32
    %dma_wait3A_124 = tpu.memref_slice %arg7[%dma_wait3A_122, %dma_wait3A_123] : memref<250x40xi32, #tpu.memory_space<vmem>> -> memref<1x40xi32, #tpu.memory_space<vmem>>
    %dma_wait3A_125 = tpu.memref_squeeze %dma_wait3A_124 : memref<1x40xi32, #tpu.memory_space<vmem>> -> memref<40xi32, #tpu.memory_space<vmem>>
    %dma_wait3A_126 = arith.constant 0 : i32
    %dma_wait3A_127 = arith.constant 0 : i32
    %dma_wait3A_128 = tpu.memref_slice %arg2[%dma_wait3A_126, %dma_wait3A_127] : memref<10240x128xf32, #tpu.memory_space<hbm>> -> memref<10240x128xf32, #tpu.memory_space<hbm>>
    tpu.wait_indirect_dma semaphore(%arg17 : memref<!tpu.dma_semaphore, #tpu.memory_space<semaphore_mem>>) src(%dma_wait3A_128 : memref<10240x128xf32, #tpu.memory_space<hbm>>) dst(%arg11 : memref<40x128xf32, #tpu.memory_space<vmem>>)
    %dma_start3A_129 = arith.constant 248 : i32
    %dma_start3A_130 = arith.constant 0 : i32
    %dma_start3A_131 = tpu.memref_slice %arg6[%dma_start3A_129, %dma_start3A_130] : memref<250x40xi32, #tpu.memory_space<vmem>> -> memref<1x40xi32, #tpu.memory_space<vmem>>
    %dma_start3A_132 = tpu.memref_squeeze %dma_start3A_131 : memref<1x40xi32, #tpu.memory_space<vmem>> -> memref<40xi32, #tpu.memory_space<vmem>>
    %dma_start3A_133 = arith.constant 0 : i32
    %dma_start3A_134 = arith.constant 0 : i32
    %dma_start3A_135 = tpu.memref_slice %arg13[%dma_start3A_133, %dma_start3A_134] : memref<10240x128xf32, #tpu.memory_space<vmem_shared>> -> memref<10240x128xf32, #tpu.memory_space<vmem_shared>>
    tpu.enqueue_indirect_dma source(%arg11 : memref<40x128xf32, #tpu.memory_space<vmem>>) target(%dma_start3A_135 : memref<10240x128xf32, #tpu.memory_space<vmem_shared>>) offsets(%dma_start3A_132 : memref<40xi32, #tpu.memory_space<vmem>>) semaphore(%arg22 : memref<!tpu.dma_semaphore, #tpu.memory_space<semaphore_mem>>) {add = true}
    %dma_wait3A_136 = arith.constant 0 : i32
    %dma_wait3A_137 = arith.constant 0 : i32
    %dma_wait3A_138 = tpu.memref_slice %arg7[%dma_wait3A_136, %dma_wait3A_137] : memref<250x40xi32, #tpu.memory_space<vmem>> -> memref<1x40xi32, #tpu.memory_space<vmem>>
    %dma_wait3A_139 = tpu.memref_squeeze %dma_wait3A_138 : memref<1x40xi32, #tpu.memory_space<vmem>> -> memref<40xi32, #tpu.memory_space<vmem>>
    %dma_wait3A_140 = arith.constant 0 : i32
    %dma_wait3A_141 = arith.constant 0 : i32
    %dma_wait3A_142 = tpu.memref_slice %arg2[%dma_wait3A_140, %dma_wait3A_141] : memref<10240x128xf32, #tpu.memory_space<hbm>> -> memref<10240x128xf32, #tpu.memory_space<hbm>>
    tpu.wait_indirect_dma semaphore(%arg18 : memref<!tpu.dma_semaphore, #tpu.memory_space<semaphore_mem>>) src(%dma_wait3A_142 : memref<10240x128xf32, #tpu.memory_space<hbm>>) dst(%arg12 : memref<40x128xf32, #tpu.memory_space<vmem>>)
    %dma_start3A_143 = arith.constant 249 : i32
    %dma_start3A_144 = arith.constant 0 : i32
    %dma_start3A_145 = tpu.memref_slice %arg6[%dma_start3A_143, %dma_start3A_144] : memref<250x40xi32, #tpu.memory_space<vmem>> -> memref<1x40xi32, #tpu.memory_space<vmem>>
    %dma_start3A_146 = tpu.memref_squeeze %dma_start3A_145 : memref<1x40xi32, #tpu.memory_space<vmem>> -> memref<40xi32, #tpu.memory_space<vmem>>
    %dma_start3A_147 = arith.constant 0 : i32
    %dma_start3A_148 = arith.constant 0 : i32
    %dma_start3A_149 = tpu.memref_slice %arg13[%dma_start3A_147, %dma_start3A_148] : memref<10240x128xf32, #tpu.memory_space<vmem_shared>> -> memref<10240x128xf32, #tpu.memory_space<vmem_shared>>
    tpu.enqueue_indirect_dma source(%arg12 : memref<40x128xf32, #tpu.memory_space<vmem>>) target(%dma_start3A_149 : memref<10240x128xf32, #tpu.memory_space<vmem_shared>>) offsets(%dma_start3A_146 : memref<40xi32, #tpu.memory_space<vmem>>) semaphore(%arg23 : memref<!tpu.dma_semaphore, #tpu.memory_space<semaphore_mem>>) {add = true}
    %dma_wait3A_150 = arith.constant 0 : i32
    %dma_wait3A_151 = arith.constant 0 : i32
    %dma_wait3A_152 = tpu.memref_slice %arg6[%dma_wait3A_150, %dma_wait3A_151] : memref<250x40xi32, #tpu.memory_space<vmem>> -> memref<1x40xi32, #tpu.memory_space<vmem>>
    %dma_wait3A_153 = tpu.memref_squeeze %dma_wait3A_152 : memref<1x40xi32, #tpu.memory_space<vmem>> -> memref<40xi32, #tpu.memory_space<vmem>>
    %dma_wait3A_154 = arith.constant 0 : i32
    %dma_wait3A_155 = arith.constant 0 : i32
    %dma_wait3A_156 = tpu.memref_slice %arg13[%dma_wait3A_154, %dma_wait3A_155] : memref<10240x128xf32, #tpu.memory_space<vmem_shared>> -> memref<10240x128xf32, #tpu.memory_space<vmem_shared>>
    tpu.wait_indirect_dma semaphore(%arg19 : memref<!tpu.dma_semaphore, #tpu.memory_space<semaphore_mem>>) src(%arg8 : memref<40x128xf32, #tpu.memory_space<vmem>>) dst(%dma_wait3A_156 : memref<10240x128xf32, #tpu.memory_space<vmem_shared>>)
    %dma_wait3A_157 = arith.constant 0 : i32
    %dma_wait3A_158 = arith.constant 0 : i32
    %dma_wait3A_159 = tpu.memref_slice %arg6[%dma_wait3A_157, %dma_wait3A_158] : memref<250x40xi32, #tpu.memory_space<vmem>> -> memref<1x40xi32, #tpu.memory_space<vmem>>
    %dma_wait3A_160 = tpu.memref_squeeze %dma_wait3A_159 : memref<1x40xi32, #tpu.memory_space<vmem>> -> memref<40xi32, #tpu.memory_space<vmem>>
    %dma_wait3A_161 = arith.constant 0 : i32
    %dma_wait3A_162 = arith.constant 0 : i32
    %dma_wait3A_163 = tpu.memref_slice %arg13[%dma_wait3A_161, %dma_wait3A_162] : memref<10240x128xf32, #tpu.memory_space<vmem_shared>> -> memref<10240x128xf32, #tpu.memory_space<vmem_shared>>
    tpu.wait_indirect_dma semaphore(%arg20 : memref<!tpu.dma_semaphore, #tpu.memory_space<semaphore_mem>>) src(%arg9 : memref<40x128xf32, #tpu.memory_space<vmem>>) dst(%dma_wait3A_163 : memref<10240x128xf32, #tpu.memory_space<vmem_shared>>)
    %dma_wait3A_164 = arith.constant 0 : i32
    %dma_wait3A_165 = arith.constant 0 : i32
    %dma_wait3A_166 = tpu.memref_slice %arg6[%dma_wait3A_164, %dma_wait3A_165] : memref<250x40xi32, #tpu.memory_space<vmem>> -> memref<1x40xi32, #tpu.memory_space<vmem>>
    %dma_wait3A_167 = tpu.memref_squeeze %dma_wait3A_166 : memref<1x40xi32, #tpu.memory_space<vmem>> -> memref<40xi32, #tpu.memory_space<vmem>>
    %dma_wait3A_168 = arith.constant 0 : i32
    %dma_wait3A_169 = arith.constant 0 : i32
    %dma_wait3A_170 = tpu.memref_slice %arg13[%dma_wait3A_168, %dma_wait3A_169] : memref<10240x128xf32, #tpu.memory_space<vmem_shared>> -> memref<10240x128xf32, #tpu.memory_space<vmem_shared>>
    tpu.wait_indirect_dma semaphore(%arg21 : memref<!tpu.dma_semaphore, #tpu.memory_space<semaphore_mem>>) src(%arg10 : memref<40x128xf32, #tpu.memory_space<vmem>>) dst(%dma_wait3A_170 : memref<10240x128xf32, #tpu.memory_space<vmem_shared>>)
    %dma_wait3A_171 = arith.constant 0 : i32
    %dma_wait3A_172 = arith.constant 0 : i32
    %dma_wait3A_173 = tpu.memref_slice %arg6[%dma_wait3A_171, %dma_wait3A_172] : memref<250x40xi32, #tpu.memory_space<vmem>> -> memref<1x40xi32, #tpu.memory_space<vmem>>
    %dma_wait3A_174 = tpu.memref_squeeze %dma_wait3A_173 : memref<1x40xi32, #tpu.memory_space<vmem>> -> memref<40xi32, #tpu.memory_space<vmem>>
    %dma_wait3A_175 = arith.constant 0 : i32
    %dma_wait3A_176 = arith.constant 0 : i32
    %dma_wait3A_177 = tpu.memref_slice %arg13[%dma_wait3A_175, %dma_wait3A_176] : memref<10240x128xf32, #tpu.memory_space<vmem_shared>> -> memref<10240x128xf32, #tpu.memory_space<vmem_shared>>
    tpu.wait_indirect_dma semaphore(%arg22 : memref<!tpu.dma_semaphore, #tpu.memory_space<semaphore_mem>>) src(%arg11 : memref<40x128xf32, #tpu.memory_space<vmem>>) dst(%dma_wait3A_177 : memref<10240x128xf32, #tpu.memory_space<vmem_shared>>)
    %dma_wait3A_178 = arith.constant 0 : i32
    %dma_wait3A_179 = arith.constant 0 : i32
    %dma_wait3A_180 = tpu.memref_slice %arg6[%dma_wait3A_178, %dma_wait3A_179] : memref<250x40xi32, #tpu.memory_space<vmem>> -> memref<1x40xi32, #tpu.memory_space<vmem>>
    %dma_wait3A_181 = tpu.memref_squeeze %dma_wait3A_180 : memref<1x40xi32, #tpu.memory_space<vmem>> -> memref<40xi32, #tpu.memory_space<vmem>>
    %dma_wait3A_182 = arith.constant 0 : i32
    %dma_wait3A_183 = arith.constant 0 : i32
    %dma_wait3A_184 = tpu.memref_slice %arg13[%dma_wait3A_182, %dma_wait3A_183] : memref<10240x128xf32, #tpu.memory_space<vmem_shared>> -> memref<10240x128xf32, #tpu.memory_space<vmem_shared>>
    tpu.wait_indirect_dma semaphore(%arg23 : memref<!tpu.dma_semaphore, #tpu.memory_space<semaphore_mem>>) src(%arg12 : memref<40x128xf32, #tpu.memory_space<vmem>>) dst(%dma_wait3A_184 : memref<10240x128xf32, #tpu.memory_space<vmem_shared>>)
    %barrier3A_185 = arith.constant 0 : index
    tpu.barrier barrier_id(%barrier3A_185)
    %scan3A_186 = arith.constant 0 : i32
    %scan3A_187 = arith.constant 5 : i32
    %scan3A_188 = arith.addi %scan3A_186, %scan3A_187 : i32
    %scan3A_189 = arith.constant 1 : i32
    scf.for %scan3A_191 = %scan3A_186 to %scan3A_188 step %scan3A_189  : i32 {
      %mul3A_192 = arith.constant 1 : i32
      %mul3A_193 = arith.muli %scan3A_191, %mul3A_192 : i32
      %add3A_194 = arith.constant 0 : i32
      %add3A_195 = arith.addi %add3A_194, %mul3A_193 : i32
      %mul3A_196 = arith.constant 640 : i32
      %mul3A_197 = arith.muli %arg1, %mul3A_196 : i32
      %mul3A_198 = arith.constant 128 : i32
      %mul3A_199 = arith.muli %add3A_195, %mul3A_198 : i32
      %add3A_200 = arith.addi %mul3A_197, %mul3A_199 : i32
      %mul3A_201 = arith.constant 640 : i32
      %mul3A_202 = arith.muli %arg1, %mul3A_201 : i32
      %mul3A_203 = arith.constant 128 : i32
      %mul3A_204 = arith.muli %add3A_195, %mul3A_203 : i32
      %add3A_205 = arith.addi %mul3A_202, %mul3A_204 : i32
      "tpu.region"() ({
        %run_scoped3A = tpu.sem_alloc : memref<!tpu.dma_semaphore, #tpu.memory_space<semaphore_mem>>
        %dma_start3A_206 = arith.constant 0 : i32
        %dma_start3A_207 = tpu.memref_slice %arg5[%arg0, %add3A_205, %dma_start3A_206] : memref<2x10240x128xf32, #tpu.memory_space<hbm>> -> memref<1x128x128xf32, #tpu.memory_space<hbm>>
        %dma_start3A_208 = tpu.memref_squeeze %dma_start3A_207 : memref<1x128x128xf32, #tpu.memory_space<hbm>> -> memref<128x128xf32, #tpu.memory_space<hbm>>
        %dma_start3A_209 = arith.constant 0 : i32
        %dma_start3A_210 = tpu.memref_slice %arg13[%add3A_200, %dma_start3A_209] : memref<10240x128xf32, #tpu.memory_space<vmem_shared>> -> memref<128x128xf32, #tpu.memory_space<vmem_shared>>
        tpu.enqueue_dma source(%dma_start3A_210 : memref<128x128xf32, #tpu.memory_space<vmem_shared>>) target(%dma_start3A_208 : memref<128x128xf32, #tpu.memory_space<hbm>>) target_semaphore(%run_scoped3A : memref<!tpu.dma_semaphore, #tpu.memory_space<semaphore_mem>>)
        %dma_wait3A_211 = arith.constant 0 : i32
        %dma_wait3A_212 = tpu.memref_slice %arg5[%arg0, %add3A_205, %dma_wait3A_211] : memref<2x10240x128xf32, #tpu.memory_space<hbm>> -> memref<1x128x128xf32, #tpu.memory_space<hbm>>
        %dma_wait3A_213 = tpu.memref_squeeze %dma_wait3A_212 : memref<1x128x128xf32, #tpu.memory_space<hbm>> -> memref<128x128xf32, #tpu.memory_space<hbm>>
        %dma_wait3A_214 = arith.constant 0 : i32
        %dma_wait3A_215 = tpu.memref_slice %arg13[%add3A_200, %dma_wait3A_214] : memref<10240x128xf32, #tpu.memory_space<vmem_shared>> -> memref<128x128xf32, #tpu.memory_space<vmem_shared>>
        tpu.wait_dma2 semaphore(%run_scoped3A : memref<!tpu.dma_semaphore, #tpu.memory_space<semaphore_mem>>) src(%dma_wait3A_215 : memref<128x128xf32, #tpu.memory_space<vmem_shared>>) dst(%dma_wait3A_213 : memref<128x128xf32, #tpu.memory_space<hbm>>)
        tpu.yield
      }) : () -> ()
    }
    %scan3A_190 = arith.constant 5 : i32
    return
  }
}

#map = affine_map<(d0, d1) -> (0, 0)>
#map1 = affine_map<(d0, d1) -> (0, 0, 0)>
module attributes {stable_mosaic.version = 14 : i64} {
  func.func @_segsum_body(%arg0: i32, %arg1: i32, %arg2: memref<10240x128xf32, #tpu.memory_space<hbm>>, %arg3: memref<32x250x40xi32, #tpu.memory_space<hbm>>, %arg4: memref<32x250x40xi32, #tpu.memory_space<hbm>>, %arg5: memref<2x10240x128xf32, #tpu.memory_space<hbm>>, %arg6: memref<250x40xi32, #tpu.memory_space<vmem>>, %arg7: memref<250x40xi32, #tpu.memory_space<vmem>>, %arg8: memref<40x128xf32, #tpu.memory_space<vmem>>, %arg9: memref<40x128xf32, #tpu.memory_space<vmem>>, %arg10: memref<40x128xf32, #tpu.memory_space<vmem>>, %arg11: memref<40x128xf32, #tpu.memory_space<vmem>>, %arg12: memref<40x128xf32, #tpu.memory_space<vmem>>, %arg13: memref<10240x128xf32, #tpu.memory_space<vmem_shared>>, %arg14: memref<!tpu.dma_semaphore, #tpu.memory_space<semaphore_mem>>, %arg15: memref<!tpu.dma_semaphore, #tpu.memory_space<semaphore_mem>>, %arg16: memref<!tpu.dma_semaphore, #tpu.memory_space<semaphore_mem>>, %arg17: memref<!tpu.dma_semaphore, #tpu.memory_space<semaphore_mem>>, %arg18: memref<!tpu.dma_semaphore, #tpu.memory_space<semaphore_mem>>, %arg19: memref<!tpu.dma_semaphore, #tpu.memory_space<semaphore_mem>>, %arg20: memref<!tpu.dma_semaphore, #tpu.memory_space<semaphore_mem>>, %arg21: memref<!tpu.dma_semaphore, #tpu.memory_space<semaphore_mem>>, %arg22: memref<!tpu.dma_semaphore, #tpu.memory_space<semaphore_mem>>, %arg23: memref<!tpu.dma_semaphore, #tpu.memory_space<semaphore_mem>>) attributes {dimension_semantics = [#tpu.dimension_semantics<core_parallel>, #tpu.dimension_semantics<subcore_parallel>], iteration_bounds = array<i64: 2, 16>, scalar_prefetch = 0 : i64, scratch_operands = 18 : i64, tpu.core_type = #tpu.core_type<sc_vector_subcore>, window_params = [{transform_indices = #map}, {transform_indices = #map1}, {transform_indices = #map1}, {transform_indices = #map1}]} {
    %mul3A = arith.constant 2 : i32
    %mul3A_0 = arith.muli %arg1, %mul3A : i32
    %add3A = arith.addi %mul3A_0, %arg0 : i32
    %dma_start3A = arith.constant 0 : i32
    %dma_start3A_1 = arith.constant 0 : i32
    %dma_start3A_2 = tpu.memref_slice %arg3[%add3A, %dma_start3A, %dma_start3A_1] : memref<32x250x40xi32, #tpu.memory_space<hbm>> -> memref<1x250x40xi32, #tpu.memory_space<hbm>>
    %dma_start3A_3 = tpu.memref_squeeze %dma_start3A_2 : memref<1x250x40xi32, #tpu.memory_space<hbm>> -> memref<250x40xi32, #tpu.memory_space<hbm>>
    %dma_start3A_4 = arith.constant 0 : i32
    %dma_start3A_5 = arith.constant 0 : i32
    %dma_start3A_6 = tpu.memref_slice %arg3[%add3A, %dma_start3A_4, %dma_start3A_5] : memref<32x250x40xi32, #tpu.memory_space<hbm>> -> memref<1x250x40xi32, #tpu.memory_space<hbm>>
    %dma_start3A_7 = tpu.memref_squeeze %dma_start3A_6 : memref<1x250x40xi32, #tpu.memory_space<hbm>> -> memref<250x40xi32, #tpu.memory_space<hbm>>
    tpu.enqueue_dma source(%dma_start3A_7 : memref<250x40xi32, #tpu.memory_space<hbm>>) target(%arg6 : memref<250x40xi32, #tpu.memory_space<vmem>>) target_semaphore(%arg19 : memref<!tpu.dma_semaphore, #tpu.memory_space<semaphore_mem>>)
    %dma_start3A_8 = arith.constant 0 : i32
    %dma_start3A_9 = arith.constant 0 : i32
    %dma_start3A_10 = tpu.memref_slice %arg4[%add3A, %dma_start3A_8, %dma_start3A_9] : memref<32x250x40xi32, #tpu.memory_space<hbm>> -> memref<1x250x40xi32, #tpu.memory_space<hbm>>
    %dma_start3A_11 = tpu.memref_squeeze %dma_start3A_10 : memref<1x250x40xi32, #tpu.memory_space<hbm>> -> memref<250x40xi32, #tpu.memory_space<hbm>>
    %dma_start3A_12 = arith.constant 0 : i32
    %dma_start3A_13 = arith.constant 0 : i32
    %dma_start3A_14 = tpu.memref_slice %arg4[%add3A, %dma_start3A_12, %dma_start3A_13] : memref<32x250x40xi32, #tpu.memory_space<hbm>> -> memref<1x250x40xi32, #tpu.memory_space<hbm>>
    %dma_start3A_15 = tpu.memref_squeeze %dma_start3A_14 : memref<1x250x40xi32, #tpu.memory_space<hbm>> -> memref<250x40xi32, #tpu.memory_space<hbm>>
    tpu.enqueue_dma source(%dma_start3A_15 : memref<250x40xi32, #tpu.memory_space<hbm>>) target(%arg7 : memref<250x40xi32, #tpu.memory_space<vmem>>) target_semaphore(%arg14 : memref<!tpu.dma_semaphore, #tpu.memory_space<semaphore_mem>>)
    %dma_wait3A = arith.constant 0 : i32
    %dma_wait3A_16 = arith.constant 0 : i32
    %dma_wait3A_17 = tpu.memref_slice %arg4[%add3A, %dma_wait3A, %dma_wait3A_16] : memref<32x250x40xi32, #tpu.memory_space<hbm>> -> memref<1x250x40xi32, #tpu.memory_space<hbm>>
    %dma_wait3A_18 = tpu.memref_squeeze %dma_wait3A_17 : memref<1x250x40xi32, #tpu.memory_space<hbm>> -> memref<250x40xi32, #tpu.memory_space<hbm>>
    %dma_wait3A_19 = arith.constant 0 : i32
    %dma_wait3A_20 = arith.constant 0 : i32
    %dma_wait3A_21 = tpu.memref_slice %arg4[%add3A, %dma_wait3A_19, %dma_wait3A_20] : memref<32x250x40xi32, #tpu.memory_space<hbm>> -> memref<1x250x40xi32, #tpu.memory_space<hbm>>
    %dma_wait3A_22 = tpu.memref_squeeze %dma_wait3A_21 : memref<1x250x40xi32, #tpu.memory_space<hbm>> -> memref<250x40xi32, #tpu.memory_space<hbm>>
    tpu.wait_dma2 semaphore(%arg14 : memref<!tpu.dma_semaphore, #tpu.memory_space<semaphore_mem>>) src(%dma_wait3A_22 : memref<250x40xi32, #tpu.memory_space<hbm>>) dst(%arg7 : memref<250x40xi32, #tpu.memory_space<vmem>>)
    %dma_start3A_23 = arith.constant 0 : i32
    %dma_start3A_24 = arith.constant 0 : i32
    %dma_start3A_25 = tpu.memref_slice %arg7[%dma_start3A_23, %dma_start3A_24] : memref<250x40xi32, #tpu.memory_space<vmem>> -> memref<1x40xi32, #tpu.memory_space<vmem>>
    %dma_start3A_26 = tpu.memref_squeeze %dma_start3A_25 : memref<1x40xi32, #tpu.memory_space<vmem>> -> memref<40xi32, #tpu.memory_space<vmem>>
    %dma_start3A_27 = arith.constant 0 : i32
    %dma_start3A_28 = arith.constant 0 : i32
    %dma_start3A_29 = tpu.memref_slice %arg2[%dma_start3A_27, %dma_start3A_28] : memref<10240x128xf32, #tpu.memory_space<hbm>> -> memref<10240x128xf32, #tpu.memory_space<hbm>>
    tpu.enqueue_indirect_dma source(%dma_start3A_29 : memref<10240x128xf32, #tpu.memory_space<hbm>>) target(%arg8 : memref<40x128xf32, #tpu.memory_space<vmem>>) offsets(%dma_start3A_26 : memref<40xi32, #tpu.memory_space<vmem>>) semaphore(%arg14 : memref<!tpu.dma_semaphore, #tpu.memory_space<semaphore_mem>>)
    %dma_start3A_30 = arith.constant 1 : i32
    %dma_start3A_31 = arith.constant 0 : i32
    %dma_start3A_32 = tpu.memref_slice %arg7[%dma_start3A_30, %dma_start3A_31] : memref<250x40xi32, #tpu.memory_space<vmem>> -> memref<1x40xi32, #tpu.memory_space<vmem>>
    %dma_start3A_33 = tpu.memref_squeeze %dma_start3A_32 : memref<1x40xi32, #tpu.memory_space<vmem>> -> memref<40xi32, #tpu.memory_space<vmem>>
    %dma_start3A_34 = arith.constant 0 : i32
    %dma_start3A_35 = arith.constant 0 : i32
    %dma_start3A_36 = tpu.memref_slice %arg2[%dma_start3A_34, %dma_start3A_35] : memref<10240x128xf32, #tpu.memory_space<hbm>> -> memref<10240x128xf32, #tpu.memory_space<hbm>>
    tpu.enqueue_indirect_dma source(%dma_start3A_36 : memref<10240x128xf32, #tpu.memory_space<hbm>>) target(%arg9 : memref<40x128xf32, #tpu.memory_space<vmem>>) offsets(%dma_start3A_33 : memref<40xi32, #tpu.memory_space<vmem>>) semaphore(%arg15 : memref<!tpu.dma_semaphore, #tpu.memory_space<semaphore_mem>>)
    %dma_start3A_37 = arith.constant 2 : i32
    %dma_start3A_38 = arith.constant 0 : i32
    %dma_start3A_39 = tpu.memref_slice %arg7[%dma_start3A_37, %dma_start3A_38] : memref<250x40xi32, #tpu.memory_space<vmem>> -> memref<1x40xi32, #tpu.memory_space<vmem>>
    %dma_start3A_40 = tpu.memref_squeeze %dma_start3A_39 : memref<1x40xi32, #tpu.memory_space<vmem>> -> memref<40xi32, #tpu.memory_space<vmem>>
    %dma_start3A_41 = arith.constant 0 : i32
    %dma_start3A_42 = arith.constant 0 : i32
    %dma_start3A_43 = tpu.memref_slice %arg2[%dma_start3A_41, %dma_start3A_42] : memref<10240x128xf32, #tpu.memory_space<hbm>> -> memref<10240x128xf32, #tpu.memory_space<hbm>>
    tpu.enqueue_indirect_dma source(%dma_start3A_43 : memref<10240x128xf32, #tpu.memory_space<hbm>>) target(%arg10 : memref<40x128xf32, #tpu.memory_space<vmem>>) offsets(%dma_start3A_40 : memref<40xi32, #tpu.memory_space<vmem>>) semaphore(%arg16 : memref<!tpu.dma_semaphore, #tpu.memory_space<semaphore_mem>>)
    %dma_start3A_44 = arith.constant 3 : i32
    %dma_start3A_45 = arith.constant 0 : i32
    %dma_start3A_46 = tpu.memref_slice %arg7[%dma_start3A_44, %dma_start3A_45] : memref<250x40xi32, #tpu.memory_space<vmem>> -> memref<1x40xi32, #tpu.memory_space<vmem>>
    %dma_start3A_47 = tpu.memref_squeeze %dma_start3A_46 : memref<1x40xi32, #tpu.memory_space<vmem>> -> memref<40xi32, #tpu.memory_space<vmem>>
    %dma_start3A_48 = arith.constant 0 : i32
    %dma_start3A_49 = arith.constant 0 : i32
    %dma_start3A_50 = tpu.memref_slice %arg2[%dma_start3A_48, %dma_start3A_49] : memref<10240x128xf32, #tpu.memory_space<hbm>> -> memref<10240x128xf32, #tpu.memory_space<hbm>>
    tpu.enqueue_indirect_dma source(%dma_start3A_50 : memref<10240x128xf32, #tpu.memory_space<hbm>>) target(%arg11 : memref<40x128xf32, #tpu.memory_space<vmem>>) offsets(%dma_start3A_47 : memref<40xi32, #tpu.memory_space<vmem>>) semaphore(%arg17 : memref<!tpu.dma_semaphore, #tpu.memory_space<semaphore_mem>>)
    %scan3A = arith.constant 0 : i32
    %scan3A_51 = arith.constant 40 : i32
    %scan3A_52 = arith.addi %scan3A, %scan3A_51 : i32
    %scan3A_53 = arith.constant 1 : i32
    scf.for %scan3A_191 = %scan3A to %scan3A_52 step %scan3A_53  : i32 {
      %mul3A_192 = arith.constant 1 : i32
      %mul3A_193 = arith.muli %scan3A_191, %mul3A_192 : i32
      %add3A_194 = arith.constant 0 : i32
      %add3A_195 = arith.addi %add3A_194, %mul3A_193 : i32
      %scan3A_196 = arith.constant 0 : i32
      %scan3A_197 = arith.constant 8 : i32
      %scan3A_198 = arith.addi %scan3A_196, %scan3A_197 : i32
      %scan3A_199 = arith.constant 1 : i32
      scf.for %scan3A_201 = %scan3A_196 to %scan3A_198 step %scan3A_199  : i32 {
        %mul3A_202 = arith.constant 1 : i32
        %mul3A_203 = arith.muli %scan3A_201, %mul3A_202 : i32
        %add3A_204 = arith.constant 0 : i32
        %add3A_205 = arith.addi %add3A_204, %mul3A_203 : i32
        %broadcast_in_dim3A = arith.constant 0.000000e+00 : f32
        %broadcast_in_dim3A_206 = vector.broadcast %broadcast_in_dim3A : f32 to vector<16xf32>
        %mul3A_207 = arith.constant 16 : i32
        %mul3A_208 = arith.muli %add3A_205, %mul3A_207 : i32
        %swap3A = arith.index_cast %add3A_195 : i32 to index
        %swap3A_209 = arith.index_cast %mul3A_208 : i32 to index
        %swap3A_210 = tpu.vector_load %arg12[%swap3A, %swap3A_209] {strides = array<i32>} : memref<40x128xf32, #tpu.memory_space<vmem>>, vector<1x16xf32>,
        %swap3A_211 = vector.shape_cast %swap3A_210 : vector<1x16xf32> to vector<16xf32>
        %swap3A_212 = vector.shape_cast %broadcast_in_dim3A_206 : vector<16xf32> to vector<1x16xf32>
        tpu.vector_store %arg12[%swap3A, %swap3A_209], %swap3A_212 {strides = array<i32>} : memref<40x128xf32, #tpu.memory_space<vmem>>, vector<1x16xf32>,
      }
      %scan3A_200 = arith.constant 8 : i32
    }
    %scan3A_54 = arith.constant 40 : i32
    %scan3A_55 = arith.constant 0 : i32
    %scan3A_56 = arith.constant 4 : i32
    %scan3A_57 = arith.addi %scan3A_55, %scan3A_56 : i32
    %scan3A_58 = arith.constant 1 : i32
    scf.for %scan3A_191 = %scan3A_55 to %scan3A_57 step %scan3A_58  : i32 {
      %mul3A_192 = arith.constant 1 : i32
      %mul3A_193 = arith.muli %scan3A_191, %mul3A_192 : i32
      %add3A_194 = arith.constant 0 : i32
      %add3A_195 = arith.addi %add3A_194, %mul3A_193 : i32
      %mul3A_196 = arith.constant 640 : i32
      %mul3A_197 = arith.muli %arg1, %mul3A_196 : i32
      %mul3A_198 = arith.constant 4 : i32
      %mul3A_199 = arith.muli %add3A_195, %mul3A_198 : i32
      %mul3A_200 = arith.constant 40 : i32
      %mul3A_201 = arith.muli %mul3A_199, %mul3A_200 : i32
      %add3A_202 = arith.addi %mul3A_197, %mul3A_201 : i32
      %add3A_203 = arith.constant 0 : i32
      %add3A_204 = arith.addi %add3A_202, %add3A_203 : i32
      %dma_start3A_205 = arith.constant 0 : i32
      %dma_start3A_206 = tpu.memref_slice %arg13[%add3A_204, %dma_start3A_205] : memref<10240x128xf32, #tpu.memory_space<vmem_shared>> -> memref<40x128xf32, #tpu.memory_space<vmem_shared>>
      %dma_start3A_207 = arith.constant 0 : i32
      %dma_start3A_208 = tpu.memref_slice %arg13[%add3A_204, %dma_start3A_207] : memref<10240x128xf32, #tpu.memory_space<vmem_shared>> -> memref<40x128xf32, #tpu.memory_space<vmem_shared>>
      tpu.enqueue_dma source(%arg12 : memref<40x128xf32, #tpu.memory_space<vmem>>) target(%dma_start3A_208 : memref<40x128xf32, #tpu.memory_space<vmem_shared>>) target_semaphore(%arg20 : memref<!tpu.dma_semaphore, #tpu.memory_space<semaphore_mem>>)
      %add3A_209 = arith.constant 40 : i32
      %add3A_210 = arith.addi %add3A_202, %add3A_209 : i32
      %dma_start3A_211 = arith.constant 0 : i32
      %dma_start3A_212 = tpu.memref_slice %arg13[%add3A_210, %dma_start3A_211] : memref<10240x128xf32, #tpu.memory_space<vmem_shared>> -> memref<40x128xf32, #tpu.memory_space<vmem_shared>>
      %dma_start3A_213 = arith.constant 0 : i32
      %dma_start3A_214 = tpu.memref_slice %arg13[%add3A_210, %dma_start3A_213] : memref<10240x128xf32, #tpu.memory_space<vmem_shared>> -> memref<40x128xf32, #tpu.memory_space<vmem_shared>>
      tpu.enqueue_dma source(%arg12 : memref<40x128xf32, #tpu.memory_space<vmem>>) target(%dma_start3A_214 : memref<40x128xf32, #tpu.memory_space<vmem_shared>>) target_semaphore(%arg21 : memref<!tpu.dma_semaphore, #tpu.memory_space<semaphore_mem>>)
      %add3A_215 = arith.constant 80 : i32
      %add3A_216 = arith.addi %add3A_202, %add3A_215 : i32
      %dma_start3A_217 = arith.constant 0 : i32
      %dma_start3A_218 = tpu.memref_slice %arg13[%add3A_216, %dma_start3A_217] : memref<10240x128xf32, #tpu.memory_space<vmem_shared>> -> memref<40x128xf32, #tpu.memory_space<vmem_shared>>
      %dma_start3A_219 = arith.constant 0 : i32
      %dma_start3A_220 = tpu.memref_slice %arg13[%add3A_216, %dma_start3A_219] : memref<10240x128xf32, #tpu.memory_space<vmem_shared>> -> memref<40x128xf32, #tpu.memory_space<vmem_shared>>
      tpu.enqueue_dma source(%arg12 : memref<40x128xf32, #tpu.memory_space<vmem>>) target(%dma_start3A_220 : memref<40x128xf32, #tpu.memory_space<vmem_shared>>) target_semaphore(%arg22 : memref<!tpu.dma_semaphore, #tpu.memory_space<semaphore_mem>>)
      %add3A_221 = arith.constant 120 : i32
      %add3A_222 = arith.addi %add3A_202, %add3A_221 : i32
      %dma_start3A_223 = arith.constant 0 : i32
      %dma_start3A_224 = tpu.memref_slice %arg13[%add3A_222, %dma_start3A_223] : memref<10240x128xf32, #tpu.memory_space<vmem_shared>> -> memref<40x128xf32, #tpu.memory_space<vmem_shared>>
      %dma_start3A_225 = arith.constant 0 : i32
      %dma_start3A_226 = tpu.memref_slice %arg13[%add3A_222, %dma_start3A_225] : memref<10240x128xf32, #tpu.memory_space<vmem_shared>> -> memref<40x128xf32, #tpu.memory_space<vmem_shared>>
      tpu.enqueue_dma source(%arg12 : memref<40x128xf32, #tpu.memory_space<vmem>>) target(%dma_start3A_226 : memref<40x128xf32, #tpu.memory_space<vmem_shared>>) target_semaphore(%arg23 : memref<!tpu.dma_semaphore, #tpu.memory_space<semaphore_mem>>)
      %add3A_227 = arith.constant 0 : i32
      %add3A_228 = arith.addi %add3A_202, %add3A_227 : i32
      %dma_wait3A_229 = arith.constant 0 : i32
      %dma_wait3A_230 = tpu.memref_slice %arg13[%add3A_228, %dma_wait3A_229] : memref<10240x128xf32, #tpu.memory_space<vmem_shared>> -> memref<40x128xf32, #tpu.memory_space<vmem_shared>>
      %dma_wait3A_231 = arith.constant 0 : i32
      %dma_wait3A_232 = tpu.memref_slice %arg13[%add3A_228, %dma_wait3A_231] : memref<10240x128xf32, #tpu.memory_space<vmem_shared>> -> memref<40x128xf32, #tpu.memory_space<vmem_shared>>
      tpu.wait_dma2 semaphore(%arg20 : memref<!tpu.dma_semaphore, #tpu.memory_space<semaphore_mem>>) src(%arg12 : memref<40x128xf32, #tpu.memory_space<vmem>>) dst(%dma_wait3A_232 : memref<40x128xf32, #tpu.memory_space<vmem_shared>>)
      %add3A_233 = arith.constant 40 : i32
      %add3A_234 = arith.addi %add3A_202, %add3A_233 : i32
      %dma_wait3A_235 = arith.constant 0 : i32
      %dma_wait3A_236 = tpu.memref_slice %arg13[%add3A_234, %dma_wait3A_235] : memref<10240x128xf32, #tpu.memory_space<vmem_shared>> -> memref<40x128xf32, #tpu.memory_space<vmem_shared>>
      %dma_wait3A_237 = arith.constant 0 : i32
      %dma_wait3A_238 = tpu.memref_slice %arg13[%add3A_234, %dma_wait3A_237] : memref<10240x128xf32, #tpu.memory_space<vmem_shared>> -> memref<40x128xf32, #tpu.memory_space<vmem_shared>>
      tpu.wait_dma2 semaphore(%arg21 : memref<!tpu.dma_semaphore, #tpu.memory_space<semaphore_mem>>) src(%arg12 : memref<40x128xf32, #tpu.memory_space<vmem>>) dst(%dma_wait3A_238 : memref<40x128xf32, #tpu.memory_space<vmem_shared>>)
      %add3A_239 = arith.constant 80 : i32
      %add3A_240 = arith.addi %add3A_202, %add3A_239 : i32
      %dma_wait3A_241 = arith.constant 0 : i32
      %dma_wait3A_242 = tpu.memref_slice %arg13[%add3A_240, %dma_wait3A_241] : memref<10240x128xf32, #tpu.memory_space<vmem_shared>> -> memref<40x128xf32, #tpu.memory_space<vmem_shared>>
      %dma_wait3A_243 = arith.constant 0 : i32
      %dma_wait3A_244 = tpu.memref_slice %arg13[%add3A_240, %dma_wait3A_243] : memref<10240x128xf32, #tpu.memory_space<vmem_shared>> -> memref<40x128xf32, #tpu.memory_space<vmem_shared>>
      tpu.wait_dma2 semaphore(%arg22 : memref<!tpu.dma_semaphore, #tpu.memory_space<semaphore_mem>>) src(%arg12 : memref<40x128xf32, #tpu.memory_space<vmem>>) dst(%dma_wait3A_244 : memref<40x128xf32, #tpu.memory_space<vmem_shared>>)
      %add3A_245 = arith.constant 120 : i32
      %add3A_246 = arith.addi %add3A_202, %add3A_245 : i32
      %dma_wait3A_247 = arith.constant 0 : i32
      %dma_wait3A_248 = tpu.memref_slice %arg13[%add3A_246, %dma_wait3A_247] : memref<10240x128xf32, #tpu.memory_space<vmem_shared>> -> memref<40x128xf32, #tpu.memory_space<vmem_shared>>
      %dma_wait3A_249 = arith.constant 0 : i32
      %dma_wait3A_250 = tpu.memref_slice %arg13[%add3A_246, %dma_wait3A_249] : memref<10240x128xf32, #tpu.memory_space<vmem_shared>> -> memref<40x128xf32, #tpu.memory_space<vmem_shared>>
      tpu.wait_dma2 semaphore(%arg23 : memref<!tpu.dma_semaphore, #tpu.memory_space<semaphore_mem>>) src(%arg12 : memref<40x128xf32, #tpu.memory_space<vmem>>) dst(%dma_wait3A_250 : memref<40x128xf32, #tpu.memory_space<vmem_shared>>)
    }
    %scan3A_59 = arith.constant 4 : i32
    %dma_wait3A_60 = arith.constant 0 : i32
    %dma_wait3A_61 = arith.constant 0 : i32
    %dma_wait3A_62 = tpu.memref_slice %arg3[%add3A, %dma_wait3A_60, %dma_wait3A_61] : memref<32x250x40xi32, #tpu.memory_space<hbm>> -> memref<1x250x40xi32, #tpu.memory_space<hbm>>
    %dma_wait3A_63 = tpu.memref_squeeze %dma_wait3A_62 : memref<1x250x40xi32, #tpu.memory_space<hbm>> -> memref<250x40xi32, #tpu.memory_space<hbm>>
    %dma_wait3A_64 = arith.constant 0 : i32
    %dma_wait3A_65 = arith.constant 0 : i32
    %dma_wait3A_66 = tpu.memref_slice %arg3[%add3A, %dma_wait3A_64, %dma_wait3A_65] : memref<32x250x40xi32, #tpu.memory_space<hbm>> -> memref<1x250x40xi32, #tpu.memory_space<hbm>>
    %dma_wait3A_67 = tpu.memref_squeeze %dma_wait3A_66 : memref<1x250x40xi32, #tpu.memory_space<hbm>> -> memref<250x40xi32, #tpu.memory_space<hbm>>
    tpu.wait_dma2 semaphore(%arg19 : memref<!tpu.dma_semaphore, #tpu.memory_space<semaphore_mem>>) src(%dma_wait3A_67 : memref<250x40xi32, #tpu.memory_space<hbm>>) dst(%arg6 : memref<250x40xi32, #tpu.memory_space<vmem>>)
    %barrier3A = arith.constant 0 : index
    tpu.barrier barrier_id(%barrier3A)
    %dma_start3A_68 = arith.constant 4 : i32
    %dma_start3A_69 = arith.constant 0 : i32
    %dma_start3A_70 = tpu.memref_slice %arg7[%dma_start3A_68, %dma_start3A_69] : memref<250x40xi32, #tpu.memory_space<vmem>> -> memref<1x40xi32, #tpu.memory_space<vmem>>
    %dma_start3A_71 = tpu.memref_squeeze %dma_start3A_70 : memref<1x40xi32, #tpu.memory_space<vmem>> -> memref<40xi32, #tpu.memory_space<vmem>>
    %dma_start3A_72 = arith.constant 0 : i32
    %dma_start3A_73 = arith.constant 0 : i32
    %dma_start3A_74 = tpu.memref_slice %arg2[%dma_start3A_72, %dma_start3A_73] : memref<10240x128xf32, #tpu.memory_space<hbm>> -> memref<10240x128xf32, #tpu.memory_space<hbm>>
    tpu.enqueue_indirect_dma source(%dma_start3A_74 : memref<10240x128xf32, #tpu.memory_space<hbm>>) target(%arg12 : memref<40x128xf32, #tpu.memory_space<vmem>>) offsets(%dma_start3A_71 : memref<40xi32, #tpu.memory_space<vmem>>) semaphore(%arg18 : memref<!tpu.dma_semaphore, #tpu.memory_space<semaphore_mem>>)
    %dma_wait3A_75 = arith.constant 0 : i32
    %dma_wait3A_76 = arith.constant 0 : i32
    %dma_wait3A_77 = tpu.memref_slice %arg7[%dma_wait3A_75, %dma_wait3A_76] : memref<250x40xi32, #tpu.memory_space<vmem>> -> memref<1x40xi32, #tpu.memory_space<vmem>>
    %dma_wait3A_78 = tpu.memref_squeeze %dma_wait3A_77 : memref<1x40xi32, #tpu.memory_space<vmem>> -> memref<40xi32, #tpu.memory_space<vmem>>
    %dma_wait3A_79 = arith.constant 0 : i32
    %dma_wait3A_80 = arith.constant 0 : i32
    %dma_wait3A_81 = tpu.memref_slice %arg2[%dma_wait3A_79, %dma_wait3A_80] : memref<10240x128xf32, #tpu.memory_space<hbm>> -> memref<10240x128xf32, #tpu.memory_space<hbm>>
    tpu.wait_indirect_dma semaphore(%arg14 : memref<!tpu.dma_semaphore, #tpu.memory_space<semaphore_mem>>) src(%dma_wait3A_81 : memref<10240x128xf32, #tpu.memory_space<hbm>>) dst(%arg8 : memref<40x128xf32, #tpu.memory_space<vmem>>)
    %dma_start3A_82 = arith.constant 0 : i32
    %dma_start3A_83 = arith.constant 0 : i32
    %dma_start3A_84 = tpu.memref_slice %arg6[%dma_start3A_82, %dma_start3A_83] : memref<250x40xi32, #tpu.memory_space<vmem>> -> memref<1x40xi32, #tpu.memory_space<vmem>>
    %dma_start3A_85 = tpu.memref_squeeze %dma_start3A_84 : memref<1x40xi32, #tpu.memory_space<vmem>> -> memref<40xi32, #tpu.memory_space<vmem>>
    %dma_start3A_86 = arith.constant 0 : i32
    %dma_start3A_87 = arith.constant 0 : i32
    %dma_start3A_88 = tpu.memref_slice %arg13[%dma_start3A_86, %dma_start3A_87] : memref<10240x128xf32, #tpu.memory_space<vmem_shared>> -> memref<10240x128xf32, #tpu.memory_space<vmem_shared>>
    tpu.enqueue_indirect_dma source(%arg8 : memref<40x128xf32, #tpu.memory_space<vmem>>) target(%dma_start3A_88 : memref<10240x128xf32, #tpu.memory_space<vmem_shared>>) offsets(%dma_start3A_85 : memref<40xi32, #tpu.memory_space<vmem>>) semaphore(%arg19 : memref<!tpu.dma_semaphore, #tpu.memory_space<semaphore_mem>>) {add = true}
    %scan3A_89 = arith.constant 0 : i32
    %scan3A_90 = arith.constant 49 : i32
    %scan3A_91 = arith.addi %scan3A_89, %scan3A_90 : i32
    %scan3A_92 = arith.constant 1 : i32
    scf.for %scan3A_191 = %scan3A_89 to %scan3A_91 step %scan3A_92  : i32 {
      %mul3A_192 = arith.constant 5 : i32
      %mul3A_193 = arith.muli %scan3A_191, %mul3A_192 : i32
      %add3A_194 = arith.constant 5 : i32
      %add3A_195 = arith.addi %add3A_194, %mul3A_193 : i32
      %dma_wait3A_196 = arith.constant 0 : i32
      %dma_wait3A_197 = arith.constant 0 : i32
      %dma_wait3A_198 = tpu.memref_slice %arg6[%dma_wait3A_196, %dma_wait3A_197] : memref<250x40xi32, #tpu.memory_space<vmem>> -> memref<1x40xi32, #tpu.memory_space<vmem>>
      %dma_wait3A_199 = tpu.memref_squeeze %dma_wait3A_198 : memref<1x40xi32, #tpu.memory_space<vmem>> -> memref<40xi32, #tpu.memory_space<vmem>>
      %dma_wait3A_200 = arith.constant 0 : i32
      %dma_wait3A_201 = arith.constant 0 : i32
      %dma_wait3A_202 = tpu.memref_slice %arg13[%dma_wait3A_200, %dma_wait3A_201] : memref<10240x128xf32, #tpu.memory_space<vmem_shared>> -> memref<10240x128xf32, #tpu.memory_space<vmem_shared>>
      tpu.wait_indirect_dma semaphore(%arg19 : memref<!tpu.dma_semaphore, #tpu.memory_space<semaphore_mem>>) src(%arg8 : memref<40x128xf32, #tpu.memory_space<vmem>>) dst(%dma_wait3A_202 : memref<10240x128xf32, #tpu.memory_space<vmem_shared>>)
      %add3A_203 = arith.constant 0 : i32
      %add3A_204 = arith.addi %add3A_195, %add3A_203 : i32
      %dma_start3A_205 = arith.constant 0 : i32
      %dma_start3A_206 = tpu.memref_slice %arg7[%add3A_204, %dma_start3A_205] : memref<250x40xi32, #tpu.memory_space<vmem>> -> memref<1x40xi32, #tpu.memory_space<vmem>>
      %dma_start3A_207 = tpu.memref_squeeze %dma_start3A_206 : memref<1x40xi32, #tpu.memory_space<vmem>> -> memref<40xi32, #tpu.memory_space<vmem>>
      %dma_start3A_208 = arith.constant 0 : i32
      %dma_start3A_209 = arith.constant 0 : i32
      %dma_start3A_210 = tpu.memref_slice %arg2[%dma_start3A_208, %dma_start3A_209] : memref<10240x128xf32, #tpu.memory_space<hbm>> -> memref<10240x128xf32, #tpu.memory_space<hbm>>
      tpu.enqueue_indirect_dma source(%dma_start3A_210 : memref<10240x128xf32, #tpu.memory_space<hbm>>) target(%arg8 : memref<40x128xf32, #tpu.memory_space<vmem>>) offsets(%dma_start3A_207 : memref<40xi32, #tpu.memory_space<vmem>>) semaphore(%arg14 : memref<!tpu.dma_semaphore, #tpu.memory_space<semaphore_mem>>)
      %dma_wait3A_211 = arith.constant 0 : i32
      %dma_wait3A_212 = arith.constant 0 : i32
      %dma_wait3A_213 = tpu.memref_slice %arg7[%dma_wait3A_211, %dma_wait3A_212] : memref<250x40xi32, #tpu.memory_space<vmem>> -> memref<1x40xi32, #tpu.memory_space<vmem>>
      %dma_wait3A_214 = tpu.memref_squeeze %dma_wait3A_213 : memref<1x40xi32, #tpu.memory_space<vmem>> -> memref<40xi32, #tpu.memory_space<vmem>>
      %dma_wait3A_215 = arith.constant 0 : i32
      %dma_wait3A_216 = arith.constant 0 : i32
      %dma_wait3A_217 = tpu.memref_slice %arg2[%dma_wait3A_215, %dma_wait3A_216] : memref<10240x128xf32, #tpu.memory_space<hbm>> -> memref<10240x128xf32, #tpu.memory_space<hbm>>
      tpu.wait_indirect_dma semaphore(%arg15 : memref<!tpu.dma_semaphore, #tpu.memory_space<semaphore_mem>>) src(%dma_wait3A_217 : memref<10240x128xf32, #tpu.memory_space<hbm>>) dst(%arg9 : memref<40x128xf32, #tpu.memory_space<vmem>>)
      %add3A_218 = arith.constant 0 : i32
      %add3A_219 = arith.addi %add3A_195, %add3A_218 : i32
      %sub3A = arith.constant 4 : i32
      %sub3A_220 = arith.subi %add3A_219, %sub3A : i32
      %dma_start3A_221 = arith.constant 0 : i32
      %dma_start3A_222 = tpu.memref_slice %arg6[%sub3A_220, %dma_start3A_221] : memref<250x40xi32, #tpu.memory_space<vmem>> -> memref<1x40xi32, #tpu.memory_space<vmem>>
      %dma_start3A_223 = tpu.memref_squeeze %dma_start3A_222 : memref<1x40xi32, #tpu.memory_space<vmem>> -> memref<40xi32, #tpu.memory_space<vmem>>
      %dma_start3A_224 = arith.constant 0 : i32
      %dma_start3A_225 = arith.constant 0 : i32
      %dma_start3A_226 = tpu.memref_slice %arg13[%dma_start3A_224, %dma_start3A_225] : memref<10240x128xf32, #tpu.memory_space<vmem_shared>> -> memref<10240x128xf32, #tpu.memory_space<vmem_shared>>
      tpu.enqueue_indirect_dma source(%arg9 : memref<40x128xf32, #tpu.memory_space<vmem>>) target(%dma_start3A_226 : memref<10240x128xf32, #tpu.memory_space<vmem_shared>>) offsets(%dma_start3A_223 : memref<40xi32, #tpu.memory_space<vmem>>) semaphore(%arg20 : memref<!tpu.dma_semaphore, #tpu.memory_space<semaphore_mem>>) {add = true}
      %dma_wait3A_227 = arith.constant 0 : i32
      %dma_wait3A_228 = arith.constant 0 : i32
      %dma_wait3A_229 = tpu.memref_slice %arg6[%dma_wait3A_227, %dma_wait3A_228] : memref<250x40xi32, #tpu.memory_space<vmem>> -> memref<1x40xi32, #tpu.memory_space<vmem>>
      %dma_wait3A_230 = tpu.memref_squeeze %dma_wait3A_229 : memref<1x40xi32, #tpu.memory_space<vmem>> -> memref<40xi32, #tpu.memory_space<vmem>>
      %dma_wait3A_231 = arith.constant 0 : i32
      %dma_wait3A_232 = arith.constant 0 : i32
      %dma_wait3A_233 = tpu.memref_slice %arg13[%dma_wait3A_231, %dma_wait3A_232] : memref<10240x128xf32, #tpu.memory_space<vmem_shared>> -> memref<10240x128xf32, #tpu.memory_space<vmem_shared>>
      tpu.wait_indirect_dma semaphore(%arg20 : memref<!tpu.dma_semaphore, #tpu.memory_space<semaphore_mem>>) src(%arg9 : memref<40x128xf32, #tpu.memory_space<vmem>>) dst(%dma_wait3A_233 : memref<10240x128xf32, #tpu.memory_space<vmem_shared>>)
      %add3A_234 = arith.constant 1 : i32
      %add3A_235 = arith.addi %add3A_195, %add3A_234 : i32
      %dma_start3A_236 = arith.constant 0 : i32
      %dma_start3A_237 = tpu.memref_slice %arg7[%add3A_235, %dma_start3A_236] : memref<250x40xi32, #tpu.memory_space<vmem>> -> memref<1x40xi32, #tpu.memory_space<vmem>>
      %dma_start3A_238 = tpu.memref_squeeze %dma_start3A_237 : memref<1x40xi32, #tpu.memory_space<vmem>> -> memref<40xi32, #tpu.memory_space<vmem>>
      %dma_start3A_239 = arith.constant 0 : i32
      %dma_start3A_240 = arith.constant 0 : i32
      %dma_start3A_241 = tpu.memref_slice %arg2[%dma_start3A_239, %dma_start3A_240] : memref<10240x128xf32, #tpu.memory_space<hbm>> -> memref<10240x128xf32, #tpu.memory_space<hbm>>
      tpu.enqueue_indirect_dma source(%dma_start3A_241 : memref<10240x128xf32, #tpu.memory_space<hbm>>) target(%arg9 : memref<40x128xf32, #tpu.memory_space<vmem>>) offsets(%dma_start3A_238 : memref<40xi32, #tpu.memory_space<vmem>>) semaphore(%arg15 : memref<!tpu.dma_semaphore, #tpu.memory_space<semaphore_mem>>)
      %dma_wait3A_242 = arith.constant 0 : i32
      %dma_wait3A_243 = arith.constant 0 : i32
      %dma_wait3A_244 = tpu.memref_slice %arg7[%dma_wait3A_242, %dma_wait3A_243] : memref<250x40xi32, #tpu.memory_space<vmem>> -> memref<1x40xi32, #tpu.memory_space<vmem>>
      %dma_wait3A_245 = tpu.memref_squeeze %dma_wait3A_244 : memref<1x40xi32, #tpu.memory_space<vmem>> -> memref<40xi32, #tpu.memory_space<vmem>>
      %dma_wait3A_246 = arith.constant 0 : i32
      %dma_wait3A_247 = arith.constant 0 : i32
      %dma_wait3A_248 = tpu.memref_slice %arg2[%dma_wait3A_246, %dma_wait3A_247] : memref<10240x128xf32, #tpu.memory_space<hbm>> -> memref<10240x128xf32, #tpu.memory_space<hbm>>
      tpu.wait_indirect_dma semaphore(%arg16 : memref<!tpu.dma_semaphore, #tpu.memory_space<semaphore_mem>>) src(%dma_wait3A_248 : memref<10240x128xf32, #tpu.memory_space<hbm>>) dst(%arg10 : memref<40x128xf32, #tpu.memory_space<vmem>>)
      %add3A_249 = arith.constant 1 : i32
      %add3A_250 = arith.addi %add3A_195, %add3A_249 : i32
      %sub3A_251 = arith.constant 4 : i32
      %sub3A_252 = arith.subi %add3A_250, %sub3A_251 : i32
      %dma_start3A_253 = arith.constant 0 : i32
      %dma_start3A_254 = tpu.memref_slice %arg6[%sub3A_252, %dma_start3A_253] : memref<250x40xi32, #tpu.memory_space<vmem>> -> memref<1x40xi32, #tpu.memory_space<vmem>>
      %dma_start3A_255 = tpu.memref_squeeze %dma_start3A_254 : memref<1x40xi32, #tpu.memory_space<vmem>> -> memref<40xi32, #tpu.memory_space<vmem>>
      %dma_start3A_256 = arith.constant 0 : i32
      %dma_start3A_257 = arith.constant 0 : i32
      %dma_start3A_258 = tpu.memref_slice %arg13[%dma_start3A_256, %dma_start3A_257] : memref<10240x128xf32, #tpu.memory_space<vmem_shared>> -> memref<10240x128xf32, #tpu.memory_space<vmem_shared>>
      tpu.enqueue_indirect_dma source(%arg10 : memref<40x128xf32, #tpu.memory_space<vmem>>) target(%dma_start3A_258 : memref<10240x128xf32, #tpu.memory_space<vmem_shared>>) offsets(%dma_start3A_255 : memref<40xi32, #tpu.memory_space<vmem>>) semaphore(%arg21 : memref<!tpu.dma_semaphore, #tpu.memory_space<semaphore_mem>>) {add = true}
      %dma_wait3A_259 = arith.constant 0 : i32
      %dma_wait3A_260 = arith.constant 0 : i32
      %dma_wait3A_261 = tpu.memref_slice %arg6[%dma_wait3A_259, %dma_wait3A_260] : memref<250x40xi32, #tpu.memory_space<vmem>> -> memref<1x40xi32, #tpu.memory_space<vmem>>
      %dma_wait3A_262 = tpu.memref_squeeze %dma_wait3A_261 : memref<1x40xi32, #tpu.memory_space<vmem>> -> memref<40xi32, #tpu.memory_space<vmem>>
      %dma_wait3A_263 = arith.constant 0 : i32
      %dma_wait3A_264 = arith.constant 0 : i32
      %dma_wait3A_265 = tpu.memref_slice %arg13[%dma_wait3A_263, %dma_wait3A_264] : memref<10240x128xf32, #tpu.memory_space<vmem_shared>> -> memref<10240x128xf32, #tpu.memory_space<vmem_shared>>
      tpu.wait_indirect_dma semaphore(%arg21 : memref<!tpu.dma_semaphore, #tpu.memory_space<semaphore_mem>>) src(%arg10 : memref<40x128xf32, #tpu.memory_space<vmem>>) dst(%dma_wait3A_265 : memref<10240x128xf32, #tpu.memory_space<vmem_shared>>)
      %add3A_266 = arith.constant 2 : i32
      %add3A_267 = arith.addi %add3A_195, %add3A_266 : i32
      %dma_start3A_268 = arith.constant 0 : i32
      %dma_start3A_269 = tpu.memref_slice %arg7[%add3A_267, %dma_start3A_268] : memref<250x40xi32, #tpu.memory_space<vmem>> -> memref<1x40xi32, #tpu.memory_space<vmem>>
      %dma_start3A_270 = tpu.memref_squeeze %dma_start3A_269 : memref<1x40xi32, #tpu.memory_space<vmem>> -> memref<40xi32, #tpu.memory_space<vmem>>
      %dma_start3A_271 = arith.constant 0 : i32
      %dma_start3A_272 = arith.constant 0 : i32
      %dma_start3A_273 = tpu.memref_slice %arg2[%dma_start3A_271, %dma_start3A_272] : memref<10240x128xf32, #tpu.memory_space<hbm>> -> memref<10240x128xf32, #tpu.memory_space<hbm>>
      tpu.enqueue_indirect_dma source(%dma_start3A_273 : memref<10240x128xf32, #tpu.memory_space<hbm>>) target(%arg10 : memref<40x128xf32, #tpu.memory_space<vmem>>) offsets(%dma_start3A_270 : memref<40xi32, #tpu.memory_space<vmem>>) semaphore(%arg16 : memref<!tpu.dma_semaphore, #tpu.memory_space<semaphore_mem>>)
      %dma_wait3A_274 = arith.constant 0 : i32
      %dma_wait3A_275 = arith.constant 0 : i32
      %dma_wait3A_276 = tpu.memref_slice %arg7[%dma_wait3A_274, %dma_wait3A_275] : memref<250x40xi32, #tpu.memory_space<vmem>> -> memref<1x40xi32, #tpu.memory_space<vmem>>
      %dma_wait3A_277 = tpu.memref_squeeze %dma_wait3A_276 : memref<1x40xi32, #tpu.memory_space<vmem>> -> memref<40xi32, #tpu.memory_space<vmem>>
      %dma_wait3A_278 = arith.constant 0 : i32
      %dma_wait3A_279 = arith.constant 0 : i32
      %dma_wait3A_280 = tpu.memref_slice %arg2[%dma_wait3A_278, %dma_wait3A_279] : memref<10240x128xf32, #tpu.memory_space<hbm>> -> memref<10240x128xf32, #tpu.memory_space<hbm>>
      tpu.wait_indirect_dma semaphore(%arg17 : memref<!tpu.dma_semaphore, #tpu.memory_space<semaphore_mem>>) src(%dma_wait3A_280 : memref<10240x128xf32, #tpu.memory_space<hbm>>) dst(%arg11 : memref<40x128xf32, #tpu.memory_space<vmem>>)
      %add3A_281 = arith.constant 2 : i32
      %add3A_282 = arith.addi %add3A_195, %add3A_281 : i32
      %sub3A_283 = arith.constant 4 : i32
      %sub3A_284 = arith.subi %add3A_282, %sub3A_283 : i32
      %dma_start3A_285 = arith.constant 0 : i32
      %dma_start3A_286 = tpu.memref_slice %arg6[%sub3A_284, %dma_start3A_285] : memref<250x40xi32, #tpu.memory_space<vmem>> -> memref<1x40xi32, #tpu.memory_space<vmem>>
      %dma_start3A_287 = tpu.memref_squeeze %dma_start3A_286 : memref<1x40xi32, #tpu.memory_space<vmem>> -> memref<40xi32, #tpu.memory_space<vmem>>
      %dma_start3A_288 = arith.constant 0 : i32
      %dma_start3A_289 = arith.constant 0 : i32
      %dma_start3A_290 = tpu.memref_slice %arg13[%dma_start3A_288, %dma_start3A_289] : memref<10240x128xf32, #tpu.memory_space<vmem_shared>> -> memref<10240x128xf32, #tpu.memory_space<vmem_shared>>
      tpu.enqueue_indirect_dma source(%arg11 : memref<40x128xf32, #tpu.memory_space<vmem>>) target(%dma_start3A_290 : memref<10240x128xf32, #tpu.memory_space<vmem_shared>>) offsets(%dma_start3A_287 : memref<40xi32, #tpu.memory_space<vmem>>) semaphore(%arg22 : memref<!tpu.dma_semaphore, #tpu.memory_space<semaphore_mem>>) {add = true}
      %dma_wait3A_291 = arith.constant 0 : i32
      %dma_wait3A_292 = arith.constant 0 : i32
      %dma_wait3A_293 = tpu.memref_slice %arg6[%dma_wait3A_291, %dma_wait3A_292] : memref<250x40xi32, #tpu.memory_space<vmem>> -> memref<1x40xi32, #tpu.memory_space<vmem>>
      %dma_wait3A_294 = tpu.memref_squeeze %dma_wait3A_293 : memref<1x40xi32, #tpu.memory_space<vmem>> -> memref<40xi32, #tpu.memory_space<vmem>>
      %dma_wait3A_295 = arith.constant 0 : i32
      %dma_wait3A_296 = arith.constant 0 : i32
      %dma_wait3A_297 = tpu.memref_slice %arg13[%dma_wait3A_295, %dma_wait3A_296] : memref<10240x128xf32, #tpu.memory_space<vmem_shared>> -> memref<10240x128xf32, #tpu.memory_space<vmem_shared>>
      tpu.wait_indirect_dma semaphore(%arg22 : memref<!tpu.dma_semaphore, #tpu.memory_space<semaphore_mem>>) src(%arg11 : memref<40x128xf32, #tpu.memory_space<vmem>>) dst(%dma_wait3A_297 : memref<10240x128xf32, #tpu.memory_space<vmem_shared>>)
      %add3A_298 = arith.constant 3 : i32
      %add3A_299 = arith.addi %add3A_195, %add3A_298 : i32
      %dma_start3A_300 = arith.constant 0 : i32
      %dma_start3A_301 = tpu.memref_slice %arg7[%add3A_299, %dma_start3A_300] : memref<250x40xi32, #tpu.memory_space<vmem>> -> memref<1x40xi32, #tpu.memory_space<vmem>>
      %dma_start3A_302 = tpu.memref_squeeze %dma_start3A_301 : memref<1x40xi32, #tpu.memory_space<vmem>> -> memref<40xi32, #tpu.memory_space<vmem>>
      %dma_start3A_303 = arith.constant 0 : i32
      %dma_start3A_304 = arith.constant 0 : i32
      %dma_start3A_305 = tpu.memref_slice %arg2[%dma_start3A_303, %dma_start3A_304] : memref<10240x128xf32, #tpu.memory_space<hbm>> -> memref<10240x128xf32, #tpu.memory_space<hbm>>
      tpu.enqueue_indirect_dma source(%dma_start3A_305 : memref<10240x128xf32, #tpu.memory_space<hbm>>) target(%arg11 : memref<40x128xf32, #tpu.memory_space<vmem>>) offsets(%dma_start3A_302 : memref<40xi32, #tpu.memory_space<vmem>>) semaphore(%arg17 : memref<!tpu.dma_semaphore, #tpu.memory_space<semaphore_mem>>)
      %dma_wait3A_306 = arith.constant 0 : i32
      %dma_wait3A_307 = arith.constant 0 : i32
      %dma_wait3A_308 = tpu.memref_slice %arg7[%dma_wait3A_306, %dma_wait3A_307] : memref<250x40xi32, #tpu.memory_space<vmem>> -> memref<1x40xi32, #tpu.memory_space<vmem>>
      %dma_wait3A_309 = tpu.memref_squeeze %dma_wait3A_308 : memref<1x40xi32, #tpu.memory_space<vmem>> -> memref<40xi32, #tpu.memory_space<vmem>>
      %dma_wait3A_310 = arith.constant 0 : i32
      %dma_wait3A_311 = arith.constant 0 : i32
      %dma_wait3A_312 = tpu.memref_slice %arg2[%dma_wait3A_310, %dma_wait3A_311] : memref<10240x128xf32, #tpu.memory_space<hbm>> -> memref<10240x128xf32, #tpu.memory_space<hbm>>
      tpu.wait_indirect_dma semaphore(%arg18 : memref<!tpu.dma_semaphore, #tpu.memory_space<semaphore_mem>>) src(%dma_wait3A_312 : memref<10240x128xf32, #tpu.memory_space<hbm>>) dst(%arg12 : memref<40x128xf32, #tpu.memory_space<vmem>>)
      %add3A_313 = arith.constant 3 : i32
      %add3A_314 = arith.addi %add3A_195, %add3A_313 : i32
      %sub3A_315 = arith.constant 4 : i32
      %sub3A_316 = arith.subi %add3A_314, %sub3A_315 : i32
      %dma_start3A_317 = arith.constant 0 : i32
      %dma_start3A_318 = tpu.memref_slice %arg6[%sub3A_316, %dma_start3A_317] : memref<250x40xi32, #tpu.memory_space<vmem>> -> memref<1x40xi32, #tpu.memory_space<vmem>>
      %dma_start3A_319 = tpu.memref_squeeze %dma_start3A_318 : memref<1x40xi32, #tpu.memory_space<vmem>> -> memref<40xi32, #tpu.memory_space<vmem>>
      %dma_start3A_320 = arith.constant 0 : i32
      %dma_start3A_321 = arith.constant 0 : i32
      %dma_start3A_322 = tpu.memref_slice %arg13[%dma_start3A_320, %dma_start3A_321] : memref<10240x128xf32, #tpu.memory_space<vmem_shared>> -> memref<10240x128xf32, #tpu.memory_space<vmem_shared>>
      tpu.enqueue_indirect_dma source(%arg12 : memref<40x128xf32, #tpu.memory_space<vmem>>) target(%dma_start3A_322 : memref<10240x128xf32, #tpu.memory_space<vmem_shared>>) offsets(%dma_start3A_319 : memref<40xi32, #tpu.memory_space<vmem>>) semaphore(%arg23 : memref<!tpu.dma_semaphore, #tpu.memory_space<semaphore_mem>>) {add = true}
      %dma_wait3A_323 = arith.constant 0 : i32
      %dma_wait3A_324 = arith.constant 0 : i32
      %dma_wait3A_325 = tpu.memref_slice %arg6[%dma_wait3A_323, %dma_wait3A_324] : memref<250x40xi32, #tpu.memory_space<vmem>> -> memref<1x40xi32, #tpu.memory_space<vmem>>
      %dma_wait3A_326 = tpu.memref_squeeze %dma_wait3A_325 : memref<1x40xi32, #tpu.memory_space<vmem>> -> memref<40xi32, #tpu.memory_space<vmem>>
      %dma_wait3A_327 = arith.constant 0 : i32
      %dma_wait3A_328 = arith.constant 0 : i32
      %dma_wait3A_329 = tpu.memref_slice %arg13[%dma_wait3A_327, %dma_wait3A_328] : memref<10240x128xf32, #tpu.memory_space<vmem_shared>> -> memref<10240x128xf32, #tpu.memory_space<vmem_shared>>
      tpu.wait_indirect_dma semaphore(%arg23 : memref<!tpu.dma_semaphore, #tpu.memory_space<semaphore_mem>>) src(%arg12 : memref<40x128xf32, #tpu.memory_space<vmem>>) dst(%dma_wait3A_329 : memref<10240x128xf32, #tpu.memory_space<vmem_shared>>)
      %add3A_330 = arith.constant 4 : i32
      %add3A_331 = arith.addi %add3A_195, %add3A_330 : i32
      %dma_start3A_332 = arith.constant 0 : i32
      %dma_start3A_333 = tpu.memref_slice %arg7[%add3A_331, %dma_start3A_332] : memref<250x40xi32, #tpu.memory_space<vmem>> -> memref<1x40xi32, #tpu.memory_space<vmem>>
      %dma_start3A_334 = tpu.memref_squeeze %dma_start3A_333 : memref<1x40xi32, #tpu.memory_space<vmem>> -> memref<40xi32, #tpu.memory_space<vmem>>
      %dma_start3A_335 = arith.constant 0 : i32
      %dma_start3A_336 = arith.constant 0 : i32
      %dma_start3A_337 = tpu.memref_slice %arg2[%dma_start3A_335, %dma_start3A_336] : memref<10240x128xf32, #tpu.memory_space<hbm>> -> memref<10240x128xf32, #tpu.memory_space<hbm>>
      tpu.enqueue_indirect_dma source(%dma_start3A_337 : memref<10240x128xf32, #tpu.memory_space<hbm>>) target(%arg12 : memref<40x128xf32, #tpu.memory_space<vmem>>) offsets(%dma_start3A_334 : memref<40xi32, #tpu.memory_space<vmem>>) semaphore(%arg18 : memref<!tpu.dma_semaphore, #tpu.memory_space<semaphore_mem>>)
      %dma_wait3A_338 = arith.constant 0 : i32
      %dma_wait3A_339 = arith.constant 0 : i32
      %dma_wait3A_340 = tpu.memref_slice %arg7[%dma_wait3A_338, %dma_wait3A_339] : memref<250x40xi32, #tpu.memory_space<vmem>> -> memref<1x40xi32, #tpu.memory_space<vmem>>
      %dma_wait3A_341 = tpu.memref_squeeze %dma_wait3A_340 : memref<1x40xi32, #tpu.memory_space<vmem>> -> memref<40xi32, #tpu.memory_space<vmem>>
      %dma_wait3A_342 = arith.constant 0 : i32
      %dma_wait3A_343 = arith.constant 0 : i32
      %dma_wait3A_344 = tpu.memref_slice %arg2[%dma_wait3A_342, %dma_wait3A_343] : memref<10240x128xf32, #tpu.memory_space<hbm>> -> memref<10240x128xf32, #tpu.memory_space<hbm>>
      tpu.wait_indirect_dma semaphore(%arg14 : memref<!tpu.dma_semaphore, #tpu.memory_space<semaphore_mem>>) src(%dma_wait3A_344 : memref<10240x128xf32, #tpu.memory_space<hbm>>) dst(%arg8 : memref<40x128xf32, #tpu.memory_space<vmem>>)
      %add3A_345 = arith.constant 4 : i32
      %add3A_346 = arith.addi %add3A_195, %add3A_345 : i32
      %sub3A_347 = arith.constant 4 : i32
      %sub3A_348 = arith.subi %add3A_346, %sub3A_347 : i32
      %dma_start3A_349 = arith.constant 0 : i32
      %dma_start3A_350 = tpu.memref_slice %arg6[%sub3A_348, %dma_start3A_349] : memref<250x40xi32, #tpu.memory_space<vmem>> -> memref<1x40xi32, #tpu.memory_space<vmem>>
      %dma_start3A_351 = tpu.memref_squeeze %dma_start3A_350 : memref<1x40xi32, #tpu.memory_space<vmem>> -> memref<40xi32, #tpu.memory_space<vmem>>
      %dma_start3A_352 = arith.constant 0 : i32
      %dma_start3A_353 = arith.constant 0 : i32
      %dma_start3A_354 = tpu.memref_slice %arg13[%dma_start3A_352, %dma_start3A_353] : memref<10240x128xf32, #tpu.memory_space<vmem_shared>> -> memref<10240x128xf32, #tpu.memory_space<vmem_shared>>
      tpu.enqueue_indirect_dma source(%arg8 : memref<40x128xf32, #tpu.memory_space<vmem>>) target(%dma_start3A_354 : memref<10240x128xf32, #tpu.memory_space<vmem_shared>>) offsets(%dma_start3A_351 : memref<40xi32, #tpu.memory_space<vmem>>) semaphore(%arg19 : memref<!tpu.dma_semaphore, #tpu.memory_space<semaphore_mem>>) {add = true}
    }
    %scan3A_93 = arith.constant 49 : i32
    %dma_wait3A_94 = arith.constant 0 : i32
    %dma_wait3A_95 = arith.constant 0 : i32
    %dma_wait3A_96 = tpu.memref_slice %arg7[%dma_wait3A_94, %dma_wait3A_95] : memref<250x40xi32, #tpu.memory_space<vmem>> -> memref<1x40xi32, #tpu.memory_space<vmem>>
    %dma_wait3A_97 = tpu.memref_squeeze %dma_wait3A_96 : memref<1x40xi32, #tpu.memory_space<vmem>> -> memref<40xi32, #tpu.memory_space<vmem>>
    %dma_wait3A_98 = arith.constant 0 : i32
    %dma_wait3A_99 = arith.constant 0 : i32
    %dma_wait3A_100 = tpu.memref_slice %arg2[%dma_wait3A_98, %dma_wait3A_99] : memref<10240x128xf32, #tpu.memory_space<hbm>> -> memref<10240x128xf32, #tpu.memory_space<hbm>>
    tpu.wait_indirect_dma semaphore(%arg15 : memref<!tpu.dma_semaphore, #tpu.memory_space<semaphore_mem>>) src(%dma_wait3A_100 : memref<10240x128xf32, #tpu.memory_space<hbm>>) dst(%arg9 : memref<40x128xf32, #tpu.memory_space<vmem>>)
    %dma_start3A_101 = arith.constant 246 : i32
    %dma_start3A_102 = arith.constant 0 : i32
    %dma_start3A_103 = tpu.memref_slice %arg6[%dma_start3A_101, %dma_start3A_102] : memref<250x40xi32, #tpu.memory_space<vmem>> -> memref<1x40xi32, #tpu.memory_space<vmem>>
    %dma_start3A_104 = tpu.memref_squeeze %dma_start3A_103 : memref<1x40xi32, #tpu.memory_space<vmem>> -> memref<40xi32, #tpu.memory_space<vmem>>
    %dma_start3A_105 = arith.constant 0 : i32
    %dma_start3A_106 = arith.constant 0 : i32
    %dma_start3A_107 = tpu.memref_slice %arg13[%dma_start3A_105, %dma_start3A_106] : memref<10240x128xf32, #tpu.memory_space<vmem_shared>> -> memref<10240x128xf32, #tpu.memory_space<vmem_shared>>
    tpu.enqueue_indirect_dma source(%arg9 : memref<40x128xf32, #tpu.memory_space<vmem>>) target(%dma_start3A_107 : memref<10240x128xf32, #tpu.memory_space<vmem_shared>>) offsets(%dma_start3A_104 : memref<40xi32, #tpu.memory_space<vmem>>) semaphore(%arg20 : memref<!tpu.dma_semaphore, #tpu.memory_space<semaphore_mem>>) {add = true}
    %dma_wait3A_108 = arith.constant 0 : i32
    %dma_wait3A_109 = arith.constant 0 : i32
    %dma_wait3A_110 = tpu.memref_slice %arg7[%dma_wait3A_108, %dma_wait3A_109] : memref<250x40xi32, #tpu.memory_space<vmem>> -> memref<1x40xi32, #tpu.memory_space<vmem>>
    %dma_wait3A_111 = tpu.memref_squeeze %dma_wait3A_110 : memref<1x40xi32, #tpu.memory_space<vmem>> -> memref<40xi32, #tpu.memory_space<vmem>>
    %dma_wait3A_112 = arith.constant 0 : i32
    %dma_wait3A_113 = arith.constant 0 : i32
    %dma_wait3A_114 = tpu.memref_slice %arg2[%dma_wait3A_112, %dma_wait3A_113] : memref<10240x128xf32, #tpu.memory_space<hbm>> -> memref<10240x128xf32, #tpu.memory_space<hbm>>
    tpu.wait_indirect_dma semaphore(%arg16 : memref<!tpu.dma_semaphore, #tpu.memory_space<semaphore_mem>>) src(%dma_wait3A_114 : memref<10240x128xf32, #tpu.memory_space<hbm>>) dst(%arg10 : memref<40x128xf32, #tpu.memory_space<vmem>>)
    %dma_start3A_115 = arith.constant 247 : i32
    %dma_start3A_116 = arith.constant 0 : i32
    %dma_start3A_117 = tpu.memref_slice %arg6[%dma_start3A_115, %dma_start3A_116] : memref<250x40xi32, #tpu.memory_space<vmem>> -> memref<1x40xi32, #tpu.memory_space<vmem>>
    %dma_start3A_118 = tpu.memref_squeeze %dma_start3A_117 : memref<1x40xi32, #tpu.memory_space<vmem>> -> memref<40xi32, #tpu.memory_space<vmem>>
    %dma_start3A_119 = arith.constant 0 : i32
    %dma_start3A_120 = arith.constant 0 : i32
    %dma_start3A_121 = tpu.memref_slice %arg13[%dma_start3A_119, %dma_start3A_120] : memref<10240x128xf32, #tpu.memory_space<vmem_shared>> -> memref<10240x128xf32, #tpu.memory_space<vmem_shared>>
    tpu.enqueue_indirect_dma source(%arg10 : memref<40x128xf32, #tpu.memory_space<vmem>>) target(%dma_start3A_121 : memref<10240x128xf32, #tpu.memory_space<vmem_shared>>) offsets(%dma_start3A_118 : memref<40xi32, #tpu.memory_space<vmem>>) semaphore(%arg21 : memref<!tpu.dma_semaphore, #tpu.memory_space<semaphore_mem>>) {add = true}
    %dma_wait3A_122 = arith.constant 0 : i32
    %dma_wait3A_123 = arith.constant 0 : i32
    %dma_wait3A_124 = tpu.memref_slice %arg7[%dma_wait3A_122, %dma_wait3A_123] : memref<250x40xi32, #tpu.memory_space<vmem>> -> memref<1x40xi32, #tpu.memory_space<vmem>>
    %dma_wait3A_125 = tpu.memref_squeeze %dma_wait3A_124 : memref<1x40xi32, #tpu.memory_space<vmem>> -> memref<40xi32, #tpu.memory_space<vmem>>
    %dma_wait3A_126 = arith.constant 0 : i32
    %dma_wait3A_127 = arith.constant 0 : i32
    %dma_wait3A_128 = tpu.memref_slice %arg2[%dma_wait3A_126, %dma_wait3A_127] : memref<10240x128xf32, #tpu.memory_space<hbm>> -> memref<10240x128xf32, #tpu.memory_space<hbm>>
    tpu.wait_indirect_dma semaphore(%arg17 : memref<!tpu.dma_semaphore, #tpu.memory_space<semaphore_mem>>) src(%dma_wait3A_128 : memref<10240x128xf32, #tpu.memory_space<hbm>>) dst(%arg11 : memref<40x128xf32, #tpu.memory_space<vmem>>)
    %dma_start3A_129 = arith.constant 248 : i32
    %dma_start3A_130 = arith.constant 0 : i32
    %dma_start3A_131 = tpu.memref_slice %arg6[%dma_start3A_129, %dma_start3A_130] : memref<250x40xi32, #tpu.memory_space<vmem>> -> memref<1x40xi32, #tpu.memory_space<vmem>>
    %dma_start3A_132 = tpu.memref_squeeze %dma_start3A_131 : memref<1x40xi32, #tpu.memory_space<vmem>> -> memref<40xi32, #tpu.memory_space<vmem>>
    %dma_start3A_133 = arith.constant 0 : i32
    %dma_start3A_134 = arith.constant 0 : i32
    %dma_start3A_135 = tpu.memref_slice %arg13[%dma_start3A_133, %dma_start3A_134] : memref<10240x128xf32, #tpu.memory_space<vmem_shared>> -> memref<10240x128xf32, #tpu.memory_space<vmem_shared>>
    tpu.enqueue_indirect_dma source(%arg11 : memref<40x128xf32, #tpu.memory_space<vmem>>) target(%dma_start3A_135 : memref<10240x128xf32, #tpu.memory_space<vmem_shared>>) offsets(%dma_start3A_132 : memref<40xi32, #tpu.memory_space<vmem>>) semaphore(%arg22 : memref<!tpu.dma_semaphore, #tpu.memory_space<semaphore_mem>>) {add = true}
    %dma_wait3A_136 = arith.constant 0 : i32
    %dma_wait3A_137 = arith.constant 0 : i32
    %dma_wait3A_138 = tpu.memref_slice %arg7[%dma_wait3A_136, %dma_wait3A_137] : memref<250x40xi32, #tpu.memory_space<vmem>> -> memref<1x40xi32, #tpu.memory_space<vmem>>
    %dma_wait3A_139 = tpu.memref_squeeze %dma_wait3A_138 : memref<1x40xi32, #tpu.memory_space<vmem>> -> memref<40xi32, #tpu.memory_space<vmem>>
    %dma_wait3A_140 = arith.constant 0 : i32
    %dma_wait3A_141 = arith.constant 0 : i32
    %dma_wait3A_142 = tpu.memref_slice %arg2[%dma_wait3A_140, %dma_wait3A_141] : memref<10240x128xf32, #tpu.memory_space<hbm>> -> memref<10240x128xf32, #tpu.memory_space<hbm>>
    tpu.wait_indirect_dma semaphore(%arg18 : memref<!tpu.dma_semaphore, #tpu.memory_space<semaphore_mem>>) src(%dma_wait3A_142 : memref<10240x128xf32, #tpu.memory_space<hbm>>) dst(%arg12 : memref<40x128xf32, #tpu.memory_space<vmem>>)
    %dma_start3A_143 = arith.constant 249 : i32
    %dma_start3A_144 = arith.constant 0 : i32
    %dma_start3A_145 = tpu.memref_slice %arg6[%dma_start3A_143, %dma_start3A_144] : memref<250x40xi32, #tpu.memory_space<vmem>> -> memref<1x40xi32, #tpu.memory_space<vmem>>
    %dma_start3A_146 = tpu.memref_squeeze %dma_start3A_145 : memref<1x40xi32, #tpu.memory_space<vmem>> -> memref<40xi32, #tpu.memory_space<vmem>>
    %dma_start3A_147 = arith.constant 0 : i32
    %dma_start3A_148 = arith.constant 0 : i32
    %dma_start3A_149 = tpu.memref_slice %arg13[%dma_start3A_147, %dma_start3A_148] : memref<10240x128xf32, #tpu.memory_space<vmem_shared>> -> memref<10240x128xf32, #tpu.memory_space<vmem_shared>>
    tpu.enqueue_indirect_dma source(%arg12 : memref<40x128xf32, #tpu.memory_space<vmem>>) target(%dma_start3A_149 : memref<10240x128xf32, #tpu.memory_space<vmem_shared>>) offsets(%dma_start3A_146 : memref<40xi32, #tpu.memory_space<vmem>>) semaphore(%arg23 : memref<!tpu.dma_semaphore, #tpu.memory_space<semaphore_mem>>) {add = true}
    %dma_wait3A_150 = arith.constant 0 : i32
    %dma_wait3A_151 = arith.constant 0 : i32
    %dma_wait3A_152 = tpu.memref_slice %arg6[%dma_wait3A_150, %dma_wait3A_151] : memref<250x40xi32, #tpu.memory_space<vmem>> -> memref<1x40xi32, #tpu.memory_space<vmem>>
    %dma_wait3A_153 = tpu.memref_squeeze %dma_wait3A_152 : memref<1x40xi32, #tpu.memory_space<vmem>> -> memref<40xi32, #tpu.memory_space<vmem>>
    %dma_wait3A_154 = arith.constant 0 : i32
    %dma_wait3A_155 = arith.constant 0 : i32
    %dma_wait3A_156 = tpu.memref_slice %arg13[%dma_wait3A_154, %dma_wait3A_155] : memref<10240x128xf32, #tpu.memory_space<vmem_shared>> -> memref<10240x128xf32, #tpu.memory_space<vmem_shared>>
    tpu.wait_indirect_dma semaphore(%arg19 : memref<!tpu.dma_semaphore, #tpu.memory_space<semaphore_mem>>) src(%arg8 : memref<40x128xf32, #tpu.memory_space<vmem>>) dst(%dma_wait3A_156 : memref<10240x128xf32, #tpu.memory_space<vmem_shared>>)
    %dma_wait3A_157 = arith.constant 0 : i32
    %dma_wait3A_158 = arith.constant 0 : i32
    %dma_wait3A_159 = tpu.memref_slice %arg6[%dma_wait3A_157, %dma_wait3A_158] : memref<250x40xi32, #tpu.memory_space<vmem>> -> memref<1x40xi32, #tpu.memory_space<vmem>>
    %dma_wait3A_160 = tpu.memref_squeeze %dma_wait3A_159 : memref<1x40xi32, #tpu.memory_space<vmem>> -> memref<40xi32, #tpu.memory_space<vmem>>
    %dma_wait3A_161 = arith.constant 0 : i32
    %dma_wait3A_162 = arith.constant 0 : i32
    %dma_wait3A_163 = tpu.memref_slice %arg13[%dma_wait3A_161, %dma_wait3A_162] : memref<10240x128xf32, #tpu.memory_space<vmem_shared>> -> memref<10240x128xf32, #tpu.memory_space<vmem_shared>>
    tpu.wait_indirect_dma semaphore(%arg20 : memref<!tpu.dma_semaphore, #tpu.memory_space<semaphore_mem>>) src(%arg9 : memref<40x128xf32, #tpu.memory_space<vmem>>) dst(%dma_wait3A_163 : memref<10240x128xf32, #tpu.memory_space<vmem_shared>>)
    %dma_wait3A_164 = arith.constant 0 : i32
    %dma_wait3A_165 = arith.constant 0 : i32
    %dma_wait3A_166 = tpu.memref_slice %arg6[%dma_wait3A_164, %dma_wait3A_165] : memref<250x40xi32, #tpu.memory_space<vmem>> -> memref<1x40xi32, #tpu.memory_space<vmem>>
    %dma_wait3A_167 = tpu.memref_squeeze %dma_wait3A_166 : memref<1x40xi32, #tpu.memory_space<vmem>> -> memref<40xi32, #tpu.memory_space<vmem>>
    %dma_wait3A_168 = arith.constant 0 : i32
    %dma_wait3A_169 = arith.constant 0 : i32
    %dma_wait3A_170 = tpu.memref_slice %arg13[%dma_wait3A_168, %dma_wait3A_169] : memref<10240x128xf32, #tpu.memory_space<vmem_shared>> -> memref<10240x128xf32, #tpu.memory_space<vmem_shared>>
    tpu.wait_indirect_dma semaphore(%arg21 : memref<!tpu.dma_semaphore, #tpu.memory_space<semaphore_mem>>) src(%arg10 : memref<40x128xf32, #tpu.memory_space<vmem>>) dst(%dma_wait3A_170 : memref<10240x128xf32, #tpu.memory_space<vmem_shared>>)
    %dma_wait3A_171 = arith.constant 0 : i32
    %dma_wait3A_172 = arith.constant 0 : i32
    %dma_wait3A_173 = tpu.memref_slice %arg6[%dma_wait3A_171, %dma_wait3A_172] : memref<250x40xi32, #tpu.memory_space<vmem>> -> memref<1x40xi32, #tpu.memory_space<vmem>>
    %dma_wait3A_174 = tpu.memref_squeeze %dma_wait3A_173 : memref<1x40xi32, #tpu.memory_space<vmem>> -> memref<40xi32, #tpu.memory_space<vmem>>
    %dma_wait3A_175 = arith.constant 0 : i32
    %dma_wait3A_176 = arith.constant 0 : i32
    %dma_wait3A_177 = tpu.memref_slice %arg13[%dma_wait3A_175, %dma_wait3A_176] : memref<10240x128xf32, #tpu.memory_space<vmem_shared>> -> memref<10240x128xf32, #tpu.memory_space<vmem_shared>>
    tpu.wait_indirect_dma semaphore(%arg22 : memref<!tpu.dma_semaphore, #tpu.memory_space<semaphore_mem>>) src(%arg11 : memref<40x128xf32, #tpu.memory_space<vmem>>) dst(%dma_wait3A_177 : memref<10240x128xf32, #tpu.memory_space<vmem_shared>>)
    %dma_wait3A_178 = arith.constant 0 : i32
    %dma_wait3A_179 = arith.constant 0 : i32
    %dma_wait3A_180 = tpu.memref_slice %arg6[%dma_wait3A_178, %dma_wait3A_179] : memref<250x40xi32, #tpu.memory_space<vmem>> -> memref<1x40xi32, #tpu.memory_space<vmem>>
    %dma_wait3A_181 = tpu.memref_squeeze %dma_wait3A_180 : memref<1x40xi32, #tpu.memory_space<vmem>> -> memref<40xi32, #tpu.memory_space<vmem>>
    %dma_wait3A_182 = arith.constant 0 : i32
    %dma_wait3A_183 = arith.constant 0 : i32
    %dma_wait3A_184 = tpu.memref_slice %arg13[%dma_wait3A_182, %dma_wait3A_183] : memref<10240x128xf32, #tpu.memory_space<vmem_shared>> -> memref<10240x128xf32, #tpu.memory_space<vmem_shared>>
    tpu.wait_indirect_dma semaphore(%arg23 : memref<!tpu.dma_semaphore, #tpu.memory_space<semaphore_mem>>) src(%arg12 : memref<40x128xf32, #tpu.memory_space<vmem>>) dst(%dma_wait3A_184 : memref<10240x128xf32, #tpu.memory_space<vmem_shared>>)
    %barrier3A_185 = arith.constant 0 : index
    tpu.barrier barrier_id(%barrier3A_185)
    %scan3A_186 = arith.constant 0 : i32
    %scan3A_187 = arith.constant 5 : i32
    %scan3A_188 = arith.addi %scan3A_186, %scan3A_187 : i32
    %scan3A_189 = arith.constant 1 : i32
    scf.for %scan3A_191 = %scan3A_186 to %scan3A_188 step %scan3A_189  : i32 {
      %mul3A_192 = arith.constant 1 : i32
      %mul3A_193 = arith.muli %scan3A_191, %mul3A_192 : i32
      %add3A_194 = arith.constant 0 : i32
      %add3A_195 = arith.addi %add3A_194, %mul3A_193 : i32
      %mul3A_196 = arith.constant 640 : i32
      %mul3A_197 = arith.muli %arg1, %mul3A_196 : i32
      %mul3A_198 = arith.constant 128 : i32
      %mul3A_199 = arith.muli %add3A_195, %mul3A_198 : i32
      %add3A_200 = arith.addi %mul3A_197, %mul3A_199 : i32
      %mul3A_201 = arith.constant 640 : i32
      %mul3A_202 = arith.muli %arg1, %mul3A_201 : i32
      %mul3A_203 = arith.constant 128 : i32
      %mul3A_204 = arith.muli %add3A_195, %mul3A_203 : i32
      %add3A_205 = arith.addi %mul3A_202, %mul3A_204 : i32
      "tpu.region"() ({
        %run_scoped3A = tpu.sem_alloc : memref<!tpu.dma_semaphore, #tpu.memory_space<semaphore_mem>>
        %dma_start3A_206 = arith.constant 0 : i32
        %dma_start3A_207 = tpu.memref_slice %arg5[%arg0, %add3A_205, %dma_start3A_206] : memref<2x10240x128xf32, #tpu.memory_space<hbm>> -> memref<1x128x128xf32, #tpu.memory_space<hbm>>
        %dma_start3A_208 = tpu.memref_squeeze %dma_start3A_207 : memref<1x128x128xf32, #tpu.memory_space<hbm>> -> memref<128x128xf32, #tpu.memory_space<hbm>>
        %dma_start3A_209 = arith.constant 0 : i32
        %dma_start3A_210 = tpu.memref_slice %arg13[%add3A_200, %dma_start3A_209] : memref<10240x128xf32, #tpu.memory_space<vmem_shared>> -> memref<128x128xf32, #tpu.memory_space<vmem_shared>>
        tpu.enqueue_dma source(%dma_start3A_210 : memref<128x128xf32, #tpu.memory_space<vmem_shared>>) target(%dma_start3A_208 : memref<128x128xf32, #tpu.memory_space<hbm>>) target_semaphore(%run_scoped3A : memref<!tpu.dma_semaphore, #tpu.memory_space<semaphore_mem>>)
        %dma_wait3A_211 = arith.constant 0 : i32
        %dma_wait3A_212 = tpu.memref_slice %arg5[%arg0, %add3A_205, %dma_wait3A_211] : memref<2x10240x128xf32, #tpu.memory_space<hbm>> -> memref<1x128x128xf32, #tpu.memory_space<hbm>>
        %dma_wait3A_213 = tpu.memref_squeeze %dma_wait3A_212 : memref<1x128x128xf32, #tpu.memory_space<hbm>> -> memref<128x128xf32, #tpu.memory_space<hbm>>
        %dma_wait3A_214 = arith.constant 0 : i32
        %dma_wait3A_215 = tpu.memref_slice %arg13[%add3A_200, %dma_wait3A_214] : memref<10240x128xf32, #tpu.memory_space<vmem_shared>> -> memref<128x128xf32, #tpu.memory_space<vmem_shared>>
        tpu.wait_dma2 semaphore(%run_scoped3A : memref<!tpu.dma_semaphore, #tpu.memory_space<semaphore_mem>>) src(%dma_wait3A_215 : memref<128x128xf32, #tpu.memory_space<vmem_shared>>) dst(%dma_wait3A_213 : memref<128x128xf32, #tpu.memory_space<hbm>>)
        tpu.yield
      }) : () -> ()
    }
    %scan3A_190 = arith.constant 5 : i32
    return
  }
}

module attributes {stable_mosaic.version = 14 : i64} {
  func.func @_scales_body(%arg0: memref<2x2x640x16xf32, #tpu.memory_space<vmem>>, %arg1: memref<2x640x16xf32, #tpu.memory_space<vmem>>) attributes {dimension_semantics = [], scalar_prefetch = 0 : i64, scratch_operands = 0 : i64, tpu.core_type = #tpu.core_type<tc>} {
    %get3A = arith.constant 0 : index
    %get3A_0 = arith.constant 0 : index
    %get3A_1 = arith.constant 0 : index
    %get3A_2 = arith.constant 0 : index
    %get3A_3 = vector.load %arg0[%get3A, %get3A_0, %get3A_1, %get3A_2] : memref<2x2x640x16xf32, #tpu.memory_space<vmem>>, vector<1x1x640x16xf32>
    %get3A_4 = vector.shape_cast %get3A_3 : vector<1x1x640x16xf32> to vector<640x16xf32>
    %get3A_5 = arith.constant 1 : index
    %get3A_6 = arith.constant 0 : index
    %get3A_7 = arith.constant 0 : index
    %get3A_8 = arith.constant 0 : index
    %get3A_9 = vector.load %arg0[%get3A_5, %get3A_6, %get3A_7, %get3A_8] : memref<2x2x640x16xf32, #tpu.memory_space<vmem>>, vector<1x1x640x16xf32>
    %get3A_10 = vector.shape_cast %get3A_9 : vector<1x1x640x16xf32> to vector<640x16xf32>
    %add3A = arith.addf %get3A_4, %get3A_10 : vector<640x16xf32>
    %get3A_11 = arith.constant 0 : index
    %get3A_12 = arith.constant 1 : index
    %get3A_13 = arith.constant 0 : index
    %get3A_14 = arith.constant 0 : index
    %get3A_15 = vector.load %arg0[%get3A_11, %get3A_12, %get3A_13, %get3A_14] : memref<2x2x640x16xf32, #tpu.memory_space<vmem>>, vector<1x1x640x16xf32>
    %get3A_16 = vector.shape_cast %get3A_15 : vector<1x1x640x16xf32> to vector<640x16xf32>
    %get3A_17 = arith.constant 1 : index
    %get3A_18 = arith.constant 1 : index
    %get3A_19 = arith.constant 0 : index
    %get3A_20 = arith.constant 0 : index
    %get3A_21 = vector.load %arg0[%get3A_17, %get3A_18, %get3A_19, %get3A_20] : memref<2x2x640x16xf32, #tpu.memory_space<vmem>>, vector<1x1x640x16xf32>
    %get3A_22 = vector.shape_cast %get3A_21 : vector<1x1x640x16xf32> to vector<640x16xf32>
    %add3A_23 = arith.addf %get3A_16, %get3A_22 : vector<640x16xf32>
    %gt3A = arith.constant 0.000000e+00 : f32
    %gt3A_24 = vector.broadcast %gt3A : f32 to vector<640x16xf32>
    %gt3A_25 = arith.cmpf ogt, %add3A, %gt3A_24 : vector<640x16xf32>
    %max3A = arith.constant 9.99999996E-13 : f32
    %max3A_26 = vector.broadcast %max3A : f32 to vector<640x16xf32>
    %max3A_27 = arith.maximumf %add3A, %max3A_26 : vector<640x16xf32>
    %rsqrt3A = math.rsqrt %max3A_27 : vector<640x16xf32>
    %jit3A = arith.constant 0.000000e+00 : f32
    %broadcast_in_dim3A = vector.broadcast %jit3A : f32 to vector<640x16xf32>
    %select_n3A = arith.select %gt3A_25, %rsqrt3A, %broadcast_in_dim3A : vector<640x16xi1>, vector<640x16xf32>
    %swap3A = arith.constant 0 : index
    %swap3A_28 = arith.constant 0 : index
    %swap3A_29 = arith.constant 0 : index
    %swap3A_30 = vector.load %arg1[%swap3A, %swap3A_28, %swap3A_29] : memref<2x640x16xf32, #tpu.memory_space<vmem>>, vector<1x640x16xf32>
    %swap3A_31 = vector.shape_cast %swap3A_30 : vector<1x640x16xf32> to vector<640x16xf32>
    %swap3A_32 = vector.shape_cast %select_n3A : vector<640x16xf32> to vector<1x640x16xf32>
    tpu.vector_store %arg1[%swap3A, %swap3A_28, %swap3A_29], %swap3A_32 {strides = array<i32>} : memref<2x640x16xf32, #tpu.memory_space<vmem>>, vector<1x640x16xf32>,
    %swap3A_33 = arith.constant 1 : index
    %swap3A_34 = arith.constant 0 : index
    %swap3A_35 = arith.constant 0 : index
    %swap3A_36 = vector.load %arg1[%swap3A_33, %swap3A_34, %swap3A_35] : memref<2x640x16xf32, #tpu.memory_space<vmem>>, vector<1x640x16xf32>
    %swap3A_37 = vector.shape_cast %swap3A_36 : vector<1x640x16xf32> to vector<640x16xf32>
    %swap3A_38 = vector.shape_cast %add3A_23 : vector<640x16xf32> to vector<1x640x16xf32>
    tpu.vector_store %arg1[%swap3A_33, %swap3A_34, %swap3A_35], %swap3A_38 {strides = array<i32>} : memref<2x640x16xf32, #tpu.memory_space<vmem>>, vector<1x640x16xf32>,
    return
  }
}

module attributes {stable_mosaic.version = 14 : i64} {
  func.func @_g1_body(%arg0: memref<10000x128xf32, #tpu.memory_space<vmem>>, %arg1: memref<10240x1xf32, #tpu.memory_space<vmem>>, %arg2: memref<128x128xf32, #tpu.memory_space<vmem>>, %arg3: memref<10240x128xf32, #tpu.memory_space<vmem>>, %arg4: memref<10000x128xf32, #tpu.memory_space<vmem>>) attributes {dimension_semantics = [], scalar_prefetch = 0 : i64, scratch_operands = 0 : i64, tpu.core_type = #tpu.core_type<tc>} {
    %get3A = arith.constant 0 : index
    %get3A_0 = arith.constant 0 : index
    %get3A_1 = vector.load %arg0[%get3A, %get3A_0] : memref<10000x128xf32, #tpu.memory_space<vmem>>, vector<10000x128xf32>
    %get3A_2 = arith.constant 0 : index
    %get3A_3 = arith.constant 0 : index
    %get3A_4 = vector.load %arg1[%get3A_2, %get3A_3] : memref<10240x1xf32, #tpu.memory_space<vmem>>, vector<10000x1xf32>
    %mul3A = vector.broadcast %get3A_4 : vector<10000x1xf32> to vector<10000x128xf32>
    %mul3A_5 = arith.mulf %mul3A, %get3A_1 : vector<10000x128xf32>
    %swap3A = arith.constant 0 : index
    %swap3A_6 = arith.constant 0 : index
    %swap3A_7 = vector.load %arg3[%swap3A, %swap3A_6] : memref<10240x128xf32, #tpu.memory_space<vmem>>, vector<10000x128xf32>
    tpu.vector_store %arg3[%swap3A, %swap3A_6], %mul3A_5 {strides = array<i32>} : memref<10240x128xf32, #tpu.memory_space<vmem>>, vector<10000x128xf32>,
    %broadcast_in_dim3A = arith.constant 0.000000e+00 : f32
    %broadcast_in_dim3A_8 = vector.broadcast %broadcast_in_dim3A : f32 to vector<240x128xf32>
    %swap3A_9 = arith.constant 10000 : index
    %swap3A_10 = arith.constant 0 : index
    %swap3A_11 = vector.load %arg3[%swap3A_9, %swap3A_10] : memref<10240x128xf32, #tpu.memory_space<vmem>>, vector<240x128xf32>
    tpu.vector_store %arg3[%swap3A_9, %swap3A_10], %broadcast_in_dim3A_8 {strides = array<i32>} : memref<10240x128xf32, #tpu.memory_space<vmem>>, vector<240x128xf32>,
    %get3A_12 = arith.constant 0 : index
    %get3A_13 = arith.constant 0 : index
    %get3A_14 = vector.load %arg2[%get3A_12, %get3A_13] : memref<128x128xf32, #tpu.memory_space<vmem>>, vector<128x128xf32>
    %dot_general3A = arith.constant dense<0.000000e+00> : vector<10000x128xf32>
    %dot_general3A_15 = tpu.matmul %get3A_1, %get3A_14, %dot_general3A {dimension_numbers = #tpu.dot_dimension_numbers<[1], [0], [0], [1], [0, 0, 1, 1], [], []>, transpose_lhs_hint = false} : vector<10000x128xf32>, vector<128x128xf32>, vector<10000x128xf32> -> vector<10000x128xf32>
    %swap3A_16 = arith.constant 0 : index
    %swap3A_17 = arith.constant 0 : index
    %swap3A_18 = vector.load %arg4[%swap3A_16, %swap3A_17] : memref<10000x128xf32, #tpu.memory_space<vmem>>, vector<10000x128xf32>
    tpu.vector_store %arg4[%swap3A_16, %swap3A_17], %dot_general3A_15 {strides = array<i32>} : memref<10000x128xf32, #tpu.memory_space<vmem>>, vector<10000x128xf32>,
    return
  }
}

module attributes {stable_mosaic.version = 14 : i64} {
  func.func @_mid_body(%arg0: memref<2x10240x128xf32, #tpu.memory_space<vmem>>, %arg1: memref<10240x128xf32, #tpu.memory_space<vmem>>, %arg2: memref<10240x1xf32, #tpu.memory_space<vmem>>, %arg3: memref<10240x1xf32, #tpu.memory_space<vmem>>, %arg4: memref<128x128xf32, #tpu.memory_space<vmem>>, %arg5: memref<10240x128xf32, #tpu.memory_space<vmem>>, %arg6: memref<10000x128xf32, #tpu.memory_space<vmem>>) attributes {dimension_semantics = [], scalar_prefetch = 0 : i64, scratch_operands = 0 : i64, tpu.core_type = #tpu.core_type<tc>} {
    %get3A = arith.constant 0 : index
    %get3A_0 = arith.constant 0 : index
    %get3A_1 = vector.load %arg2[%get3A, %get3A_0] : memref<10240x1xf32, #tpu.memory_space<vmem>>, vector<10240x1xf32>
    %neg3A = arith.constant 0.000000e+00 : f32
    %neg3A_2 = vector.broadcast %neg3A : f32 to vector<10240x1xf32>
    %neg3A_3 = arith.subf %neg3A_2, %get3A_1 : vector<10240x1xf32>
    %get3A_4 = arith.constant 0 : index
    %get3A_5 = arith.constant 0 : index
    %get3A_6 = arith.constant 0 : index
    %get3A_7 = vector.load %arg0[%get3A_4, %get3A_5, %get3A_6] : memref<2x10240x128xf32, #tpu.memory_space<vmem>>, vector<1x10240x128xf32>
    %get3A_8 = vector.shape_cast %get3A_7 : vector<1x10240x128xf32> to vector<10240x128xf32>
    %get3A_9 = arith.constant 1 : index
    %get3A_10 = arith.constant 0 : index
    %get3A_11 = arith.constant 0 : index
    %get3A_12 = vector.load %arg0[%get3A_9, %get3A_10, %get3A_11] : memref<2x10240x128xf32, #tpu.memory_space<vmem>>, vector<1x10240x128xf32>
    %get3A_13 = vector.shape_cast %get3A_12 : vector<1x10240x128xf32> to vector<10240x128xf32>
    %add3A = arith.addf %get3A_8, %get3A_13 : vector<10240x128xf32>
    %get3A_14 = arith.constant 0 : index
    %get3A_15 = arith.constant 0 : index
    %get3A_16 = vector.load %arg3[%get3A_14, %get3A_15] : memref<10240x1xf32, #tpu.memory_space<vmem>>, vector<10240x1xf32>
    %get3A_17 = arith.constant 0 : index
    %get3A_18 = arith.constant 0 : index
    %get3A_19 = vector.load %arg1[%get3A_17, %get3A_18] : memref<10240x128xf32, #tpu.memory_space<vmem>>, vector<10240x128xf32>
    %mul3A = vector.broadcast %get3A_16 : vector<10240x1xf32> to vector<10240x128xf32>
    %mul3A_20 = arith.mulf %mul3A, %get3A_19 : vector<10240x128xf32>
    %sub3A = arith.subf %add3A, %mul3A_20 : vector<10240x128xf32>
    %mul3A_21 = vector.broadcast %neg3A_3 : vector<10240x1xf32> to vector<10240x128xf32>
    %mul3A_22 = arith.mulf %mul3A_21, %sub3A : vector<10240x128xf32>
    %mul3A_23 = vector.broadcast %get3A_1 : vector<10240x1xf32> to vector<10240x128xf32>
    %mul3A_24 = arith.mulf %mul3A_23, %mul3A_22 : vector<10240x128xf32>
    %swap3A = arith.constant 0 : index
    %swap3A_25 = arith.constant 0 : index
    %swap3A_26 = vector.load %arg5[%swap3A, %swap3A_25] : memref<10240x128xf32, #tpu.memory_space<vmem>>, vector<10240x128xf32>
    tpu.vector_store %arg5[%swap3A, %swap3A_25], %mul3A_24 {strides = array<i32>} : memref<10240x128xf32, #tpu.memory_space<vmem>>, vector<10240x128xf32>,
    %slice3A = vector.extract_strided_slice %mul3A_22 {offsets = [0, 0], sizes = [10000, 128], strides = [1, 1]} : vector<10240x128xf32> to vector<10000x128xf32>
    %get3A_27 = arith.constant 0 : index
    %get3A_28 = arith.constant 0 : index
    %get3A_29 = vector.load %arg4[%get3A_27, %get3A_28] : memref<128x128xf32, #tpu.memory_space<vmem>>, vector<128x128xf32>
    %dot_general3A = arith.constant dense<0.000000e+00> : vector<10000x128xf32>
    %dot_general3A_30 = tpu.matmul %slice3A, %get3A_29, %dot_general3A {dimension_numbers = #tpu.dot_dimension_numbers<[1], [0], [0], [1], [0, 0, 1, 1], [], []>, transpose_lhs_hint = false} : vector<10000x128xf32>, vector<128x128xf32>, vector<10000x128xf32> -> vector<10000x128xf32>
    %swap3A_31 = arith.constant 0 : index
    %swap3A_32 = arith.constant 0 : index
    %swap3A_33 = vector.load %arg6[%swap3A_31, %swap3A_32] : memref<10000x128xf32, #tpu.memory_space<vmem>>, vector<10000x128xf32>
    tpu.vector_store %arg6[%swap3A_31, %swap3A_32], %dot_general3A_30 {strides = array<i32>} : memref<10000x128xf32, #tpu.memory_space<vmem>>, vector<10000x128xf32>,
    return
  }
}

module attributes {stable_mosaic.version = 14 : i64} {
  func.func @_final_body(%arg0: memref<2x10240x128xf32, #tpu.memory_space<vmem>>, %arg1: memref<10240x128xf32, #tpu.memory_space<vmem>>, %arg2: memref<10240x1xf32, #tpu.memory_space<vmem>>, %arg3: memref<10240x1xf32, #tpu.memory_space<vmem>>, %arg4: memref<10000x128xf32, #tpu.memory_space<vmem>>, %arg5: memref<10000x128xf32, #tpu.memory_space<vmem>>, %arg6: memref<10000x128xf32, #tpu.memory_space<vmem>>, %arg7: memref<128x128xf32, #tpu.memory_space<vmem>>, %arg8: memref<1x128xf32, #tpu.memory_space<vmem>>, %arg9: memref<10000x128xf32, #tpu.memory_space<vmem>>) attributes {dimension_semantics = [], scalar_prefetch = 0 : i64, scratch_operands = 0 : i64, tpu.core_type = #tpu.core_type<tc>} {
    %get3A = arith.constant 0 : index
    %get3A_0 = arith.constant 0 : index
    %get3A_1 = vector.load %arg2[%get3A, %get3A_0] : memref<10240x1xf32, #tpu.memory_space<vmem>>, vector<10240x1xf32>
    %mul3A = arith.constant -2.000000e+00 : f32
    %mul3A_2 = vector.broadcast %mul3A : f32 to vector<10240x1xf32>
    %mul3A_3 = arith.mulf %mul3A_2, %get3A_1 : vector<10240x1xf32>
    %get3A_4 = arith.constant 0 : index
    %get3A_5 = arith.constant 0 : index
    %get3A_6 = arith.constant 0 : index
    %get3A_7 = vector.load %arg0[%get3A_4, %get3A_5, %get3A_6] : memref<2x10240x128xf32, #tpu.memory_space<vmem>>, vector<1x10240x128xf32>
    %get3A_8 = vector.shape_cast %get3A_7 : vector<1x10240x128xf32> to vector<10240x128xf32>
    %get3A_9 = arith.constant 1 : index
    %get3A_10 = arith.constant 0 : index
    %get3A_11 = arith.constant 0 : index
    %get3A_12 = vector.load %arg0[%get3A_9, %get3A_10, %get3A_11] : memref<2x10240x128xf32, #tpu.memory_space<vmem>>, vector<1x10240x128xf32>
    %get3A_13 = vector.shape_cast %get3A_12 : vector<1x10240x128xf32> to vector<10240x128xf32>
    %add3A = arith.addf %get3A_8, %get3A_13 : vector<10240x128xf32>
    %get3A_14 = arith.constant 0 : index
    %get3A_15 = arith.constant 0 : index
    %get3A_16 = vector.load %arg3[%get3A_14, %get3A_15] : memref<10240x1xf32, #tpu.memory_space<vmem>>, vector<10240x1xf32>
    %get3A_17 = arith.constant 0 : index
    %get3A_18 = arith.constant 0 : index
    %get3A_19 = vector.load %arg1[%get3A_17, %get3A_18] : memref<10240x128xf32, #tpu.memory_space<vmem>>, vector<10240x128xf32>
    %mul3A_20 = vector.broadcast %get3A_16 : vector<10240x1xf32> to vector<10240x128xf32>
    %mul3A_21 = arith.mulf %mul3A_20, %get3A_19 : vector<10240x128xf32>
    %sub3A = arith.subf %add3A, %mul3A_21 : vector<10240x128xf32>
    %mul3A_22 = vector.broadcast %mul3A_3 : vector<10240x1xf32> to vector<10240x128xf32>
    %mul3A_23 = arith.mulf %mul3A_22, %sub3A : vector<10240x128xf32>
    %slice3A = vector.extract_strided_slice %mul3A_23 {offsets = [0, 0], sizes = [10000, 128], strides = [1, 1]} : vector<10240x128xf32> to vector<10000x128xf32>
    %get3A_24 = arith.constant 0 : index
    %get3A_25 = arith.constant 0 : index
    %get3A_26 = vector.load %arg4[%get3A_24, %get3A_25] : memref<10000x128xf32, #tpu.memory_space<vmem>>, vector<10000x128xf32>
    %sub3A_27 = arith.subf %slice3A, %get3A_26 : vector<10000x128xf32>
    %get3A_28 = arith.constant 0 : index
    %get3A_29 = arith.constant 0 : index
    %get3A_30 = vector.load %arg5[%get3A_28, %get3A_29] : memref<10000x128xf32, #tpu.memory_space<vmem>>, vector<10000x128xf32>
    %get3A_31 = arith.constant 0 : index
    %get3A_32 = arith.constant 0 : index
    %get3A_33 = vector.load %arg6[%get3A_31, %get3A_32] : memref<10000x128xf32, #tpu.memory_space<vmem>>, vector<10000x128xf32>
    %add3A_34 = arith.addf %get3A_30, %get3A_33 : vector<10000x128xf32>
    %get3A_35 = arith.constant 0 : index
    %get3A_36 = arith.constant 0 : index
    %get3A_37 = vector.load %arg7[%get3A_35, %get3A_36] : memref<128x128xf32, #tpu.memory_space<vmem>>, vector<128x128xf32>
    %dot_general3A = arith.constant dense<0.000000e+00> : vector<10000x128xf32>
    %dot_general3A_38 = tpu.matmul %sub3A_27, %get3A_37, %dot_general3A {dimension_numbers = #tpu.dot_dimension_numbers<[1], [0], [0], [1], [0, 0, 1, 1], [], []>, transpose_lhs_hint = false} : vector<10000x128xf32>, vector<128x128xf32>, vector<10000x128xf32> -> vector<10000x128xf32>
    %add3A_39 = arith.addf %add3A_34, %dot_general3A_38 : vector<10000x128xf32>
    %get3A_40 = arith.constant 0 : index
    %get3A_41 = arith.constant 0 : index
    %get3A_42 = vector.load %arg8[%get3A_40, %get3A_41] : memref<1x128xf32, #tpu.memory_space<vmem>>, vector<1x128xf32>
    %add3A_43 = vector.broadcast %get3A_42 : vector<1x128xf32> to vector<10000x128xf32>
    %add3A_44 = arith.addf %add3A_39, %add3A_43 : vector<10000x128xf32>
    %swap3A = arith.constant 0 : index
    %swap3A_45 = arith.constant 0 : index
    %swap3A_46 = vector.load %arg9[%swap3A, %swap3A_45] : memref<10000x128xf32, #tpu.memory_space<vmem>>, vector<10000x128xf32>
    tpu.vector_store %arg9[%swap3A, %swap3A_45], %add3A_44 {strides = array<i32>} : memref<10000x128xf32, #tpu.memory_space<vmem>>, vector<10000x128xf32>,
    return
  }
}

</mosaic_0001>

<sc_bundles>
// kernel: kernel.12.cloned.1.call-start
scs
__scs_entry_jumppad:
0x0: {  	(pc) =	sbr.rel $0x88, $3  }
0x1: {  	(tag) =	ssettag $0x0;
	lr =	simm.s32 $0x1  }
0x2: {  	[smem:$0x3F9B] =	sst lr;
	_ =	strace $0xD0000000  }
0x3: {  	_ = 	snop  }
0x4: {  	_ = 	snop  }
0x5: {  	_ = 	snop  }
0x6: {  	_ = 	snop  }
0x7: {  	_ = 	snop  }
__scs_overlays_trampoline_lowered:
0x8: {  	[smem:$0x3FAA] =	sst s0  }
0x9: {  	[smem:$0x3FAB] =	sst s1  }
0xa: {  	[smem:$0x3FAC] =	sst s2  }
0xb: {  	[smem:$0x3FAD] =	sst s3  }
0xc: {  	[smem:$0x3FAE] =	sst s4  }
0xd: {  	[smem:$0x3FAF] =	sst s5  }
0xe: {  	[smem:$0x3FB0] =	sst s6  }
0xf: {  	[smem:$0x3FB1] =	sst s7  }
0x10: {  	[smem:$0x3FB2] =	sst s8  }
0x11: {  	[smem:$0x3FB3] =	sst s9;
	s0 =	simm.s32 @!p0 $0x0  }
0x12: {  	s1 =	sld [smem:$0x3F99];
	s0 =	simm.s32 @p0 $0x1  }
0x13: {  	[smem:$0x3FB4] =	sst s0;
	s0 =	simm.s32 @!p1 $0x0  }
0x14: {  	s2 =	sld [smem:$0x3F98];
	s0 =	simm.s32 @p1 $0x1  }
0x15: {  	[smem:$0x3FB5] =	sst s0;
	s0 =	simm.s32 @!p2 $0x0  }
0x16: {  	s3 =	sld [smem:$0x3FDB];
	s0 =	simm.s32 @p2 $0x1  }
0x17: {  	s4 =	simm.s32 $0x1BF5;
	[smem:$0x3FB7] =	sst s0  }
0x18: {  	s0 =	sld [smem:$0x3F9A];
	_ =	swait.ge [sflag:s4], $0x0  }
0x19: {  	s7 =	sld [smem:$0x3F9B]  }
0x1a: {  	s8 =	sadd.s32 $0xFFFFE003, lr  }
0x1b: {  	s9 =	sadd.s32 $0xFFFFFEF7, lr;
	s5 =	simm.s32 $0xFFFFFFFF;
	p2 =	slt.u32 s8, $0xFFFFF086  }
0x1c: {  	p1 =	slt.u32 s9, $0xF7A;
	s5 =	simm.s32 @!p2 $0x0  }
0x1d: {  	s5 =	simm.s32 @p1 $0x1;
	p0 =	seq.s32 s7, s2  }
0x1e: {  	s7 =	smul.u32 @!p0 $0xF7A, s2;
	p2 =	seq.s32 @!p0 s5, $0x0  }
0x1f: {  	s9 =	smul.u32 $0xF7A, s1;
	s8 =	simm.s32 @!p0 $0x1BF5;
	p2 =	por !p2, p0  }
0x20: {  	[sflag:s8] =	ssyncset.s32 @!p0 $0xFFFFF086;
	s6 =	sadd.s32 @!p0 s3, s7;
	s7 =	simm.s32 @!p0 $0x108  }
0x21: {  	s3 =	sadd.s32 s3, s9;
	s6 =	sadd.s32 @!p0 $0x88, s6;
	s7 =	simm.s32 @p2 $0x1082  }
0x22: {  	[simem:s7], [sflag:s8] =	dma.local @!p0 [hbm:s6], $0xF7A  }
0x23: {  	s9 =	sor.u32 $0xD0000000, s2;
	s6 =	simm.s32 $0x108;
	_ =	swait.ge @!p0 [sflag:s8], $0x0  }
0x24: {  	s3 =	sadd.s32 $0x88, s3;
	s6 =	simm.s32 @!p1 $0x1082;
	[sflag:s4] =	ssyncset.s32 $0xFFFFF086  }
0x25: {  	[simem:s6], [sflag:s4] =	dma.local [hbm:s3], $0xF7A  }
0x26: {  	[smem:$0x3F9B] =	sst s1;
	(tag) =	ssettag s2;
	_ =	strace s9  }
0x27: {  	s1 =	sld [smem:$0x3FAB]  }
0x28: {  	s2 =	sld [smem:$0x3FAC]  }
0x29: {  	s4 =	sld [smem:$0x3FAE]  }
0x2a: {  	p0 =	seq.s32 s5, $0x0;
	s5 =	sld [smem:$0x3FAF]  }
0x2b: {  	s6 =	sld [smem:$0x3FB0]  }
0x2c: {  	s7 =	sld [smem:$0x3FB1]  }
0x2d: {  	s3 =	simm.s32 $0x108;
	s8 =	sld [smem:$0x3FB2]  }
0x2e: {  	s3 =	simm.s32 @!p0 $0x1082;
	s9 =	sld [smem:$0x3FB3]  }
0x2f: {  	lr =	sadd.s32 s0, s3;
	s0 =	sld [smem:$0x3FAA]  }
0x30: {  	s3 =	sld [smem:$0x3FAD]  }
0x31: {  	[smem:$0x3FB6] =	sst s10  }
0x32: {  	s10 =	sld [smem:$0x3FB4];
	_ =	sdelay $0x3  }
0x33: {  	p0 =	seq.s32 s10, $0x1;
	s10 =	sld [smem:$0x3FB6];
	_ =	sdelay $0x3  }
0x34: {  	[smem:$0x3FB6] =	sst s10  }
0x35: {  	s10 =	sld [smem:$0x3FB5];
	_ =	sdelay $0x3  }
0x36: {  	p1 =	seq.s32 s10, $0x1;
	s10 =	sld [smem:$0x3FB6];
	_ =	sdelay $0x3  }
0x37: {  	[smem:$0x3FB6] =	sst s10  }
0x38: {  	s10 =	sld [smem:$0x3FB7]  }
0x39: {  	_ = 	snop;
	(pc) =	sbr.ind lr, $3  }
0x3a: {  	_ = 	snop  }
0x3b: {  	_ = 	snop  }
0x3c: {  	p2 =	seq.s32 s10, $0x1;
	s10 =	sld [smem:$0x3FB6]  }
0x3d: {  	_ =	shalt  }
0x3e: {  	_ =	shalt  }
0x3f: {  	_ =	shalt  }
0x40: {  	_ =	shalt  }
0x41: {  	_ =	shalt  }
0x42: {  	_ =	shalt  }
0x43: {  	_ =	shalt  }
0x44: {  	_ =	shalt  }
0x45: {  	_ =	shalt  }
0x46: {  	_ =	shalt  }
0x47: {  	_ =	shalt  }
0x48: {  	_ =	shalt  }
0x49: {  	_ =	shalt  }
0x4a: {  	_ =	shalt  }
0x4b: {  	_ =	shalt  }
0x4c: {  	_ =	shalt  }
0x4d: {  	_ =	shalt  }
0x4e: {  	_ =	shalt  }
0x4f: {  	_ =	shalt  }
0x50: {  	_ =	shalt  }
0x51: {  	_ =	shalt  }
0x52: {  	_ =	shalt  }
0x53: {  	_ =	shalt  }
0x54: {  	_ =	shalt  }
0x55: {  	_ =	shalt  }
0x56: {  	_ =	shalt  }
0x57: {  	_ =	shalt  }
0x58: {  	_ =	shalt  }
0x59: {  	_ =	shalt  }
0x5a: {  	_ =	shalt  }
0x5b: {  	_ =	shalt  }
0x5c: {  	_ =	shalt  }
0x5d: {  	_ =	shalt  }
0x5e: {  	_ =	shalt  }
0x5f: {  	_ =	shalt  }
0x60: {  	_ =	shalt  }
0x61: {  	_ =	shalt  }
0x62: {  	_ =	shalt  }
0x63: {  	_ =	shalt  }
0x64: {  	_ =	shalt  }
0x65: {  	_ =	shalt  }
0x66: {  	_ =	shalt  }
0x67: {  	_ =	shalt  }
0x68: {  	_ =	shalt  }
0x69: {  	_ =	shalt  }
0x6a: {  	_ =	shalt  }
0x6b: {  	_ =	shalt  }
0x6c: {  	_ =	shalt  }
0x6d: {  	_ =	shalt  }
0x6e: {  	_ =	shalt  }
0x6f: {  	_ =	shalt  }
0x70: {  	_ =	shalt  }
0x71: {  	_ =	shalt  }
0x72: {  	_ =	shalt  }
0x73: {  	_ =	shalt  }
0x74: {  	_ =	shalt  }
0x75: {  	_ =	shalt  }
0x76: {  	_ =	shalt  }
0x77: {  	_ =	shalt  }
0x78: {  	_ =	shalt  }
0x79: {  	_ =	shalt  }
0x7a: {  	_ =	shalt  }
0x7b: {  	_ =	shalt  }
0x7c: {  	_ =	shalt  }
0x7d: {  	_ =	shalt  }
0x7e: {  	_ =	shalt  }
0x7f: {  	_ =	shalt  }
0x80: {  	_ =	shalt  }
0x81: {  	_ =	shalt  }
0x82: {  	_ =	shalt  }
0x83: {  	_ =	shalt  }
0x84: {  	_ =	shalt  }
0x85: {  	_ =	shalt  }
0x86: {  	_ =	shalt  }
0x87: {  	_ =	shalt  }
.Lfunc_end0:
.L_simem_size_0:
called_computation.1_lowered:
.L_overlay_start_0:
0x88: {  	s2 =	sld [smem:$0x3FD9]  }
0x89: {  	s3 =	sld [smem:$0x3FFE];
	_ =	sdelay $0x1  }
0x8a: {  	s1 =	srdreg.scid  }
0x8b: {  	s0 =	sand.u32 $0x1, s1  }
0x8c: {  	s16 =	sshll.u32 s0, $0xA;
	s2 =	sadd.s32 s3, s2  }
0x8d: {  	s2 =	sadd.s32 s2, s16  }
0x8e: {  	[smem:$0x3FC2] =	sst s2  }
0x8f: {  	_ = 	snop  }
0x90: {  	(tm) =	ssettm $0x1  }
0x91: {  	s17 =	sld [smem:$0x3FFB];
	_ =	sdelay $0x3  }
0x92: {  	_ =	strace s17  }
0x93: {  	s2 =	sld [smem:$0x3FFC];
	_ =	sdelay $0x3  }
0x94: {  	_ =	strace s2  }
0x95: {  	s2 =	sld [smem:$0x3FFD];
	_ =	sdelay $0x3  }
0x96: {  	_ =	strace s2  }
0x97: {  	_ =	strace $0x8FFFFFFF  }
0x98: {  	s18 =	sld [smem:$0x3FDB];
	_ =	sdelay $0x1  }
0x99: {  	s19 =	simm.s32 $_scs_section_size  }
0x9a: {  	s4 =	simm.s32 $_size__tile_overlayer_lowered;
	s5 =	simm.s32 $_tile_overlayer_lowered  }
0x9b: {  	s22 =	simm.s32 $0x1BFF;
	s21 =	sshll.u32 s5, $0x1;
	s2 =	sadd.s32 s19, s18  }
0x9c: {  	s6 =	simm.s32 $0x0;
	s20 =	sshll.u32 s4, $0x1;
	s4 =	sadd.s32 s21, s2  }
0x9d: {  	[timem:s6], [sflag:s22] =	dma.local [hbm:s4], s20  }
0x9e: {  	_ =	swait.ge [sflag:s22], s20  }
0x9f: {  	s3 =	ssub.s32 $0x0, s20;
	[sflag:s22] =	ssyncset.done $0x0  }
0xa0: {  	[sflag:s22] =	ssyncadd.s32 s3;
	_ =	sdelay $0x1  }
0xa1: {  	s23 =	simm.s32 $0x1B8B  }
0xa2: {  	_ =	swait.ge [sflag:s23], $0x1  }
0xa3: {  	[sflag:s23] =	ssyncset.done $0x0  }
0xa4: {  	s25 =	simm.s32 $0x1B8E;
	s24 =	sld [smem:$0x3FFE];
	[sflag:s23] =	ssyncadd.s32 $0xFFFFFFFF  }
0xa5: {  	s26 =	simm.s32 $execute0_lowered;
	[smem:$0x3FD2] =	sst s25  }
0xa6: {  	s4 =	sshll.u32 s26, $0x1;
	_ =	strace $0x80000049;
	[dreg:$0x1] =	wrdreg $0xFFFFFFFF  }
0xa7: {  	s28 =	simm.s32 $_size_execute0_lowered;
	s2 =	sadd.s32 s2, s4;
	[dreg:$0x0] =	wrdreg $0x0  }
0xa8: {  	s4 =	sshll.u32 s28, $0x1;
	[dreg:$0x2] =	wrdreg s2  }
0xa9: {  	[dreg:$0x3] =	wrdreg s4  }
0xaa: {  	[dreg:$0x4] =	wrdreg $0xC0  }
0xab: {  	_ =	task [dreg:s6], $0x5FFFF  }
0xac: {  	[dreg:$0x1] =	wrdreg $0xFFFFFFFF  }
0xad: {  	[dreg:$0x0] =	wrdreg $0x60  }
0xae: {  	[dreg:$0x2] =	wrdreg s24  }
0xaf: {  	[dreg:$0x3] =	wrdreg $0xB2200  }
0xb0: {  	[dreg:$0x4] =	wrdreg $0x9  }
0xb1: {  	_ =	task.clear_ibuf [dreg:s6], $0x5FFFF;
	_ =	strace $0x90000049  }
0xb2: {  	s29 =	simm.s32 $0x9;
	_ =	strace $0x8000004B  }
0xb3: {  	_ =	swait.ge [sflag:s29], $0x1  }
0xb4: {  	[sflag:s29] =	ssyncadd.s32 $0xFFFFFFFF  }
0xb5: {  	_ =	strace $0x9000004B  }
0xb6: {  	_ =	sfence  }
0xb7: {  	s30 =	sld [smem:$0x0];
	_ =	sdelay $0x2  }
0xb8: {  	s31 =	sshll.u32 s1, $0xD;
	s1 =	sshrl.u32 s1, $0x2  }
0xb9: {  	s3 =	sand.u32 $0x4000, s31;
	s1 =	sadd.s32 s1, s30  }
0xba: {  	s0 =	sor.u32 s3, s0;
	s1 =	sshll.u32 s1, $0x11  }
0xbb: {  	s0 =	sor.u32 s1, s0  }
0xbc: {  	s0 =	sadd.s32 $0x8F2B, s0  }
0xbd: {  	[sflag:s0] =	ssyncadd.remote.s32 $0x1  }
0xbe: {  	_ =	sfence.sel $0xFFFF  }
0xbf: {  	[dreg:$0x0] =	wrdreg $0xFFFFFFFF;
	(pc) =	sbr.abs _section_cstart, $3  }
0xc0: {  	[dreg:$0x1] =	wrdreg $0xFFFFFFFF  }
0xc1: {  	_ =	task.clear_ibuf [dreg:s6], $0x2FFFF;
	_ =	strace $0x9FFFFFFF  }
0xc2: {  	(tm) =	ssettm $0x7FFFFFFF  }
0xc3: {  	_ =	shalt  }
tec
execute0_lowered:
.L_overlay_start_1:
0x0: {  	(tag) =	ssettag $0x1  }
0x1: {  	s0 =	rddreg [dreg:$0x0];
	s1 =	srdreg.scid  }
0x2: {  	s8 =	stileid.u32;
	s2 =	rddreg [dreg:$0x1];
	s4 =	simm.s32 $0x0  }
0x3: {  	s1 =	sand.u32 $0x1, s1;
	s3 =	sshll.u32 s8, $0x1;
	s6 =	smul.u32 $0x14000, s8  }
0x4: {  	[smem:$0x7FF] =	sst s4;
	s4 =	sadd.s32 $0x3F400, s0;
	s8 =	smul.u32 $0x50000, s8  }
0x5: {  	s3 =	sor.u32 s1, s3;
	s5 =	smul.u32 $0x140000, s1;
	s1 =	ssub.s32 $0x2, s1  }
0x6: {  	_ =	strace $0x8000004A;
	s3 =	smul.u32 $0x4E2, s3;
	s7 =	sshrl.u32 s1, $0x1  }
0x7: {  	s8 =	sshrl.u32 s8, $0x2;
	s28 =	sadd.s32 $0x4000, s6;
	s14 =	sadd.s32 $0x8000, s6  }
0x8: {  	s16 =	sadd.s32 $0xC000, s6;
	s19 =	sadd.s32 s6, s2;
	s1 =	ssub.s32 s1, s7  }
0x9: {  	s24 =	sadd.s32 s5, s6;
	s8 =	sadd.s32 s8, s2;
	s10 =	sadd.s32 s5, s28  }
0xa: {  	s15 =	sadd.s32 s5, s14;
	s20 =	sadd.s32 s16, s2;
	s3 =	sadd.s32 s3, s0  }
0xb: {  	s0 =	sadd.s32 $0x67400, s0;
	s7 =	sshrl.u32 s24, $0x3;
	s1 =	smax.u32 s1, $0x1  }
0xc: {  	s26 =	sadd.s32 $0x1400, s8;
	s11 =	sadd.s32 $0x5000, s8;
	s12 =	sadd.s32 $0x6400, s8  }
0xd: {  	s13 =	sadd.s32 $0x7800, s8;
	s18 =	sadd.s32 $0x8C00, s8;
	[dreg:$0x6] =	wrdreg s1  }
0xe: {  	s24 =	sshrl.u32 s20, $0x3;
	s29 =	sadd.s32 $0xC800, s8;
	[dreg:$0x7] =	wrdreg s26  }
0xf: {  	s30 =	sadd.s32 $0xDC00, s8;
	s31 =	sadd.s32 $0xF000, s8;
	[dreg:$0xa] =	wrdreg s11  }
0x10: {  	s20 =	simm.s32 $0x3;
	s9 =	sadd.s32 $0xD600, s3;
	[dreg:$0xb] =	wrdreg s12  }
0x11: {  	s3 =	sadd.s32 $0x3800, s3;
	s25 =	sadd.s32 s0, s7;
	[dreg:$0xc] =	wrdreg s13  }
0x12: {  	s7 =	sadd.s32 $0x2800, s8;
	s11 =	sadd.s32 s5, s16;
	[dreg:$0x11] =	wrdreg s18  }
0x13: {  	s1 =	sadd.s32 s28, s2;
	[dreg:$0x15] =	wrdreg s24;
	s26 =	sadd.s32 $0xA000, s8  }
0x14: {  	s28 =	sadd.s32 $0xB400, s8;
	s12 =	simm.s32 $0x8A20;
	[dreg:$0x3] =	wrdreg s9  }
0x15: {  	s13 =	simm.s32 $0x9E20;
	s16 =	simm.s32 $0x9;
	[dreg:$0x4] =	wrdreg s3  }
0x16: {  	s18 =	simm.s32 $0x6;
	s24 =	simm.s32 $0x0;
	[dreg:$0x5] =	wrdreg s25  }
0x17: {  	[dreg:$0x8] =	wrdreg s7;
	s9 =	sadd.s32 $0x3C00, s8;
	s3 =	sshrl.u32 s10, $0x3  }
0x18: {  	s10 =	sadd.s32 $0x10000, s6;
	s7 =	sshrl.u32 s15, $0x3;
	[dreg:$0x17] =	wrdreg s26  }
0x19: {  	s17 =	sshrl.u32 s11, $0x3;
	s22 =	sshrl.u32 s1, $0x3;
	[dreg:$0x18] =	wrdreg s28  }
0x1a: {  	s1 =	sadd.s32 $0x10400, s8;
	s6 =	simm.s32 $0x1;
	s11 =	simm.s32 $0x7620  }
0x1b: {  	s15 =	simm.s32 $0x8;
	[dreg:$0x9] =	wrdreg s9;
	s3 =	sadd.s32 s0, s3  }
0x1c: {  	s5 =	sadd.s32 s5, s10;
	s7 =	sadd.s32 s0, s7;
	[dreg:$0x13] =	wrdreg s22  }
0x1d: {  	s21 =	sadd.s32 s10, s2;
	s9 =	simm.s32 $0x4E20;
	[dreg:$0xd] =	wrdreg s3  }
0x1e: {  	s10 =	simm.s32 $0x6220;
	s22 =	simm.s32 $0x5;
	[dreg:$0xe] =	wrdreg s7  }
0x1f: {  	s5 =	sshrl.u32 s5, $0x3;
	s7 =	sadd.s32 s0, s17;
	s3 =	sadd.s32 s14, s2  }
0x20: {  	s25 =	sshrl.u32 s21, $0x3;
	s14 =	simm.s32 $0x7;
	s17 =	simm.s32 $0xA  }
0x21: {  	s21 =	simm.s32 $0x4;
	[dreg:$0xf] =	wrdreg s7;
	s0 =	sadd.s32 s0, s5  }
0x22: {  	s23 =	sshrl.u32 s3, $0x3;
	[dreg:$0x16] =	wrdreg s25;
	s3 =	sadd.s32 $0x12C00, s8  }
0x23: {  	s5 =	simm.s32 $0x2710;
	s7 =	simm.s32 $0x28;
	[dreg:$0x10] =	wrdreg s0  }
0x24: {  	s0 =	sshrl.u32 s19, $0x3;
	[dreg:$0x14] =	wrdreg s23;
	s19 =	simm.s32 $0x2  }
0x25: {  	v0 =	vimm.f32 $0.0e+00;
	s23 =	simm.s32 $0xB;
	[dreg:$0x12] =	wrdreg s0;
	s0 =	sadd.s32 $0x11800, s8  }
.LBB2_1:
0x26: {  	s25 =	simm.s32 $0x0;
	s26 =	rddreg [dreg:$0x3]  }
0x27: {  	[tilespmem:s25], [sflag:$0x6] =	stream.linear.gather [hbm4b:s26+s25], $0x2710, $0x38;
	[tilespmem:$0x1F220] =	vst v63  }
0x28: {  	s28 =	rddreg [dreg:$0x4]  }
0x29: {  	[tilespmem:s5], [sflag:$0x1] =	stream.linear.gather [hbm4b:s28+s25], $0x2710, $0x38;
	[tilespmem:$0x1F220] =	vst v63  }
0x2a: {  	_ =	swait.ge [sflag:s6], $0x2710  }
0x2b: {  	[sflag:s6] =	ssyncset.done $0x0  }
0x2c: {  	[sflag:s6] =	ssyncadd.s32 $0xFFFFD8F0  }
0x2d: {  	[tilespmem:s9], [sflag:$0x1] =	stream.indirect.gather [hbm4b:s4+s7], $0x80, s5, s7, $0xb8;
	[tilespmem:$0x1F220] =	vst v63  }
0x2e: {  	s28 =	simm.s32 $0x2738  }
0x2f: {  	[tilespmem:s10], [sflag:$0x2] =	stream.indirect.gather [hbm4b:s4+s7], $0x80, s28, s7, $0xb8;
	[tilespmem:$0x1F220] =	vst v63  }
0x30: {  	s26 =	simm.s32 $0x2760  }
0x31: {  	[tilespmem:s11], [sflag:$0x3] =	stream.indirect.gather [hbm4b:s4+s7], $0x80, s26, s7, $0xb8;
	[tilespmem:$0x1F220] =	vst v63  }
0x32: {  	s25 =	simm.s32 $0x70;
	s28 =	simm.s32 $0x2788;
	s26 =	simm.s32 $0x3C0  }
0x33: {  	[tilespmem:s12], [sflag:$0x4] =	stream.indirect.gather [hbm4b:s4+s7], $0x80, s28, s7, $0xb8;
	[tilespmem:$0x1F220] =	vst v63  }
.LBB2_2:
0x34: {  	p0 =	sne.s32 s26, $0x4FC0;
	[tilespmem:s25+$0x9E20] =	vst v0  }
0x35: {  	[tilespmem:s25+$0x9DB0] =	vst v0  }
0x36: {  	[tilespmem:s25+$0x9DC0] =	vst v0  }
.Ltmp0:
0x37: {  	[tilespmem:s25+$0x9DD0] =	vst v0;
	(pc) =	sbr.rel @p0 .LBB2_2-.Ltmp0, $4  }
0x38: {  	[tilespmem:s25+$0x9DE0] =	vst v0  }
0x39: {  	[tilespmem:s25+$0x9DF0] =	vst v0  }
0x3a: {  	[tilespmem:s25+$0x9E00] =	vst v0  }
0x3b: {  	[tilespmem:s25+$0x9E10] =	vst v0;
	s25 =	sshra.s32 s26, $0x2;
	s26 =	sadd.s32 $0x200, s26  }
0x3c: {  	[tilespmem:s25+$0x9E20] =	vst v0  }
0x3d: {  	[tilespmem:s25+$0x9DB0] =	vst v0  }
0x3e: {  	[tilespmem:s25+$0x9DC0] =	vst v0  }
0x3f: {  	[tilespmem:s25+$0x9DD0] =	vst v0  }
0x40: {  	[tilespmem:s25+$0x9DE0] =	vst v0  }
0x41: {  	[tilespmem:s25+$0x9DF0] =	vst v0  }
0x42: {  	[tilespmem:s25+$0x9E00] =	vst v0  }
0x43: {  	[tilespmem:s25+$0x9E10] =	vst v0  }
0x44: {  	[spmem:s8] =	stream.linear.scatter [tilespmem:s13], [sflag:$0x7], $0x1400, $0x38;
	[tilespmem:$0x1F220] =	vst v63  }
0x45: {  	s26 =	rddreg [dreg:$0x7]  }
0x46: {  	[spmem:s26] =	stream.linear.scatter [tilespmem:s13], [sflag:$0x8], $0x1400, $0x38;
	[tilespmem:$0x1F220] =	vst v63  }
0x47: {  	s28 =	rddreg [dreg:$0x8]  }
0x48: {  	[spmem:s28] =	stream.linear.scatter [tilespmem:s13], [sflag:$0x9], $0x1400, $0x38;
	[tilespmem:$0x1F220] =	vst v63  }
0x49: {  	s26 =	rddreg [dreg:$0x9]  }
0x4a: {  	[spmem:s26] =	stream.linear.scatter [tilespmem:s13], [sflag:$0xA], $0x1400, $0x38;
	[tilespmem:$0x1F220] =	vst v63  }
0x4b: {  	_ =	swait.ge [sflag:s14], $0x1400  }
0x4c: {  	[sflag:s14] =	ssyncset.done $0x0  }
0x4d: {  	[sflag:s14] =	ssyncadd.s32 $0xFFFFEC00  }
0x4e: {  	_ =	swait.ge [sflag:s15], $0x1400  }
0x4f: {  	[sflag:s15] =	ssyncset.done $0x0  }
0x50: {  	[sflag:s15] =	ssyncadd.s32 $0xFFFFEC00  }
0x51: {  	_ =	swait.ge [sflag:s16], $0x1400  }
0x52: {  	[sflag:s16] =	ssyncset.done $0x0  }
0x53: {  	[sflag:s16] =	ssyncadd.s32 $0xFFFFEC00  }
0x54: {  	_ =	swait.ge [sflag:s17], $0x1400  }
0x55: {  	[sflag:s17] =	ssyncset.done $0x0  }
0x56: {  	s28 =	rddreg [dreg:$0xa];
	[sflag:s17] =	ssyncadd.s32 $0xFFFFEC00  }
0x57: {  	[spmem:s28] =	stream.linear.scatter [tilespmem:s13], [sflag:$0x7], $0x1400, $0x38;
	[tilespmem:$0x1F220] =	vst v63  }
0x58: {  	s26 =	rddreg [dreg:$0xb]  }
0x59: {  	[spmem:s26] =	stream.linear.scatter [tilespmem:s13], [sflag:$0x8], $0x1400, $0x38;
	[tilespmem:$0x1F220] =	vst v63  }
0x5a: {  	s28 =	rddreg [dreg:$0xc]  }
0x5b: {  	[spmem:s28] =	stream.linear.scatter [tilespmem:s13], [sflag:$0x9], $0x1400, $0x38;
	[tilespmem:$0x1F220] =	vst v63  }
0x5c: {  	s26 =	rddreg [dreg:$0x11]  }
0x5d: {  	[spmem:s26] =	stream.linear.scatter [tilespmem:s13], [sflag:$0xA], $0x1400, $0x38;
	[tilespmem:$0x1F220] =	vst v63  }
0x5e: {  	_ =	swait.ge [sflag:s14], $0x1400  }
0x5f: {  	[sflag:s14] =	ssyncset.done $0x0  }
0x60: {  	[sflag:s14] =	ssyncadd.s32 $0xFFFFEC00  }
0x61: {  	_ =	swait.ge [sflag:s15], $0x1400  }
0x62: {  	[sflag:s15] =	ssyncset.done $0x0  }
0x63: {  	[sflag:s15] =	ssyncadd.s32 $0xFFFFEC00  }
0x64: {  	_ =	swait.ge [sflag:s16], $0x1400  }
0x65: {  	[sflag:s16] =	ssyncset.done $0x0  }
0x66: {  	[sflag:s16] =	ssyncadd.s32 $0xFFFFEC00  }
0x67: {  	_ =	swait.ge [sflag:s17], $0x1400  }
0x68: {  	[sflag:s17] =	ssyncset.done $0x0  }
0x69: {  	s28 =	rddreg [dreg:$0x17];
	[sflag:s17] =	ssyncadd.s32 $0xFFFFEC00  }
0x6a: {  	[spmem:s28] =	stream.linear.scatter [tilespmem:s13], [sflag:$0x7], $0x1400, $0x38;
	[tilespmem:$0x1F220] =	vst v63  }
0x6b: {  	s26 =	rddreg [dreg:$0x18]  }
0x6c: {  	[spmem:s26] =	stream.linear.scatter [tilespmem:s13], [sflag:$0x8], $0x1400, $0x38;
	[tilespmem:$0x1F220] =	vst v63  }
0x6d: {  	_ = 	snop  }
0x6e: {  	[spmem:s29] =	stream.linear.scatter [tilespmem:s13], [sflag:$0x9], $0x1400, $0x38;
	[tilespmem:$0x1F220] =	vst v63  }
0x6f: {  	_ = 	snop  }
0x70: {  	[spmem:s30] =	stream.linear.scatter [tilespmem:s13], [sflag:$0xA], $0x1400, $0x38;
	[tilespmem:$0x1F220] =	vst v63  }
0x71: {  	_ =	swait.ge [sflag:s14], $0x1400  }
0x72: {  	[sflag:s14] =	ssyncset.done $0x0  }
0x73: {  	[sflag:s14] =	ssyncadd.s32 $0xFFFFEC00  }
0x74: {  	_ =	swait.ge [sflag:s15], $0x1400  }
0x75: {  	[sflag:s15] =	ssyncset.done $0x0  }
0x76: {  	[sflag:s15] =	ssyncadd.s32 $0xFFFFEC00  }
0x77: {  	_ =	swait.ge [sflag:s16], $0x1400  }
0x78: {  	[sflag:s16] =	ssyncset.done $0x0  }
0x79: {  	[sflag:s16] =	ssyncadd.s32 $0xFFFFEC00  }
0x7a: {  	_ =	swait.ge [sflag:s17], $0x1400  }
0x7b: {  	[sflag:s17] =	ssyncset.done $0x0  }
0x7c: {  	[sflag:s17] =	ssyncadd.s32 $0xFFFFEC00  }
0x7d: {  	[spmem:s31] =	stream.linear.scatter [tilespmem:s13], [sflag:$0x7], $0x1400, $0x38;
	[tilespmem:$0x1F220] =	vst v63  }
0x7e: {  	_ = 	snop  }
0x7f: {  	[spmem:s1] =	stream.linear.scatter [tilespmem:s13], [sflag:$0x8], $0x1400, $0x38;
	[tilespmem:$0x1F220] =	vst v63  }
0x80: {  	_ = 	snop  }
0x81: {  	[spmem:s0] =	stream.linear.scatter [tilespmem:s13], [sflag:$0x9], $0x1400, $0x38;
	[tilespmem:$0x1F220] =	vst v63  }
0x82: {  	_ = 	snop  }
0x83: {  	[spmem:s3] =	stream.linear.scatter [tilespmem:s13], [sflag:$0xA], $0x1400, $0x38;
	[tilespmem:$0x1F220] =	vst v63  }
0x84: {  	_ =	swait.ge [sflag:s14], $0x1400  }
0x85: {  	[sflag:s14] =	ssyncset.done $0x0  }
0x86: {  	[sflag:s14] =	ssyncadd.s32 $0xFFFFEC00  }
0x87: {  	_ =	swait.ge [sflag:s15], $0x1400  }
0x88: {  	[sflag:s15] =	ssyncset.done $0x0  }
0x89: {  	[sflag:s15] =	ssyncadd.s32 $0xFFFFEC00  }
0x8a: {  	_ =	swait.ge [sflag:s16], $0x1400  }
0x8b: {  	[sflag:s16] =	ssyncset.done $0x0  }
0x8c: {  	[sflag:s16] =	ssyncadd.s32 $0xFFFFEC00  }
0x8d: {  	_ =	swait.ge [sflag:s17], $0x1400  }
0x8e: {  	[sflag:s17] =	ssyncset.done $0x0  }
0x8f: {  	[sflag:s17] =	ssyncadd.s32 $0xFFFFEC00  }
0x90: {  	_ =	swait.ge [sflag:s18], $0x2710  }
0x91: {  	[sflag:s18] =	ssyncset.done $0x0  }
0x92: {  	[sflag:s18] =	ssyncadd.s32 $0xFFFFD8F0  }
0x93: {  	s28 =	simm.s32 $0x27B0;
	[bflag:$0x0] =	sbarrier.arrive $0xFFFF  }
0x94: {  	[tilespmem:s13], [sflag:$0x5] =	stream.indirect.gather [hbm4b:s4+s7], $0x80, s28, s7, $0xb8;
	[tilespmem:$0x1F220] =	vst v63  }
0x95: {  	_ =	swait.ge [sflag:s6], $0x1400  }
0x96: {  	[sflag:s6] =	ssyncset.done $0x0  }
0x97: {  	s26 =	simm.s32 $0x0;
	[sflag:s6] =	ssyncadd.s32 $0xFFFFEC00  }
0x98: {  	[spmem:s2] =	stream.indirect.scatter.add.f32 [tilespmem:s9], [sflag:$0x6], $0x80, s26, s7, $0xb8;
	[tilespmem:$0x1F220] =	vst v63  }
0x99: {  	_ =	swait.ge [sflag:s18], $0x1400  }
0x9a: {  	[sflag:s18] =	ssyncset.done $0x0  }
0x9b: {  	s28 =	simm.s32 $0x27D8;
	[sflag:s18] =	ssyncadd.s32 $0xFFFFEC00  }
0x9c: {  	[tilespmem:s9], [sflag:$0x1] =	stream.indirect.gather [hbm4b:s4+s7], $0x80, s28, s7, $0xb8;
	[tilespmem:$0x1F220] =	vst v63  }
0x9d: {  	_ =	swait.ge [sflag:s19], $0x1400  }
0x9e: {  	[sflag:s19] =	ssyncset.done $0x0  }
0x9f: {  	s26 =	simm.s32 $0x28;
	[sflag:s19] =	ssyncadd.s32 $0xFFFFEC00  }
0xa0: {  	[spmem:s2] =	stream.indirect.scatter.add.f32 [tilespmem:s10], [sflag:$0x7], $0x80, s26, s7, $0xb8;
	[tilespmem:$0x1F220] =	vst v63  }
0xa1: {  	_ =	swait.ge [sflag:s14], $0x1400  }
0xa2: {  	[sflag:s14] =	ssyncset.done $0x0  }
0xa3: {  	s28 =	simm.s32 $0x2800;
	[sflag:s14] =	ssyncadd.s32 $0xFFFFEC00  }
0xa4: {  	[tilespmem:s10], [sflag:$0x2] =	stream.indirect.gather [hbm4b:s4+s7], $0x80, s28, s7, $0xb8;
	[tilespmem:$0x1F220] =	vst v63  }
0xa5: {  	_ =	swait.ge [sflag:s20], $0x1400  }
0xa6: {  	[sflag:s20] =	ssyncset.done $0x0  }
0xa7: {  	s26 =	simm.s32 $0x50;
	[sflag:s20] =	ssyncadd.s32 $0xFFFFEC00  }
0xa8: {  	[spmem:s2] =	stream.indirect.scatter.add.f32 [tilespmem:s11], [sflag:$0x8], $0x80, s26, s7, $0xb8;
	[tilespmem:$0x1F220] =	vst v63  }
0xa9: {  	_ =	swait.ge [sflag:s15], $0x1400  }
0xaa: {  	[sflag:s15] =	ssyncset.done $0x0  }
0xab: {  	s28 =	simm.s32 $0x2828;
	[sflag:s15] =	ssyncadd.s32 $0xFFFFEC00  }
0xac: {  	[tilespmem:s11], [sflag:$0x3] =	stream.indirect.gather [hbm4b:s4+s7], $0x80, s28, s7, $0xb8;
	[tilespmem:$0x1F220] =	vst v63  }
0xad: {  	_ =	swait.ge [sflag:s21], $0x1400  }
0xae: {  	[sflag:s21] =	ssyncset.done $0x0  }
0xaf: {  	s26 =	simm.s32 $0x78;
	[sflag:s21] =	ssyncadd.s32 $0xFFFFEC00  }
0xb0: {  	[spmem:s2] =	stream.indirect.scatter.add.f32 [tilespmem:s12], [sflag:$0x9], $0x80, s26, s7, $0xb8;
	[tilespmem:$0x1F220] =	vst v63  }
0xb1: {  	_ =	swait.ge [sflag:s16], $0x1400  }
0xb2: {  	[sflag:s16] =	ssyncset.done $0x0  }
0xb3: {  	s28 =	simm.s32 $0x2850;
	[sflag:s16] =	ssyncadd.s32 $0xFFFFEC00  }
0xb4: {  	[tilespmem:s12], [sflag:$0x4] =	stream.indirect.gather [hbm4b:s4+s7], $0x80, s28, s7, $0xb8;
	[tilespmem:$0x1F220] =	vst v63  }
0xb5: {  	_ =	swait.ge [sflag:s22], $0x1400  }
0xb6: {  	[sflag:s22] =	ssyncset.done $0x0  }
0xb7: {  	s26 =	simm.s32 $0xA0;
	[sflag:s22] =	ssyncadd.s32 $0xFFFFEC00  }
0xb8: {  	[spmem:s2] =	stream.indirect.scatter.add.f32 [tilespmem:s13], [sflag:$0xA], $0x80, s26, s7, $0xb8;
	[tilespmem:$0x1F220] =	vst v63  }
0xb9: {  	_ =	swait.ge [sflag:s17], $0x1400  }
0xba: {  	[sflag:s17] =	ssyncset.done $0x0  }
0xbb: {  	s28 =	simm.s32 $0x2878;
	[sflag:s17] =	ssyncadd.s32 $0xFFFFEC00  }
0xbc: {  	[tilespmem:s13], [sflag:$0x5] =	stream.indirect.gather [hbm4b:s4+s7], $0x80, s28, s7, $0xb8;
	[tilespmem:$0x1F220] =	vst v63  }
0xbd: {  	_ =	swait.ge [sflag:s6], $0x1400  }
0xbe: {  	[sflag:s6] =	ssyncset.done $0x0  }
0xbf: {  	s25 =	simm.s32 $0x320;
	s26 =	simm.s32 $0xC8;
	[sflag:s6] =	ssyncadd.s32 $0xFFFFEC00  }
.LBB2_4:
0xc0: {  	[spmem:s2] =	stream.indirect.scatter.add.f32 [tilespmem:s9], [sflag:$0x6], $0x80, s26, s7, $0xb8;
	[tilespmem:$0x1F220] =	vst v63  }
0xc1: {  	s26 =	smov.u32 s25  }
0xc2: {  	p0 =	sne.s32 s25, $0x9600;
	s25 =	sadd.s32 $0x320, s25;
	_ =	swait.ge [sflag:s18], $0x1400  }
0xc3: {  	s26 =	sshra.s32 s26, $0x2;
	[sflag:s18] =	ssyncset.done $0x0  }
0xc4: {  	s28 =	sadd.s32 $0x27D8, s26;
	[sflag:s18] =	ssyncadd.s32 $0xFFFFEC00  }
0xc5: {  	[tilespmem:s9], [sflag:$0x1] =	stream.indirect.gather [hbm4b:s4+s7], $0x80, s28, s7, $0xb8;
	[tilespmem:$0x1F220] =	vst v63  }
0xc6: {  	_ =	swait.ge [sflag:s19], $0x1400  }
0xc7: {  	[sflag:s19] =	ssyncset.done $0x0  }
0xc8: {  	s28 =	sadd.s32 $0x28, s26;
	[sflag:s19] =	ssyncadd.s32 $0xFFFFEC00  }
0xc9: {  	[spmem:s2] =	stream.indirect.scatter.add.f32 [tilespmem:s10], [sflag:$0x7], $0x80, s28, s7, $0xb8;
	[tilespmem:$0x1F220] =	vst v63  }
0xca: {  	_ =	swait.ge [sflag:s14], $0x1400  }
0xcb: {  	[sflag:s14] =	ssyncset.done $0x0  }
0xcc: {  	s28 =	sadd.s32 $0x2800, s26;
	[sflag:s14] =	ssyncadd.s32 $0xFFFFEC00  }
0xcd: {  	[tilespmem:s10], [sflag:$0x2] =	stream.indirect.gather [hbm4b:s4+s7], $0x80, s28, s7, $0xb8;
	[tilespmem:$0x1F220] =	vst v63  }
0xce: {  	_ =	swait.ge [sflag:s20], $0x1400  }
0xcf: {  	[sflag:s20] =	ssyncset.done $0x0  }
0xd0: {  	s28 =	sadd.s32 $0x50, s26;
	[sflag:s20] =	ssyncadd.s32 $0xFFFFEC00  }
0xd1: {  	[spmem:s2] =	stream.indirect.scatter.add.f32 [tilespmem:s11], [sflag:$0x8], $0x80, s28, s7, $0xb8;
	[tilespmem:$0x1F220] =	vst v63  }
0xd2: {  	_ =	swait.ge [sflag:s15], $0x1400  }
0xd3: {  	[sflag:s15] =	ssyncset.done $0x0  }
0xd4: {  	s28 =	sadd.s32 $0x2828, s26;
	[sflag:s15] =	ssyncadd.s32 $0xFFFFEC00  }
0xd5: {  	[tilespmem:s11], [sflag:$0x3] =	stream.indirect.gather [hbm4b:s4+s7], $0x80, s28, s7, $0xb8;
	[tilespmem:$0x1F220] =	vst v63  }
0xd6: {  	_ =	swait.ge [sflag:s21], $0x1400  }
0xd7: {  	[sflag:s21] =	ssyncset.done $0x0  }
0xd8: {  	s28 =	sadd.s32 $0x78, s26;
	[sflag:s21] =	ssyncadd.s32 $0xFFFFEC00  }
0xd9: {  	[spmem:s2] =	stream.indirect.scatter.add.f32 [tilespmem:s12], [sflag:$0x9], $0x80, s28, s7, $0xb8;
	[tilespmem:$0x1F220] =	vst v63  }
0xda: {  	_ =	swait.ge [sflag:s16], $0x1400  }
0xdb: {  	[sflag:s16] =	ssyncset.done $0x0  }
0xdc: {  	s28 =	sadd.s32 $0x2850, s26;
	[sflag:s16] =	ssyncadd.s32 $0xFFFFEC00  }
0xdd: {  	[tilespmem:s12], [sflag:$0x4] =	stream.indirect.gather [hbm4b:s4+s7], $0x80, s28, s7, $0xb8;
	[tilespmem:$0x1F220] =	vst v63  }
0xde: {  	_ =	swait.ge [sflag:s22], $0x1400  }
0xdf: {  	[sflag:s22] =	ssyncset.done $0x0  }
0xe0: {  	s28 =	sadd.s32 $0xA0, s26;
	[sflag:s22] =	ssyncadd.s32 $0xFFFFEC00  }
0xe1: {  	[spmem:s2] =	stream.indirect.scatter.add.f32 [tilespmem:s13], [sflag:$0xA], $0x80, s28, s7, $0xb8;
	[tilespmem:$0x1F220] =	vst v63  }
0xe2: {  	_ =	swait.ge [sflag:s17], $0x1400  }
0xe3: {  	[sflag:s17] =	ssyncset.done $0x0  }
.Ltmp1:
0xe4: {  	s28 =	sadd.s32 $0x2878, s26;
	[sflag:s17] =	ssyncadd.s32 $0xFFFFEC00;
	(pc) =	sbr.rel @p0 .LBB2_4-.Ltmp1, $4  }
0xe5: {  	[tilespmem:s13], [sflag:$0x5] =	stream.indirect.gather [hbm4b:s4+s7], $0x80, s28, s7, $0xb8;
	[tilespmem:$0x1F220] =	vst v63  }
0xe6: {  	_ =	swait.ge [sflag:s6], $0x1400  }
0xe7: {  	[sflag:s6] =	ssyncset.done $0x0  }
0xe8: {  	s26 =	sadd.s32 $0xC8, s26;
	[sflag:s6] =	ssyncadd.s32 $0xFFFFEC00  }
0xe9: {  	[spmem:s2] =	stream.indirect.scatter.add.f32 [tilespmem:s9], [sflag:$0x6], $0x80, s26, s7, $0xb8;
	[tilespmem:$0x1F220] =	vst v63  }
0xea: {  	_ =	swait.ge [sflag:s19], $0x1400  }
0xeb: {  	[sflag:s19] =	ssyncset.done $0x0  }
0xec: {  	s25 =	simm.s32 $0x2670;
	[sflag:s19] =	ssyncadd.s32 $0xFFFFEC00  }
0xed: {  	[spmem:s2] =	stream.indirect.scatter.add.f32 [tilespmem:s10], [sflag:$0x7], $0x80, s25, s7, $0xb8;
	[tilespmem:$0x1F220] =	vst v63  }
0xee: {  	_ =	swait.ge [sflag:s20], $0x1400  }
0xef: {  	[sflag:s20] =	ssyncset.done $0x0  }
0xf0: {  	s28 =	simm.s32 $0x2698;
	[sflag:s20] =	ssyncadd.s32 $0xFFFFEC00  }
0xf1: {  	[spmem:s2] =	stream.indirect.scatter.add.f32 [tilespmem:s11], [sflag:$0x8], $0x80, s28, s7, $0xb8;
	[tilespmem:$0x1F220] =	vst v63  }
0xf2: {  	_ =	swait.ge [sflag:s21], $0x1400  }
0xf3: {  	[sflag:s21] =	ssyncset.done $0x0  }
0xf4: {  	s26 =	simm.s32 $0x26C0;
	[sflag:s21] =	ssyncadd.s32 $0xFFFFEC00  }
0xf5: {  	[spmem:s2] =	stream.indirect.scatter.add.f32 [tilespmem:s12], [sflag:$0x9], $0x80, s26, s7, $0xb8;
	[tilespmem:$0x1F220] =	vst v63  }
0xf6: {  	_ =	swait.ge [sflag:s22], $0x1400  }
0xf7: {  	[sflag:s22] =	ssyncset.done $0x0  }
0xf8: {  	s28 =	simm.s32 $0x26E8;
	[sflag:s22] =	ssyncadd.s32 $0xFFFFEC00  }
0xf9: {  	[spmem:s2] =	stream.indirect.scatter.add.f32 [tilespmem:s13], [sflag:$0xA], $0x80, s28, s7, $0xb8;
	[tilespmem:$0x1F220] =	vst v63  }
0xfa: {  	_ =	swait.ge [sflag:s18], $0x1400  }
0xfb: {  	[sflag:s18] =	ssyncset.done $0x0  }
0xfc: {  	[sflag:s18] =	ssyncadd.s32 $0xFFFFEC00  }
0xfd: {  	_ =	swait.ge [sflag:s14], $0x1400  }
0xfe: {  	[sflag:s14] =	ssyncset.done $0x0  }
0xff: {  	[sflag:s14] =	ssyncadd.s32 $0xFFFFEC00  }
0x100: {  	_ =	swait.ge [sflag:s15], $0x1400  }
0x101: {  	[sflag:s15] =	ssyncset.done $0x0  }
0x102: {  	[sflag:s15] =	ssyncadd.s32 $0xFFFFEC00  }
0x103: {  	_ =	swait.ge [sflag:s16], $0x1400  }
0x104: {  	[sflag:s16] =	ssyncset.done $0x0  }
0x105: {  	[sflag:s16] =	ssyncadd.s32 $0xFFFFEC00  }
0x106: {  	_ =	swait.ge [sflag:s17], $0x1400  }
0x107: {  	[sflag:s17] =	ssyncset.done $0x0  }
0x108: {  	[sflag:s17] =	ssyncadd.s32 $0xFFFFEC00  }
0x109: {  	s26 =	stileid.u32;
	[bflag:$0x0] =	sbarrier.arrive $0xFFFF  }
0x10a: {  	s25 =	sshll.u32 s26, $0x6;
	s26 =	rddreg [dreg:$0x5]  }
0x10b: {  	s25 =	sor.u32 $0x1C0B, s25;
	s28 =	rddreg [dreg:$0x12]  }
0x10c: {  	[hbm:s26], [sflag:s25] =	dma.local [spmem:s28], $0x800  }
0x10d: {  	_ =	swait.ge [sflag:s23], $0x800  }
0x10e: {  	[sflag:s23] =	ssyncset.done $0x0;
	s26 =	rddreg [dreg:$0xd]  }
0x10f: {  	s28 =	rddreg [dreg:$0x13];
	[sflag:s23] =	ssyncadd.s32 $0xFFFFF800  }
0x110: {  	[hbm:s26], [sflag:s25] =	dma.local [spmem:s28], $0x800  }
0x111: {  	_ =	swait.ge [sflag:s23], $0x800  }
0x112: {  	[sflag:s23] =	ssyncset.done $0x0;
	s26 =	rddreg [dreg:$0xe]  }
0x113: {  	s28 =	rddreg [dreg:$0x14];
	[sflag:s23] =	ssyncadd.s32 $0xFFFFF800  }
0x114: {  	[hbm:s26], [sflag:s25] =	dma.local [spmem:s28], $0x800  }
0x115: {  	_ =	swait.ge [sflag:s23], $0x800  }
0x116: {  	[sflag:s23] =	ssyncset.done $0x0;
	s26 =	rddreg [dreg:$0xf]  }
0x117: {  	s28 =	rddreg [dreg:$0x15];
	[sflag:s23] =	ssyncadd.s32 $0xFFFFF800  }
0x118: {  	[hbm:s26], [sflag:s25] =	dma.local [spmem:s28], $0x800  }
0x119: {  	_ =	swait.ge [sflag:s23], $0x800  }
0x11a: {  	[sflag:s23] =	ssyncset.done $0x0;
	s26 =	rddreg [dreg:$0x10]  }
0x11b: {  	s28 =	rddreg [dreg:$0x16];
	[sflag:s23] =	ssyncadd.s32 $0xFFFFF800  }
0x11c: {  	[hbm:s26], [sflag:s25] =	dma.local [spmem:s28], $0x800  }
0x11d: {  	_ =	swait.ge [sflag:s23], $0x800  }
0x11e: {  	s24 =	sadd.s32 $0x1, s24;
	s28 =	rddreg [dreg:$0x6]  }
0x11f: {  	p0 =	sne.s32 s24, s28  }
.Ltmp2:
0x120: {  	_ = 	snop;
	(pc) =	sbr.rel @p0 .LBB2_1-.Ltmp2, $3  }
0x121: {  	_ =	sdelay $0x1  }
0x122: {  	[sflag:s23] =	ssyncset.done $0x0  }
0x123: {  	[sflag:s23] =	ssyncadd.s32 $0xFFFFF800  }
0x124: {  	_ =	sfence.sel $0x180000  }
0x125: {  	[bflag:$0x0] =	sbarrier.arrive $0xFFFF  }
0x126: {  	_ =	strace $0x9000004A  }
0x127: {  	s0 =	stileid.u32;
	[bflag:$0x2] =	sbarrier.arrive $0xFFFF  }
0x128: {  	p0 =	sne.s32 s0, $0x0;
	s0 =	rddreg [dreg:$0x2]  }
0x129: {  	s0 =	sadd.s32 @!p0 $0x100000, s0  }
0x12a: {  	[sflag:s0] =	ssyncadd.tile.s32 @!p0 $0x1;
	_ =	shalt  }
.Lfunc_end2:
_tile_overlayer_lowered:
.L_overlay_start_2:
0x12b: {  	(tag) =	ssettag $0x2  }
0x12c: {  	s0 =	rddreg [dreg:$0x0];
	s2 =	stileid.u32  }
0x12d: {  	s1 =	rddreg [dreg:$0x1];
	p0 =	sne.s32 s2, $0x0  }
0x12e: {  	s3 =	rddreg [dreg:$0x2];
	[bflag:$0x3] =	sbarrier.arrive $0xFFFF;
	s2 =	simm.s32 @!p0 $0x1C0B  }
0x12f: {  	[timem:s3], [sflag:s2] =	dma.local @!p0 [hbm:s0], s1  }
0x130: {  	s0 =	simm.s32 @!p0 $0xB  }
0x131: {  	_ =	swait.ge @!p0 [sflag:s0], s1  }
0x132: {  	s1 =	ssub.s32 @!p0 $0x0, s1;
	[sflag:s0] =	ssyncset.done @!p0 $0x0  }
0x133: {  	[sflag:s0] =	ssyncadd.s32 @!p0 s1  }
0x134: {  	[bflag:$0x3] =	sbarrier.arrive $0xFFFF  }
0x135: {  	_ =	shalt  }

// kernel: kernel.15.cloned.1.call-start
scs
__scs_entry_jumppad:
0x0: {  	(pc) =	sbr.rel $0x88, $3  }
0x1: {  	(tag) =	ssettag $0x0;
	lr =	simm.s32 $0x1  }
0x2: {  	[smem:$0x3F9B] =	sst lr;
	_ =	strace $0xD0000000  }
0x3: {  	_ = 	snop  }
0x4: {  	_ = 	snop  }
0x5: {  	_ = 	snop  }
0x6: {  	_ = 	snop  }
0x7: {  	_ = 	snop  }
__scs_overlays_trampoline_lowered:
0x8: {  	[smem:$0x3FAA] =	sst s0  }
0x9: {  	[smem:$0x3FAB] =	sst s1  }
0xa: {  	[smem:$0x3FAC] =	sst s2  }
0xb: {  	[smem:$0x3FAD] =	sst s3  }
0xc: {  	[smem:$0x3FAE] =	sst s4  }
0xd: {  	[smem:$0x3FAF] =	sst s5  }
0xe: {  	[smem:$0x3FB0] =	sst s6  }
0xf: {  	[smem:$0x3FB1] =	sst s7  }
0x10: {  	[smem:$0x3FB2] =	sst s8  }
0x11: {  	[smem:$0x3FB3] =	sst s9;
	s0 =	simm.s32 @!p0 $0x0  }
0x12: {  	s1 =	sld [smem:$0x3F99];
	s0 =	simm.s32 @p0 $0x1  }
0x13: {  	[smem:$0x3FB4] =	sst s0;
	s0 =	simm.s32 @!p1 $0x0  }
0x14: {  	s2 =	sld [smem:$0x3F98];
	s0 =	simm.s32 @p1 $0x1  }
0x15: {  	[smem:$0x3FB5] =	sst s0;
	s0 =	simm.s32 @!p2 $0x0  }
0x16: {  	s3 =	sld [smem:$0x3FDB];
	s0 =	simm.s32 @p2 $0x1  }
0x17: {  	s4 =	simm.s32 $0x1BF5;
	[smem:$0x3FB7] =	sst s0  }
0x18: {  	s0 =	sld [smem:$0x3F9A];
	_ =	swait.ge [sflag:s4], $0x0  }
0x19: {  	s7 =	sld [smem:$0x3F9B]  }
0x1a: {  	s8 =	sadd.s32 $0xFFFFE003, lr  }
0x1b: {  	s9 =	sadd.s32 $0xFFFFFEF7, lr;
	s5 =	simm.s32 $0xFFFFFFFF;
	p2 =	slt.u32 s8, $0xFFFFF086  }
0x1c: {  	p1 =	slt.u32 s9, $0xF7A;
	s5 =	simm.s32 @!p2 $0x0  }
0x1d: {  	s5 =	simm.s32 @p1 $0x1;
	p0 =	seq.s32 s7, s2  }
0x1e: {  	s7 =	smul.u32 @!p0 $0xF7A, s2;
	p2 =	seq.s32 @!p0 s5, $0x0  }
0x1f: {  	s9 =	smul.u32 $0xF7A, s1;
	s8 =	simm.s32 @!p0 $0x1BF5;
	p2 =	por !p2, p0  }
0x20: {  	[sflag:s8] =	ssyncset.s32 @!p0 $0xFFFFF086;
	s6 =	sadd.s32 @!p0 s3, s7;
	s7 =	simm.s32 @!p0 $0x108  }
0x21: {  	s3 =	sadd.s32 s3, s9;
	s6 =	sadd.s32 @!p0 $0x88, s6;
	s7 =	simm.s32 @p2 $0x1082  }
0x22: {  	[simem:s7], [sflag:s8] =	dma.local @!p0 [hbm:s6], $0xF7A  }
0x23: {  	s9 =	sor.u32 $0xD0000000, s2;
	s6 =	simm.s32 $0x108;
	_ =	swait.ge @!p0 [sflag:s8], $0x0  }
0x24: {  	s3 =	sadd.s32 $0x88, s3;
	s6 =	simm.s32 @!p1 $0x1082;
	[sflag:s4] =	ssyncset.s32 $0xFFFFF086  }
0x25: {  	[simem:s6], [sflag:s4] =	dma.local [hbm:s3], $0xF7A  }
0x26: {  	[smem:$0x3F9B] =	sst s1;
	(tag) =	ssettag s2;
	_ =	strace s9  }
0x27: {  	s1 =	sld [smem:$0x3FAB]  }
0x28: {  	s2 =	sld [smem:$0x3FAC]  }
0x29: {  	s4 =	sld [smem:$0x3FAE]  }
0x2a: {  	p0 =	seq.s32 s5, $0x0;
	s5 =	sld [smem:$0x3FAF]  }
0x2b: {  	s6 =	sld [smem:$0x3FB0]  }
0x2c: {  	s7 =	sld [smem:$0x3FB1]  }
0x2d: {  	s3 =	simm.s32 $0x108;
	s8 =	sld [smem:$0x3FB2]  }
0x2e: {  	s3 =	simm.s32 @!p0 $0x1082;
	s9 =	sld [smem:$0x3FB3]  }
0x2f: {  	lr =	sadd.s32 s0, s3;
	s0 =	sld [smem:$0x3FAA]  }
0x30: {  	s3 =	sld [smem:$0x3FAD]  }
0x31: {  	[smem:$0x3FB6] =	sst s10  }
0x32: {  	s10 =	sld [smem:$0x3FB4];
	_ =	sdelay $0x3  }
0x33: {  	p0 =	seq.s32 s10, $0x1;
	s10 =	sld [smem:$0x3FB6];
	_ =	sdelay $0x3  }
0x34: {  	[smem:$0x3FB6] =	sst s10  }
0x35: {  	s10 =	sld [smem:$0x3FB5];
	_ =	sdelay $0x3  }
0x36: {  	p1 =	seq.s32 s10, $0x1;
	s10 =	sld [smem:$0x3FB6];
	_ =	sdelay $0x3  }
0x37: {  	[smem:$0x3FB6] =	sst s10  }
0x38: {  	s10 =	sld [smem:$0x3FB7]  }
0x39: {  	_ = 	snop;
	(pc) =	sbr.ind lr, $3  }
0x3a: {  	_ = 	snop  }
0x3b: {  	_ = 	snop  }
0x3c: {  	p2 =	seq.s32 s10, $0x1;
	s10 =	sld [smem:$0x3FB6]  }
0x3d: {  	_ =	shalt  }
0x3e: {  	_ =	shalt  }
0x3f: {  	_ =	shalt  }
0x40: {  	_ =	shalt  }
0x41: {  	_ =	shalt  }
0x42: {  	_ =	shalt  }
0x43: {  	_ =	shalt  }
0x44: {  	_ =	shalt  }
0x45: {  	_ =	shalt  }
0x46: {  	_ =	shalt  }
0x47: {  	_ =	shalt  }
0x48: {  	_ =	shalt  }
0x49: {  	_ =	shalt  }
0x4a: {  	_ =	shalt  }
0x4b: {  	_ =	shalt  }
0x4c: {  	_ =	shalt  }
0x4d: {  	_ =	shalt  }
0x4e: {  	_ =	shalt  }
0x4f: {  	_ =	shalt  }
0x50: {  	_ =	shalt  }
0x51: {  	_ =	shalt  }
0x52: {  	_ =	shalt  }
0x53: {  	_ =	shalt  }
0x54: {  	_ =	shalt  }
0x55: {  	_ =	shalt  }
0x56: {  	_ =	shalt  }
0x57: {  	_ =	shalt  }
0x58: {  	_ =	shalt  }
0x59: {  	_ =	shalt  }
0x5a: {  	_ =	shalt  }
0x5b: {  	_ =	shalt  }
0x5c: {  	_ =	shalt  }
0x5d: {  	_ =	shalt  }
0x5e: {  	_ =	shalt  }
0x5f: {  	_ =	shalt  }
0x60: {  	_ =	shalt  }
0x61: {  	_ =	shalt  }
0x62: {  	_ =	shalt  }
0x63: {  	_ =	shalt  }
0x64: {  	_ =	shalt  }
0x65: {  	_ =	shalt  }
0x66: {  	_ =	shalt  }
0x67: {  	_ =	shalt  }
0x68: {  	_ =	shalt  }
0x69: {  	_ =	shalt  }
0x6a: {  	_ =	shalt  }
0x6b: {  	_ =	shalt  }
0x6c: {  	_ =	shalt  }
0x6d: {  	_ =	shalt  }
0x6e: {  	_ =	shalt  }
0x6f: {  	_ =	shalt  }
0x70: {  	_ =	shalt  }
0x71: {  	_ =	shalt  }
0x72: {  	_ =	shalt  }
0x73: {  	_ =	shalt  }
0x74: {  	_ =	shalt  }
0x75: {  	_ =	shalt  }
0x76: {  	_ =	shalt  }
0x77: {  	_ =	shalt  }
0x78: {  	_ =	shalt  }
0x79: {  	_ =	shalt  }
0x7a: {  	_ =	shalt  }
0x7b: {  	_ =	shalt  }
0x7c: {  	_ =	shalt  }
0x7d: {  	_ =	shalt  }
0x7e: {  	_ =	shalt  }
0x7f: {  	_ =	shalt  }
0x80: {  	_ =	shalt  }
0x81: {  	_ =	shalt  }
0x82: {  	_ =	shalt  }
0x83: {  	_ =	shalt  }
0x84: {  	_ =	shalt  }
0x85: {  	_ =	shalt  }
0x86: {  	_ =	shalt  }
0x87: {  	_ =	shalt  }
.Lfunc_end0:
.L_simem_size_0:
called_computation.2_lowered:
.L_overlay_start_0:
0x88: {  	s2 =	sld [smem:$0x3FD9]  }
0x89: {  	s3 =	sld [smem:$0x3FFE];
	_ =	sdelay $0x1  }
0x8a: {  	s1 =	srdreg.scid  }
0x8b: {  	s0 =	sand.u32 $0x1, s1  }
0x8c: {  	s16 =	sshll.u32 s0, $0xA;
	s2 =	sadd.s32 s3, s2  }
0x8d: {  	s2 =	sadd.s32 s2, s16  }
0x8e: {  	[smem:$0x3FC2] =	sst s2  }
0x8f: {  	_ = 	snop  }
0x90: {  	(tm) =	ssettm $0x1  }
0x91: {  	s17 =	sld [smem:$0x3FFB];
	_ =	sdelay $0x3  }
0x92: {  	_ =	strace s17  }
0x93: {  	s2 =	sld [smem:$0x3FFC];
	_ =	sdelay $0x3  }
0x94: {  	_ =	strace s2  }
0x95: {  	s2 =	sld [smem:$0x3FFD];
	_ =	sdelay $0x3  }
0x96: {  	_ =	strace s2  }
0x97: {  	_ =	strace $0x8FFFFFFF  }
0x98: {  	s18 =	sld [smem:$0x3FDB];
	_ =	sdelay $0x1  }
0x99: {  	s19 =	simm.s32 $_scs_section_size  }
0x9a: {  	s4 =	simm.s32 $_size__tile_overlayer_lowered;
	s5 =	simm.s32 $_tile_overlayer_lowered  }
0x9b: {  	s22 =	simm.s32 $0x1BFF;
	s21 =	sshll.u32 s5, $0x1;
	s2 =	sadd.s32 s19, s18  }
0x9c: {  	s6 =	simm.s32 $0x0;
	s20 =	sshll.u32 s4, $0x1;
	s4 =	sadd.s32 s21, s2  }
0x9d: {  	[timem:s6], [sflag:s22] =	dma.local [hbm:s4], s20  }
0x9e: {  	_ =	swait.ge [sflag:s22], s20  }
0x9f: {  	s3 =	ssub.s32 $0x0, s20;
	[sflag:s22] =	ssyncset.done $0x0  }
0xa0: {  	[sflag:s22] =	ssyncadd.s32 s3;
	_ =	sdelay $0x1  }
0xa1: {  	s23 =	simm.s32 $0x1B8B  }
0xa2: {  	_ =	swait.ge [sflag:s23], $0x1  }
0xa3: {  	[sflag:s23] =	ssyncset.done $0x0  }
0xa4: {  	s25 =	simm.s32 $0x1B8E;
	s24 =	sld [smem:$0x3FFE];
	[sflag:s23] =	ssyncadd.s32 $0xFFFFFFFF  }
0xa5: {  	s26 =	simm.s32 $execute0_lowered;
	[smem:$0x3FD2] =	sst s25  }
0xa6: {  	s4 =	sshll.u32 s26, $0x1;
	_ =	strace $0x8000004C;
	[dreg:$0x1] =	wrdreg $0xFFFFFFFF  }
0xa7: {  	s28 =	simm.s32 $_size_execute0_lowered;
	s2 =	sadd.s32 s2, s4;
	[dreg:$0x0] =	wrdreg $0x0  }
0xa8: {  	s4 =	sshll.u32 s28, $0x1;
	[dreg:$0x2] =	wrdreg s2  }
0xa9: {  	[dreg:$0x3] =	wrdreg s4  }
0xaa: {  	[dreg:$0x4] =	wrdreg $0xC0  }
0xab: {  	_ =	task [dreg:s6], $0x5FFFF  }
0xac: {  	[dreg:$0x1] =	wrdreg $0xFFFFFFFF  }
0xad: {  	[dreg:$0x0] =	wrdreg $0x60  }
0xae: {  	[dreg:$0x2] =	wrdreg s24  }
0xaf: {  	[dreg:$0x3] =	wrdreg $0xB2200  }
0xb0: {  	[dreg:$0x4] =	wrdreg $0x9  }
0xb1: {  	_ =	task.clear_ibuf [dreg:s6], $0x5FFFF;
	_ =	strace $0x9000004C  }
0xb2: {  	s29 =	simm.s32 $0x9;
	_ =	strace $0x8000004E  }
0xb3: {  	_ =	swait.ge [sflag:s29], $0x1  }
0xb4: {  	[sflag:s29] =	ssyncadd.s32 $0xFFFFFFFF  }
0xb5: {  	_ =	strace $0x9000004E  }
0xb6: {  	_ =	sfence  }
0xb7: {  	s30 =	sld [smem:$0x0];
	_ =	sdelay $0x2  }
0xb8: {  	s31 =	sshll.u32 s1, $0xD;
	s1 =	sshrl.u32 s1, $0x2  }
0xb9: {  	s3 =	sand.u32 $0x4000, s31;
	s1 =	sadd.s32 s1, s30  }
0xba: {  	s0 =	sor.u32 s3, s0;
	s1 =	sshll.u32 s1, $0x11  }
0xbb: {  	s0 =	sor.u32 s1, s0  }
0xbc: {  	s0 =	sadd.s32 $0x8F2B, s0  }
0xbd: {  	[sflag:s0] =	ssyncadd.remote.s32 $0x1  }
0xbe: {  	_ =	sfence.sel $0xFFFF  }
0xbf: {  	[dreg:$0x0] =	wrdreg $0xFFFFFFFF;
	(pc) =	sbr.abs _section_cstart, $3  }
0xc0: {  	[dreg:$0x1] =	wrdreg $0xFFFFFFFF  }
0xc1: {  	_ =	task.clear_ibuf [dreg:s6], $0x2FFFF;
	_ =	strace $0x9FFFFFFF  }
0xc2: {  	(tm) =	ssettm $0x7FFFFFFF  }
0xc3: {  	_ =	shalt  }
tec
execute0_lowered:
.L_overlay_start_1:
0x0: {  	(tag) =	ssettag $0x1  }
0x1: {  	s0 =	rddreg [dreg:$0x0];
	s1 =	srdreg.scid  }
0x2: {  	s8 =	stileid.u32;
	s2 =	rddreg [dreg:$0x1];
	s4 =	simm.s32 $0x0  }
0x3: {  	s1 =	sand.u32 $0x1, s1;
	s3 =	sshll.u32 s8, $0x1;
	s6 =	smul.u32 $0x14000, s8  }
0x4: {  	[smem:$0x7FF] =	sst s4;
	s4 =	sadd.s32 $0x3F400, s0;
	s8 =	smul.u32 $0x50000, s8  }
0x5: {  	s3 =	sor.u32 s1, s3;
	s5 =	smul.u32 $0x140000, s1;
	s1 =	ssub.s32 $0x2, s1  }
0x6: {  	_ =	strace $0x8000004D;
	s3 =	smul.u32 $0x4E2, s3;
	s7 =	sshrl.u32 s1, $0x1  }
0x7: {  	s8 =	sshrl.u32 s8, $0x2;
	s28 =	sadd.s32 $0x4000, s6;
	s14 =	sadd.s32 $0x8000, s6  }
0x8: {  	s16 =	sadd.s32 $0xC000, s6;
	s19 =	sadd.s32 s6, s2;
	s1 =	ssub.s32 s1, s7  }
0x9: {  	s24 =	sadd.s32 s5, s6;
	s8 =	sadd.s32 s8, s2;
	s10 =	sadd.s32 s5, s28  }
0xa: {  	s15 =	sadd.s32 s5, s14;
	s20 =	sadd.s32 s16, s2;
	s3 =	sadd.s32 s3, s0  }
0xb: {  	s0 =	sadd.s32 $0xDF400, s0;
	s7 =	sshrl.u32 s24, $0x3;
	s1 =	smax.u32 s1, $0x1  }
0xc: {  	s26 =	sadd.s32 $0x1400, s8;
	s11 =	sadd.s32 $0x5000, s8;
	s12 =	sadd.s32 $0x6400, s8  }
0xd: {  	s13 =	sadd.s32 $0x7800, s8;
	s18 =	sadd.s32 $0x8C00, s8;
	[dreg:$0x6] =	wrdreg s1  }
0xe: {  	s24 =	sshrl.u32 s20, $0x3;
	s29 =	sadd.s32 $0xC800, s8;
	[dreg:$0x7] =	wrdreg s26  }
0xf: {  	s30 =	sadd.s32 $0xDC00, s8;
	s31 =	sadd.s32 $0xF000, s8;
	[dreg:$0xa] =	wrdreg s11  }
0x10: {  	s20 =	simm.s32 $0x3;
	s9 =	sadd.s32 $0xD600, s3;
	[dreg:$0xb] =	wrdreg s12  }
0x11: {  	s3 =	sadd.s32 $0x3800, s3;
	s25 =	sadd.s32 s0, s7;
	[dreg:$0xc] =	wrdreg s13  }
0x12: {  	s7 =	sadd.s32 $0x2800, s8;
	s11 =	sadd.s32 s5, s16;
	[dreg:$0x11] =	wrdreg s18  }
0x13: {  	s1 =	sadd.s32 s28, s2;
	[dreg:$0x15] =	wrdreg s24;
	s26 =	sadd.s32 $0xA000, s8  }
0x14: {  	s28 =	sadd.s32 $0xB400, s8;
	s12 =	simm.s32 $0x8A20;
	[dreg:$0x3] =	wrdreg s9  }
0x15: {  	s13 =	simm.s32 $0x9E20;
	s16 =	simm.s32 $0x9;
	[dreg:$0x4] =	wrdreg s3  }
0x16: {  	s18 =	simm.s32 $0x6;
	s24 =	simm.s32 $0x0;
	[dreg:$0x5] =	wrdreg s25  }
0x17: {  	[dreg:$0x8] =	wrdreg s7;
	s9 =	sadd.s32 $0x3C00, s8;
	s3 =	sshrl.u32 s10, $0x3  }
0x18: {  	s10 =	sadd.s32 $0x10000, s6;
	s7 =	sshrl.u32 s15, $0x3;
	[dreg:$0x17] =	wrdreg s26  }
0x19: {  	s17 =	sshrl.u32 s11, $0x3;
	s22 =	sshrl.u32 s1, $0x3;
	[dreg:$0x18] =	wrdreg s28  }
0x1a: {  	s1 =	sadd.s32 $0x10400, s8;
	s6 =	simm.s32 $0x1;
	s11 =	simm.s32 $0x7620  }
0x1b: {  	s15 =	simm.s32 $0x8;
	[dreg:$0x9] =	wrdreg s9;
	s3 =	sadd.s32 s0, s3  }
0x1c: {  	s5 =	sadd.s32 s5, s10;
	s7 =	sadd.s32 s0, s7;
	[dreg:$0x13] =	wrdreg s22  }
0x1d: {  	s21 =	sadd.s32 s10, s2;
	s9 =	simm.s32 $0x4E20;
	[dreg:$0xd] =	wrdreg s3  }
0x1e: {  	s10 =	simm.s32 $0x6220;
	s22 =	simm.s32 $0x5;
	[dreg:$0xe] =	wrdreg s7  }
0x1f: {  	s5 =	sshrl.u32 s5, $0x3;
	s7 =	sadd.s32 s0, s17;
	s3 =	sadd.s32 s14, s2  }
0x20: {  	s25 =	sshrl.u32 s21, $0x3;
	s14 =	simm.s32 $0x7;
	s17 =	simm.s32 $0xA  }
0x21: {  	s21 =	simm.s32 $0x4;
	[dreg:$0xf] =	wrdreg s7;
	s0 =	sadd.s32 s0, s5  }
0x22: {  	s23 =	sshrl.u32 s3, $0x3;
	[dreg:$0x16] =	wrdreg s25;
	s3 =	sadd.s32 $0x12C00, s8  }
0x23: {  	s5 =	simm.s32 $0x2710;
	s7 =	simm.s32 $0x28;
	[dreg:$0x10] =	wrdreg s0  }
0x24: {  	s0 =	sshrl.u32 s19, $0x3;
	[dreg:$0x14] =	wrdreg s23;
	s19 =	simm.s32 $0x2  }
0x25: {  	v0 =	vimm.f32 $0.0e+00;
	s23 =	simm.s32 $0xB;
	[dreg:$0x12] =	wrdreg s0;
	s0 =	sadd.s32 $0x11800, s8  }
.LBB2_1:
0x26: {  	s25 =	simm.s32 $0x0;
	s26 =	rddreg [dreg:$0x3]  }
0x27: {  	[tilespmem:s25], [sflag:$0x6] =	stream.linear.gather [hbm4b:s26+s25], $0x2710, $0x38;
	[tilespmem:$0x1F220] =	vst v63  }
0x28: {  	s28 =	rddreg [dreg:$0x4]  }
0x29: {  	[tilespmem:s5], [sflag:$0x1] =	stream.linear.gather [hbm4b:s28+s25], $0x2710, $0x38;
	[tilespmem:$0x1F220] =	vst v63  }
0x2a: {  	_ =	swait.ge [sflag:s6], $0x2710  }
0x2b: {  	[sflag:s6] =	ssyncset.done $0x0  }
0x2c: {  	[sflag:s6] =	ssyncadd.s32 $0xFFFFD8F0  }
0x2d: {  	[tilespmem:s9], [sflag:$0x1] =	stream.indirect.gather [hbm4b:s4+s7], $0x80, s5, s7, $0xb8;
	[tilespmem:$0x1F220] =	vst v63  }
0x2e: {  	s28 =	simm.s32 $0x2738  }
0x2f: {  	[tilespmem:s10], [sflag:$0x2] =	stream.indirect.gather [hbm4b:s4+s7], $0x80, s28, s7, $0xb8;
	[tilespmem:$0x1F220] =	vst v63  }
0x30: {  	s26 =	simm.s32 $0x2760  }
0x31: {  	[tilespmem:s11], [sflag:$0x3] =	stream.indirect.gather [hbm4b:s4+s7], $0x80, s26, s7, $0xb8;
	[tilespmem:$0x1F220] =	vst v63  }
0x32: {  	s25 =	simm.s32 $0x70;
	s28 =	simm.s32 $0x2788;
	s26 =	simm.s32 $0x3C0  }
0x33: {  	[tilespmem:s12], [sflag:$0x4] =	stream.indirect.gather [hbm4b:s4+s7], $0x80, s28, s7, $0xb8;
	[tilespmem:$0x1F220] =	vst v63  }
.LBB2_2:
0x34: {  	p0 =	sne.s32 s26, $0x4FC0;
	[tilespmem:s25+$0x9E20] =	vst v0  }
0x35: {  	[tilespmem:s25+$0x9DB0] =	vst v0  }
0x36: {  	[tilespmem:s25+$0x9DC0] =	vst v0  }
.Ltmp0:
0x37: {  	[tilespmem:s25+$0x9DD0] =	vst v0;
	(pc) =	sbr.rel @p0 .LBB2_2-.Ltmp0, $4  }
0x38: {  	[tilespmem:s25+$0x9DE0] =	vst v0  }
0x39: {  	[tilespmem:s25+$0x9DF0] =	vst v0  }
0x3a: {  	[tilespmem:s25+$0x9E00] =	vst v0  }
0x3b: {  	[tilespmem:s25+$0x9E10] =	vst v0;
	s25 =	sshra.s32 s26, $0x2;
	s26 =	sadd.s32 $0x200, s26  }
0x3c: {  	[tilespmem:s25+$0x9E20] =	vst v0  }
0x3d: {  	[tilespmem:s25+$0x9DB0] =	vst v0  }
0x3e: {  	[tilespmem:s25+$0x9DC0] =	vst v0  }
0x3f: {  	[tilespmem:s25+$0x9DD0] =	vst v0  }
0x40: {  	[tilespmem:s25+$0x9DE0] =	vst v0  }
0x41: {  	[tilespmem:s25+$0x9DF0] =	vst v0  }
0x42: {  	[tilespmem:s25+$0x9E00] =	vst v0  }
0x43: {  	[tilespmem:s25+$0x9E10] =	vst v0  }
0x44: {  	[spmem:s8] =	stream.linear.scatter [tilespmem:s13], [sflag:$0x7], $0x1400, $0x38;
	[tilespmem:$0x1F220] =	vst v63  }
0x45: {  	s26 =	rddreg [dreg:$0x7]  }
0x46: {  	[spmem:s26] =	stream.linear.scatter [tilespmem:s13], [sflag:$0x8], $0x1400, $0x38;
	[tilespmem:$0x1F220] =	vst v63  }
0x47: {  	s28 =	rddreg [dreg:$0x8]  }
0x48: {  	[spmem:s28] =	stream.linear.scatter [tilespmem:s13], [sflag:$0x9], $0x1400, $0x38;
	[tilespmem:$0x1F220] =	vst v63  }
0x49: {  	s26 =	rddreg [dreg:$0x9]  }
0x4a: {  	[spmem:s26] =	stream.linear.scatter [tilespmem:s13], [sflag:$0xA], $0x1400, $0x38;
	[tilespmem:$0x1F220] =	vst v63  }
0x4b: {  	_ =	swait.ge [sflag:s14], $0x1400  }
0x4c: {  	[sflag:s14] =	ssyncset.done $0x0  }
0x4d: {  	[sflag:s14] =	ssyncadd.s32 $0xFFFFEC00  }
0x4e: {  	_ =	swait.ge [sflag:s15], $0x1400  }
0x4f: {  	[sflag:s15] =	ssyncset.done $0x0  }
0x50: {  	[sflag:s15] =	ssyncadd.s32 $0xFFFFEC00  }
0x51: {  	_ =	swait.ge [sflag:s16], $0x1400  }
0x52: {  	[sflag:s16] =	ssyncset.done $0x0  }
0x53: {  	[sflag:s16] =	ssyncadd.s32 $0xFFFFEC00  }
0x54: {  	_ =	swait.ge [sflag:s17], $0x1400  }
0x55: {  	[sflag:s17] =	ssyncset.done $0x0  }
0x56: {  	s28 =	rddreg [dreg:$0xa];
	[sflag:s17] =	ssyncadd.s32 $0xFFFFEC00  }
0x57: {  	[spmem:s28] =	stream.linear.scatter [tilespmem:s13], [sflag:$0x7], $0x1400, $0x38;
	[tilespmem:$0x1F220] =	vst v63  }
0x58: {  	s26 =	rddreg [dreg:$0xb]  }
0x59: {  	[spmem:s26] =	stream.linear.scatter [tilespmem:s13], [sflag:$0x8], $0x1400, $0x38;
	[tilespmem:$0x1F220] =	vst v63  }
0x5a: {  	s28 =	rddreg [dreg:$0xc]  }
0x5b: {  	[spmem:s28] =	stream.linear.scatter [tilespmem:s13], [sflag:$0x9], $0x1400, $0x38;
	[tilespmem:$0x1F220] =	vst v63  }
0x5c: {  	s26 =	rddreg [dreg:$0x11]  }
0x5d: {  	[spmem:s26] =	stream.linear.scatter [tilespmem:s13], [sflag:$0xA], $0x1400, $0x38;
	[tilespmem:$0x1F220] =	vst v63  }
0x5e: {  	_ =	swait.ge [sflag:s14], $0x1400  }
0x5f: {  	[sflag:s14] =	ssyncset.done $0x0  }
0x60: {  	[sflag:s14] =	ssyncadd.s32 $0xFFFFEC00  }
0x61: {  	_ =	swait.ge [sflag:s15], $0x1400  }
0x62: {  	[sflag:s15] =	ssyncset.done $0x0  }
0x63: {  	[sflag:s15] =	ssyncadd.s32 $0xFFFFEC00  }
0x64: {  	_ =	swait.ge [sflag:s16], $0x1400  }
0x65: {  	[sflag:s16] =	ssyncset.done $0x0  }
0x66: {  	[sflag:s16] =	ssyncadd.s32 $0xFFFFEC00  }
0x67: {  	_ =	swait.ge [sflag:s17], $0x1400  }
0x68: {  	[sflag:s17] =	ssyncset.done $0x0  }
0x69: {  	s28 =	rddreg [dreg:$0x17];
	[sflag:s17] =	ssyncadd.s32 $0xFFFFEC00  }
0x6a: {  	[spmem:s28] =	stream.linear.scatter [tilespmem:s13], [sflag:$0x7], $0x1400, $0x38;
	[tilespmem:$0x1F220] =	vst v63  }
0x6b: {  	s26 =	rddreg [dreg:$0x18]  }
0x6c: {  	[spmem:s26] =	stream.linear.scatter [tilespmem:s13], [sflag:$0x8], $0x1400, $0x38;
	[tilespmem:$0x1F220] =	vst v63  }
0x6d: {  	_ = 	snop  }
0x6e: {  	[spmem:s29] =	stream.linear.scatter [tilespmem:s13], [sflag:$0x9], $0x1400, $0x38;
	[tilespmem:$0x1F220] =	vst v63  }
0x6f: {  	_ = 	snop  }
0x70: {  	[spmem:s30] =	stream.linear.scatter [tilespmem:s13], [sflag:$0xA], $0x1400, $0x38;
	[tilespmem:$0x1F220] =	vst v63  }
0x71: {  	_ =	swait.ge [sflag:s14], $0x1400  }
0x72: {  	[sflag:s14] =	ssyncset.done $0x0  }
0x73: {  	[sflag:s14] =	ssyncadd.s32 $0xFFFFEC00  }
0x74: {  	_ =	swait.ge [sflag:s15], $0x1400  }
0x75: {  	[sflag:s15] =	ssyncset.done $0x0  }
0x76: {  	[sflag:s15] =	ssyncadd.s32 $0xFFFFEC00  }
0x77: {  	_ =	swait.ge [sflag:s16], $0x1400  }
0x78: {  	[sflag:s16] =	ssyncset.done $0x0  }
0x79: {  	[sflag:s16] =	ssyncadd.s32 $0xFFFFEC00  }
0x7a: {  	_ =	swait.ge [sflag:s17], $0x1400  }
0x7b: {  	[sflag:s17] =	ssyncset.done $0x0  }
0x7c: {  	[sflag:s17] =	ssyncadd.s32 $0xFFFFEC00  }
0x7d: {  	[spmem:s31] =	stream.linear.scatter [tilespmem:s13], [sflag:$0x7], $0x1400, $0x38;
	[tilespmem:$0x1F220] =	vst v63  }
0x7e: {  	_ = 	snop  }
0x7f: {  	[spmem:s1] =	stream.linear.scatter [tilespmem:s13], [sflag:$0x8], $0x1400, $0x38;
	[tilespmem:$0x1F220] =	vst v63  }
0x80: {  	_ = 	snop  }
0x81: {  	[spmem:s0] =	stream.linear.scatter [tilespmem:s13], [sflag:$0x9], $0x1400, $0x38;
	[tilespmem:$0x1F220] =	vst v63  }
0x82: {  	_ = 	snop  }
0x83: {  	[spmem:s3] =	stream.linear.scatter [tilespmem:s13], [sflag:$0xA], $0x1400, $0x38;
	[tilespmem:$0x1F220] =	vst v63  }
0x84: {  	_ =	swait.ge [sflag:s14], $0x1400  }
0x85: {  	[sflag:s14] =	ssyncset.done $0x0  }
0x86: {  	[sflag:s14] =	ssyncadd.s32 $0xFFFFEC00  }
0x87: {  	_ =	swait.ge [sflag:s15], $0x1400  }
0x88: {  	[sflag:s15] =	ssyncset.done $0x0  }
0x89: {  	[sflag:s15] =	ssyncadd.s32 $0xFFFFEC00  }
0x8a: {  	_ =	swait.ge [sflag:s16], $0x1400  }
0x8b: {  	[sflag:s16] =	ssyncset.done $0x0  }
0x8c: {  	[sflag:s16] =	ssyncadd.s32 $0xFFFFEC00  }
0x8d: {  	_ =	swait.ge [sflag:s17], $0x1400  }
0x8e: {  	[sflag:s17] =	ssyncset.done $0x0  }
0x8f: {  	[sflag:s17] =	ssyncadd.s32 $0xFFFFEC00  }
0x90: {  	_ =	swait.ge [sflag:s18], $0x2710  }
0x91: {  	[sflag:s18] =	ssyncset.done $0x0  }
0x92: {  	[sflag:s18] =	ssyncadd.s32 $0xFFFFD8F0  }
0x93: {  	s28 =	simm.s32 $0x27B0;
	[bflag:$0x0] =	sbarrier.arrive $0xFFFF  }
0x94: {  	[tilespmem:s13], [sflag:$0x5] =	stream.indirect.gather [hbm4b:s4+s7], $0x80, s28, s7, $0xb8;
	[tilespmem:$0x1F220] =	vst v63  }
0x95: {  	_ =	swait.ge [sflag:s6], $0x1400  }
0x96: {  	[sflag:s6] =	ssyncset.done $0x0  }
0x97: {  	s26 =	simm.s32 $0x0;
	[sflag:s6] =	ssyncadd.s32 $0xFFFFEC00  }
0x98: {  	[spmem:s2] =	stream.indirect.scatter.add.f32 [tilespmem:s9], [sflag:$0x6], $0x80, s26, s7, $0xb8;
	[tilespmem:$0x1F220] =	vst v63  }
0x99: {  	_ =	swait.ge [sflag:s18], $0x1400  }
0x9a: {  	[sflag:s18] =	ssyncset.done $0x0  }
0x9b: {  	s28 =	simm.s32 $0x27D8;
	[sflag:s18] =	ssyncadd.s32 $0xFFFFEC00  }
0x9c: {  	[tilespmem:s9], [sflag:$0x1] =	stream.indirect.gather [hbm4b:s4+s7], $0x80, s28, s7, $0xb8;
	[tilespmem:$0x1F220] =	vst v63  }
0x9d: {  	_ =	swait.ge [sflag:s19], $0x1400  }
0x9e: {  	[sflag:s19] =	ssyncset.done $0x0  }
0x9f: {  	s26 =	simm.s32 $0x28;
	[sflag:s19] =	ssyncadd.s32 $0xFFFFEC00  }
0xa0: {  	[spmem:s2] =	stream.indirect.scatter.add.f32 [tilespmem:s10], [sflag:$0x7], $0x80, s26, s7, $0xb8;
	[tilespmem:$0x1F220] =	vst v63  }
0xa1: {  	_ =	swait.ge [sflag:s14], $0x1400  }
0xa2: {  	[sflag:s14] =	ssyncset.done $0x0  }
0xa3: {  	s28 =	simm.s32 $0x2800;
	[sflag:s14] =	ssyncadd.s32 $0xFFFFEC00  }
0xa4: {  	[tilespmem:s10], [sflag:$0x2] =	stream.indirect.gather [hbm4b:s4+s7], $0x80, s28, s7, $0xb8;
	[tilespmem:$0x1F220] =	vst v63  }
0xa5: {  	_ =	swait.ge [sflag:s20], $0x1400  }
0xa6: {  	[sflag:s20] =	ssyncset.done $0x0  }
0xa7: {  	s26 =	simm.s32 $0x50;
	[sflag:s20] =	ssyncadd.s32 $0xFFFFEC00  }
0xa8: {  	[spmem:s2] =	stream.indirect.scatter.add.f32 [tilespmem:s11], [sflag:$0x8], $0x80, s26, s7, $0xb8;
	[tilespmem:$0x1F220] =	vst v63  }
0xa9: {  	_ =	swait.ge [sflag:s15], $0x1400  }
0xaa: {  	[sflag:s15] =	ssyncset.done $0x0  }
0xab: {  	s28 =	simm.s32 $0x2828;
	[sflag:s15] =	ssyncadd.s32 $0xFFFFEC00  }
0xac: {  	[tilespmem:s11], [sflag:$0x3] =	stream.indirect.gather [hbm4b:s4+s7], $0x80, s28, s7, $0xb8;
	[tilespmem:$0x1F220] =	vst v63  }
0xad: {  	_ =	swait.ge [sflag:s21], $0x1400  }
0xae: {  	[sflag:s21] =	ssyncset.done $0x0  }
0xaf: {  	s26 =	simm.s32 $0x78;
	[sflag:s21] =	ssyncadd.s32 $0xFFFFEC00  }
0xb0: {  	[spmem:s2] =	stream.indirect.scatter.add.f32 [tilespmem:s12], [sflag:$0x9], $0x80, s26, s7, $0xb8;
	[tilespmem:$0x1F220] =	vst v63  }
0xb1: {  	_ =	swait.ge [sflag:s16], $0x1400  }
0xb2: {  	[sflag:s16] =	ssyncset.done $0x0  }
0xb3: {  	s28 =	simm.s32 $0x2850;
	[sflag:s16] =	ssyncadd.s32 $0xFFFFEC00  }
0xb4: {  	[tilespmem:s12], [sflag:$0x4] =	stream.indirect.gather [hbm4b:s4+s7], $0x80, s28, s7, $0xb8;
	[tilespmem:$0x1F220] =	vst v63  }
0xb5: {  	_ =	swait.ge [sflag:s22], $0x1400  }
0xb6: {  	[sflag:s22] =	ssyncset.done $0x0  }
0xb7: {  	s26 =	simm.s32 $0xA0;
	[sflag:s22] =	ssyncadd.s32 $0xFFFFEC00  }
0xb8: {  	[spmem:s2] =	stream.indirect.scatter.add.f32 [tilespmem:s13], [sflag:$0xA], $0x80, s26, s7, $0xb8;
	[tilespmem:$0x1F220] =	vst v63  }
0xb9: {  	_ =	swait.ge [sflag:s17], $0x1400  }
0xba: {  	[sflag:s17] =	ssyncset.done $0x0  }
0xbb: {  	s28 =	simm.s32 $0x2878;
	[sflag:s17] =	ssyncadd.s32 $0xFFFFEC00  }
0xbc: {  	[tilespmem:s13], [sflag:$0x5] =	stream.indirect.gather [hbm4b:s4+s7], $0x80, s28, s7, $0xb8;
	[tilespmem:$0x1F220] =	vst v63  }
0xbd: {  	_ =	swait.ge [sflag:s6], $0x1400  }
0xbe: {  	[sflag:s6] =	ssyncset.done $0x0  }
0xbf: {  	s25 =	simm.s32 $0x320;
	s26 =	simm.s32 $0xC8;
	[sflag:s6] =	ssyncadd.s32 $0xFFFFEC00  }
.LBB2_4:
0xc0: {  	[spmem:s2] =	stream.indirect.scatter.add.f32 [tilespmem:s9], [sflag:$0x6], $0x80, s26, s7, $0xb8;
	[tilespmem:$0x1F220] =	vst v63  }
0xc1: {  	s26 =	smov.u32 s25  }
0xc2: {  	p0 =	sne.s32 s25, $0x9600;
	s25 =	sadd.s32 $0x320, s25;
	_ =	swait.ge [sflag:s18], $0x1400  }
0xc3: {  	s26 =	sshra.s32 s26, $0x2;
	[sflag:s18] =	ssyncset.done $0x0  }
0xc4: {  	s28 =	sadd.s32 $0x27D8, s26;
	[sflag:s18] =	ssyncadd.s32 $0xFFFFEC00  }
0xc5: {  	[tilespmem:s9], [sflag:$0x1] =	stream.indirect.gather [hbm4b:s4+s7], $0x80, s28, s7, $0xb8;
	[tilespmem:$0x1F220] =	vst v63  }
0xc6: {  	_ =	swait.ge [sflag:s19], $0x1400  }
0xc7: {  	[sflag:s19] =	ssyncset.done $0x0  }
0xc8: {  	s28 =	sadd.s32 $0x28, s26;
	[sflag:s19] =	ssyncadd.s32 $0xFFFFEC00  }
0xc9: {  	[spmem:s2] =	stream.indirect.scatter.add.f32 [tilespmem:s10], [sflag:$0x7], $0x80, s28, s7, $0xb8;
	[tilespmem:$0x1F220] =	vst v63  }
0xca: {  	_ =	swait.ge [sflag:s14], $0x1400  }
0xcb: {  	[sflag:s14] =	ssyncset.done $0x0  }
0xcc: {  	s28 =	sadd.s32 $0x2800, s26;
	[sflag:s14] =	ssyncadd.s32 $0xFFFFEC00  }
0xcd: {  	[tilespmem:s10], [sflag:$0x2] =	stream.indirect.gather [hbm4b:s4+s7], $0x80, s28, s7, $0xb8;
	[tilespmem:$0x1F220] =	vst v63  }
0xce: {  	_ =	swait.ge [sflag:s20], $0x1400  }
0xcf: {  	[sflag:s20] =	ssyncset.done $0x0  }
0xd0: {  	s28 =	sadd.s32 $0x50, s26;
	[sflag:s20] =	ssyncadd.s32 $0xFFFFEC00  }
0xd1: {  	[spmem:s2] =	stream.indirect.scatter.add.f32 [tilespmem:s11], [sflag:$0x8], $0x80, s28, s7, $0xb8;
	[tilespmem:$0x1F220] =	vst v63  }
0xd2: {  	_ =	swait.ge [sflag:s15], $0x1400  }
0xd3: {  	[sflag:s15] =	ssyncset.done $0x0  }
0xd4: {  	s28 =	sadd.s32 $0x2828, s26;
	[sflag:s15] =	ssyncadd.s32 $0xFFFFEC00  }
0xd5: {  	[tilespmem:s11], [sflag:$0x3] =	stream.indirect.gather [hbm4b:s4+s7], $0x80, s28, s7, $0xb8;
	[tilespmem:$0x1F220] =	vst v63  }
0xd6: {  	_ =	swait.ge [sflag:s21], $0x1400  }
0xd7: {  	[sflag:s21] =	ssyncset.done $0x0  }
0xd8: {  	s28 =	sadd.s32 $0x78, s26;
	[sflag:s21] =	ssyncadd.s32 $0xFFFFEC00  }
0xd9: {  	[spmem:s2] =	stream.indirect.scatter.add.f32 [tilespmem:s12], [sflag:$0x9], $0x80, s28, s7, $0xb8;
	[tilespmem:$0x1F220] =	vst v63  }
0xda: {  	_ =	swait.ge [sflag:s16], $0x1400  }
0xdb: {  	[sflag:s16] =	ssyncset.done $0x0  }
0xdc: {  	s28 =	sadd.s32 $0x2850, s26;
	[sflag:s16] =	ssyncadd.s32 $0xFFFFEC00  }
0xdd: {  	[tilespmem:s12], [sflag:$0x4] =	stream.indirect.gather [hbm4b:s4+s7], $0x80, s28, s7, $0xb8;
	[tilespmem:$0x1F220] =	vst v63  }
0xde: {  	_ =	swait.ge [sflag:s22], $0x1400  }
0xdf: {  	[sflag:s22] =	ssyncset.done $0x0  }
0xe0: {  	s28 =	sadd.s32 $0xA0, s26;
	[sflag:s22] =	ssyncadd.s32 $0xFFFFEC00  }
0xe1: {  	[spmem:s2] =	stream.indirect.scatter.add.f32 [tilespmem:s13], [sflag:$0xA], $0x80, s28, s7, $0xb8;
	[tilespmem:$0x1F220] =	vst v63  }
0xe2: {  	_ =	swait.ge [sflag:s17], $0x1400  }
0xe3: {  	[sflag:s17] =	ssyncset.done $0x0  }
.Ltmp1:
0xe4: {  	s28 =	sadd.s32 $0x2878, s26;
	[sflag:s17] =	ssyncadd.s32 $0xFFFFEC00;
	(pc) =	sbr.rel @p0 .LBB2_4-.Ltmp1, $4  }
0xe5: {  	[tilespmem:s13], [sflag:$0x5] =	stream.indirect.gather [hbm4b:s4+s7], $0x80, s28, s7, $0xb8;
	[tilespmem:$0x1F220] =	vst v63  }
0xe6: {  	_ =	swait.ge [sflag:s6], $0x1400  }
0xe7: {  	[sflag:s6] =	ssyncset.done $0x0  }
0xe8: {  	s26 =	sadd.s32 $0xC8, s26;
	[sflag:s6] =	ssyncadd.s32 $0xFFFFEC00  }
0xe9: {  	[spmem:s2] =	stream.indirect.scatter.add.f32 [tilespmem:s9], [sflag:$0x6], $0x80, s26, s7, $0xb8;
	[tilespmem:$0x1F220] =	vst v63  }
0xea: {  	_ =	swait.ge [sflag:s19], $0x1400  }
0xeb: {  	[sflag:s19] =	ssyncset.done $0x0  }
0xec: {  	s25 =	simm.s32 $0x2670;
	[sflag:s19] =	ssyncadd.s32 $0xFFFFEC00  }
0xed: {  	[spmem:s2] =	stream.indirect.scatter.add.f32 [tilespmem:s10], [sflag:$0x7], $0x80, s25, s7, $0xb8;
	[tilespmem:$0x1F220] =	vst v63  }
0xee: {  	_ =	swait.ge [sflag:s20], $0x1400  }
0xef: {  	[sflag:s20] =	ssyncset.done $0x0  }
0xf0: {  	s28 =	simm.s32 $0x2698;
	[sflag:s20] =	ssyncadd.s32 $0xFFFFEC00  }
0xf1: {  	[spmem:s2] =	stream.indirect.scatter.add.f32 [tilespmem:s11], [sflag:$0x8], $0x80, s28, s7, $0xb8;
	[tilespmem:$0x1F220] =	vst v63  }
0xf2: {  	_ =	swait.ge [sflag:s21], $0x1400  }
0xf3: {  	[sflag:s21] =	ssyncset.done $0x0  }
0xf4: {  	s26 =	simm.s32 $0x26C0;
	[sflag:s21] =	ssyncadd.s32 $0xFFFFEC00  }
0xf5: {  	[spmem:s2] =	stream.indirect.scatter.add.f32 [tilespmem:s12], [sflag:$0x9], $0x80, s26, s7, $0xb8;
	[tilespmem:$0x1F220] =	vst v63  }
0xf6: {  	_ =	swait.ge [sflag:s22], $0x1400  }
0xf7: {  	[sflag:s22] =	ssyncset.done $0x0  }
0xf8: {  	s28 =	simm.s32 $0x26E8;
	[sflag:s22] =	ssyncadd.s32 $0xFFFFEC00  }
0xf9: {  	[spmem:s2] =	stream.indirect.scatter.add.f32 [tilespmem:s13], [sflag:$0xA], $0x80, s28, s7, $0xb8;
	[tilespmem:$0x1F220] =	vst v63  }
0xfa: {  	_ =	swait.ge [sflag:s18], $0x1400  }
0xfb: {  	[sflag:s18] =	ssyncset.done $0x0  }
0xfc: {  	[sflag:s18] =	ssyncadd.s32 $0xFFFFEC00  }
0xfd: {  	_ =	swait.ge [sflag:s14], $0x1400  }
0xfe: {  	[sflag:s14] =	ssyncset.done $0x0  }
0xff: {  	[sflag:s14] =	ssyncadd.s32 $0xFFFFEC00  }
0x100: {  	_ =	swait.ge [sflag:s15], $0x1400  }
0x101: {  	[sflag:s15] =	ssyncset.done $0x0  }
0x102: {  	[sflag:s15] =	ssyncadd.s32 $0xFFFFEC00  }
0x103: {  	_ =	swait.ge [sflag:s16], $0x1400  }
0x104: {  	[sflag:s16] =	ssyncset.done $0x0  }
0x105: {  	[sflag:s16] =	ssyncadd.s32 $0xFFFFEC00  }
0x106: {  	_ =	swait.ge [sflag:s17], $0x1400  }
0x107: {  	[sflag:s17] =	ssyncset.done $0x0  }
0x108: {  	[sflag:s17] =	ssyncadd.s32 $0xFFFFEC00  }
0x109: {  	s26 =	stileid.u32;
	[bflag:$0x0] =	sbarrier.arrive $0xFFFF  }
0x10a: {  	s25 =	sshll.u32 s26, $0x6;
	s26 =	rddreg [dreg:$0x5]  }
0x10b: {  	s25 =	sor.u32 $0x1C0B, s25;
	s28 =	rddreg [dreg:$0x12]  }
0x10c: {  	[hbm:s26], [sflag:s25] =	dma.local [spmem:s28], $0x800  }
0x10d: {  	_ =	swait.ge [sflag:s23], $0x800  }
0x10e: {  	[sflag:s23] =	ssyncset.done $0x0;
	s26 =	rddreg [dreg:$0xd]  }
0x10f: {  	s28 =	rddreg [dreg:$0x13];
	[sflag:s23] =	ssyncadd.s32 $0xFFFFF800  }
0x110: {  	[hbm:s26], [sflag:s25] =	dma.local [spmem:s28], $0x800  }
0x111: {  	_ =	swait.ge [sflag:s23], $0x800  }
0x112: {  	[sflag:s23] =	ssyncset.done $0x0;
	s26 =	rddreg [dreg:$0xe]  }
0x113: {  	s28 =	rddreg [dreg:$0x14];
	[sflag:s23] =	ssyncadd.s32 $0xFFFFF800  }
0x114: {  	[hbm:s26], [sflag:s25] =	dma.local [spmem:s28], $0x800  }
0x115: {  	_ =	swait.ge [sflag:s23], $0x800  }
0x116: {  	[sflag:s23] =	ssyncset.done $0x0;
	s26 =	rddreg [dreg:$0xf]  }
0x117: {  	s28 =	rddreg [dreg:$0x15];
	[sflag:s23] =	ssyncadd.s32 $0xFFFFF800  }
0x118: {  	[hbm:s26], [sflag:s25] =	dma.local [spmem:s28], $0x800  }
0x119: {  	_ =	swait.ge [sflag:s23], $0x800  }
0x11a: {  	[sflag:s23] =	ssyncset.done $0x0;
	s26 =	rddreg [dreg:$0x10]  }
0x11b: {  	s28 =	rddreg [dreg:$0x16];
	[sflag:s23] =	ssyncadd.s32 $0xFFFFF800  }
0x11c: {  	[hbm:s26], [sflag:s25] =	dma.local [spmem:s28], $0x800  }
0x11d: {  	_ =	swait.ge [sflag:s23], $0x800  }
0x11e: {  	s24 =	sadd.s32 $0x1, s24;
	s28 =	rddreg [dreg:$0x6]  }
0x11f: {  	p0 =	sne.s32 s24, s28  }
.Ltmp2:
0x120: {  	_ = 	snop;
	(pc) =	sbr.rel @p0 .LBB2_1-.Ltmp2, $3  }
0x121: {  	_ =	sdelay $0x1  }
0x122: {  	[sflag:s23] =	ssyncset.done $0x0  }
0x123: {  	[sflag:s23] =	ssyncadd.s32 $0xFFFFF800  }
0x124: {  	_ =	sfence.sel $0x180000  }
0x125: {  	[bflag:$0x0] =	sbarrier.arrive $0xFFFF  }
0x126: {  	_ =	strace $0x9000004D  }
0x127: {  	s0 =	stileid.u32;
	[bflag:$0x2] =	sbarrier.arrive $0xFFFF  }
0x128: {  	p0 =	sne.s32 s0, $0x0;
	s0 =	rddreg [dreg:$0x2]  }
0x129: {  	s0 =	sadd.s32 @!p0 $0x100000, s0  }
0x12a: {  	[sflag:s0] =	ssyncadd.tile.s32 @!p0 $0x1;
	_ =	shalt  }
.Lfunc_end2:
_tile_overlayer_lowered:
.L_overlay_start_2:
0x12b: {  	(tag) =	ssettag $0x2  }
0x12c: {  	s0 =	rddreg [dreg:$0x0];
	s2 =	stileid.u32  }
0x12d: {  	s1 =	rddreg [dreg:$0x1];
	p0 =	sne.s32 s2, $0x0  }
0x12e: {  	s3 =	rddreg [dreg:$0x2];
	[bflag:$0x3] =	sbarrier.arrive $0xFFFF;
	s2 =	simm.s32 @!p0 $0x1C0B  }
0x12f: {  	[timem:s3], [sflag:s2] =	dma.local @!p0 [hbm:s0], s1  }
0x130: {  	s0 =	simm.s32 @!p0 $0xB  }
0x131: {  	_ =	swait.ge @!p0 [sflag:s0], s1  }
0x132: {  	s1 =	ssub.s32 @!p0 $0x0, s1;
	[sflag:s0] =	ssyncset.done @!p0 $0x0  }
0x133: {  	[sflag:s0] =	ssyncadd.s32 @!p0 s1  }
0x134: {  	[bflag:$0x3] =	sbarrier.arrive $0xFFFF  }
0x135: {  	_ =	shalt  }

// kernel: kernel.9.cloned.1.call-start
scs
__scs_entry_jumppad:
0x0: {  	(pc) =	sbr.rel $0x88, $3  }
0x1: {  	(tag) =	ssettag $0x0;
	lr =	simm.s32 $0x1  }
0x2: {  	[smem:$0x3F9B] =	sst lr;
	_ =	strace $0xD0000000  }
0x3: {  	_ = 	snop  }
0x4: {  	_ = 	snop  }
0x5: {  	_ = 	snop  }
0x6: {  	_ = 	snop  }
0x7: {  	_ = 	snop  }
__scs_overlays_trampoline_lowered:
0x8: {  	[smem:$0x3FAA] =	sst s0  }
0x9: {  	[smem:$0x3FAB] =	sst s1  }
0xa: {  	[smem:$0x3FAC] =	sst s2  }
0xb: {  	[smem:$0x3FAD] =	sst s3  }
0xc: {  	[smem:$0x3FAE] =	sst s4  }
0xd: {  	[smem:$0x3FAF] =	sst s5  }
0xe: {  	[smem:$0x3FB0] =	sst s6  }
0xf: {  	[smem:$0x3FB1] =	sst s7  }
0x10: {  	[smem:$0x3FB2] =	sst s8  }
0x11: {  	[smem:$0x3FB3] =	sst s9;
	s0 =	simm.s32 @!p0 $0x0  }
0x12: {  	s1 =	sld [smem:$0x3F99];
	s0 =	simm.s32 @p0 $0x1  }
0x13: {  	[smem:$0x3FB4] =	sst s0;
	s0 =	simm.s32 @!p1 $0x0  }
0x14: {  	s2 =	sld [smem:$0x3F98];
	s0 =	simm.s32 @p1 $0x1  }
0x15: {  	[smem:$0x3FB5] =	sst s0;
	s0 =	simm.s32 @!p2 $0x0  }
0x16: {  	s3 =	sld [smem:$0x3FDB];
	s0 =	simm.s32 @p2 $0x1  }
0x17: {  	s4 =	simm.s32 $0x1BF5;
	[smem:$0x3FB7] =	sst s0  }
0x18: {  	s0 =	sld [smem:$0x3F9A];
	_ =	swait.ge [sflag:s4], $0x0  }
0x19: {  	s7 =	sld [smem:$0x3F9B]  }
0x1a: {  	s8 =	sadd.s32 $0xFFFFE003, lr  }
0x1b: {  	s9 =	sadd.s32 $0xFFFFFEF7, lr;
	s5 =	simm.s32 $0xFFFFFFFF;
	p2 =	slt.u32 s8, $0xFFFFF086  }
0x1c: {  	p1 =	slt.u32 s9, $0xF7A;
	s5 =	simm.s32 @!p2 $0x0  }
0x1d: {  	s5 =	simm.s32 @p1 $0x1;
	p0 =	seq.s32 s7, s2  }
0x1e: {  	s7 =	smul.u32 @!p0 $0xF7A, s2;
	p2 =	seq.s32 @!p0 s5, $0x0  }
0x1f: {  	s9 =	smul.u32 $0xF7A, s1;
	s8 =	simm.s32 @!p0 $0x1BF5;
	p2 =	por !p2, p0  }
0x20: {  	[sflag:s8] =	ssyncset.s32 @!p0 $0xFFFFF086;
	s6 =	sadd.s32 @!p0 s3, s7;
	s7 =	simm.s32 @!p0 $0x108  }
0x21: {  	s3 =	sadd.s32 s3, s9;
	s6 =	sadd.s32 @!p0 $0x88, s6;
	s7 =	simm.s32 @p2 $0x1082  }
0x22: {  	[simem:s7], [sflag:s8] =	dma.local @!p0 [hbm:s6], $0xF7A  }
0x23: {  	s9 =	sor.u32 $0xD0000000, s2;
	s6 =	simm.s32 $0x108;
	_ =	swait.ge @!p0 [sflag:s8], $0x0  }
0x24: {  	s3 =	sadd.s32 $0x88, s3;
	s6 =	simm.s32 @!p1 $0x1082;
	[sflag:s4] =	ssyncset.s32 $0xFFFFF086  }
0x25: {  	[simem:s6], [sflag:s4] =	dma.local [hbm:s3], $0xF7A  }
0x26: {  	[smem:$0x3F9B] =	sst s1;
	(tag) =	ssettag s2;
	_ =	strace s9  }
0x27: {  	s1 =	sld [smem:$0x3FAB]  }
0x28: {  	s2 =	sld [smem:$0x3FAC]  }
0x29: {  	s4 =	sld [smem:$0x3FAE]  }
0x2a: {  	p0 =	seq.s32 s5, $0x0;
	s5 =	sld [smem:$0x3FAF]  }
0x2b: {  	s6 =	sld [smem:$0x3FB0]  }
0x2c: {  	s7 =	sld [smem:$0x3FB1]  }
0x2d: {  	s3 =	simm.s32 $0x108;
	s8 =	sld [smem:$0x3FB2]  }
0x2e: {  	s3 =	simm.s32 @!p0 $0x1082;
	s9 =	sld [smem:$0x3FB3]  }
0x2f: {  	lr =	sadd.s32 s0, s3;
	s0 =	sld [smem:$0x3FAA]  }
0x30: {  	s3 =	sld [smem:$0x3FAD]  }
0x31: {  	[smem:$0x3FB6] =	sst s10  }
0x32: {  	s10 =	sld [smem:$0x3FB4];
	_ =	sdelay $0x3  }
0x33: {  	p0 =	seq.s32 s10, $0x1;
	s10 =	sld [smem:$0x3FB6];
	_ =	sdelay $0x3  }
0x34: {  	[smem:$0x3FB6] =	sst s10  }
0x35: {  	s10 =	sld [smem:$0x3FB5];
	_ =	sdelay $0x3  }
0x36: {  	p1 =	seq.s32 s10, $0x1;
	s10 =	sld [smem:$0x3FB6];
	_ =	sdelay $0x3  }
0x37: {  	[smem:$0x3FB6] =	sst s10  }
0x38: {  	s10 =	sld [smem:$0x3FB7]  }
0x39: {  	_ = 	snop;
	(pc) =	sbr.ind lr, $3  }
0x3a: {  	_ = 	snop  }
0x3b: {  	_ = 	snop  }
0x3c: {  	p2 =	seq.s32 s10, $0x1;
	s10 =	sld [smem:$0x3FB6]  }
0x3d: {  	_ =	shalt  }
0x3e: {  	_ =	shalt  }
0x3f: {  	_ =	shalt  }
0x40: {  	_ =	shalt  }
0x41: {  	_ =	shalt  }
0x42: {  	_ =	shalt  }
0x43: {  	_ =	shalt  }
0x44: {  	_ =	shalt  }
0x45: {  	_ =	shalt  }
0x46: {  	_ =	shalt  }
0x47: {  	_ =	shalt  }
0x48: {  	_ =	shalt  }
0x49: {  	_ =	shalt  }
0x4a: {  	_ =	shalt  }
0x4b: {  	_ =	shalt  }
0x4c: {  	_ =	shalt  }
0x4d: {  	_ =	shalt  }
0x4e: {  	_ =	shalt  }
0x4f: {  	_ =	shalt  }
0x50: {  	_ =	shalt  }
0x51: {  	_ =	shalt  }
0x52: {  	_ =	shalt  }
0x53: {  	_ =	shalt  }
0x54: {  	_ =	shalt  }
0x55: {  	_ =	shalt  }
0x56: {  	_ =	shalt  }
0x57: {  	_ =	shalt  }
0x58: {  	_ =	shalt  }
0x59: {  	_ =	shalt  }
0x5a: {  	_ =	shalt  }
0x5b: {  	_ =	shalt  }
0x5c: {  	_ =	shalt  }
0x5d: {  	_ =	shalt  }
0x5e: {  	_ =	shalt  }
0x5f: {  	_ =	shalt  }
0x60: {  	_ =	shalt  }
0x61: {  	_ =	shalt  }
0x62: {  	_ =	shalt  }
0x63: {  	_ =	shalt  }
0x64: {  	_ =	shalt  }
0x65: {  	_ =	shalt  }
0x66: {  	_ =	shalt  }
0x67: {  	_ =	shalt  }
0x68: {  	_ =	shalt  }
0x69: {  	_ =	shalt  }
0x6a: {  	_ =	shalt  }
0x6b: {  	_ =	shalt  }
0x6c: {  	_ =	shalt  }
0x6d: {  	_ =	shalt  }
0x6e: {  	_ =	shalt  }
0x6f: {  	_ =	shalt  }
0x70: {  	_ =	shalt  }
0x71: {  	_ =	shalt  }
0x72: {  	_ =	shalt  }
0x73: {  	_ =	shalt  }
0x74: {  	_ =	shalt  }
0x75: {  	_ =	shalt  }
0x76: {  	_ =	shalt  }
0x77: {  	_ =	shalt  }
0x78: {  	_ =	shalt  }
0x79: {  	_ =	shalt  }
0x7a: {  	_ =	shalt  }
0x7b: {  	_ =	shalt  }
0x7c: {  	_ =	shalt  }
0x7d: {  	_ =	shalt  }
0x7e: {  	_ =	shalt  }
0x7f: {  	_ =	shalt  }
0x80: {  	_ =	shalt  }
0x81: {  	_ =	shalt  }
0x82: {  	_ =	shalt  }
0x83: {  	_ =	shalt  }
0x84: {  	_ =	shalt  }
0x85: {  	_ =	shalt  }
0x86: {  	_ =	shalt  }
0x87: {  	_ =	shalt  }
.Lfunc_end0:
.L_simem_size_0:
called_computation_lowered:
.L_overlay_start_0:
0x88: {  	s2 =	sld [smem:$0x3FD9]  }
0x89: {  	s3 =	sld [smem:$0x3FFE];
	_ =	sdelay $0x1  }
0x8a: {  	s1 =	srdreg.scid  }
0x8b: {  	s0 =	sand.u32 $0x1, s1  }
0x8c: {  	s17 =	sshll.u32 s0, $0xA;
	s2 =	sadd.s32 s3, s2  }
0x8d: {  	s2 =	sadd.s32 s2, s17  }
0x8e: {  	[smem:$0x3FC2] =	sst s2  }
0x8f: {  	_ = 	snop  }
0x90: {  	s2 =	sld [smem:$0x3FD0];
	(tm) =	ssettm $0x1  }
0x91: {  	s18 =	sld [smem:$0x3FFB];
	_ =	sdelay $0x3  }
0x92: {  	_ =	strace s18  }
0x93: {  	s3 =	sld [smem:$0x3FFC];
	_ =	sdelay $0x3  }
0x94: {  	_ =	strace s3  }
0x95: {  	s3 =	sld [smem:$0x3FFD];
	_ =	sdelay $0x3  }
0x96: {  	_ =	strace s3  }
0x97: {  	_ =	strace $0x8FFFFFFF  }
0x98: {  	s19 =	sld [smem:$0x3FDB];
	_ =	sdelay $0x1  }
0x99: {  	s4 =	simm.s32 $_scs_section_size  }
0x9a: {  	s5 =	simm.s32 $_size__tile_overlayer_lowered;
	s6 =	simm.s32 $_tile_overlayer_lowered  }
0x9b: {  	s22 =	simm.s32 $0x1BFF;
	s21 =	sshll.u32 s6, $0x1;
	s3 =	sadd.s32 s4, s19  }
0x9c: {  	s7 =	simm.s32 $0x0;
	s20 =	sshll.u32 s5, $0x1;
	s5 =	sadd.s32 s21, s3  }
0x9d: {  	[timem:s7], [sflag:s22] =	dma.local [hbm:s5], s20  }
0x9e: {  	_ =	swait.ge [sflag:s22], s20  }
0x9f: {  	s4 =	ssub.s32 $0x0, s20;
	[sflag:s22] =	ssyncset.done $0x0  }
0xa0: {  	[sflag:s22] =	ssyncadd.s32 s4;
	_ =	sdelay $0x1  }
0xa1: {  	s23 =	simm.s32 $0x1B8B  }
0xa2: {  	_ =	swait.ge [sflag:s23], $0x1  }
0xa3: {  	[sflag:s23] =	ssyncset.done $0x0  }
0xa4: {  	s25 =	simm.s32 $0x1B8E;
	s24 =	sld [smem:$0x3FFE];
	[sflag:s23] =	ssyncadd.s32 $0xFFFFFFFF  }
0xa5: {  	s26 =	simm.s32 $execute0_lowered;
	[smem:$0x3FD2] =	sst s25  }
0xa6: {  	s5 =	sshll.u32 s26, $0x1;
	_ =	strace $0x80000046;
	[dreg:$0x1] =	wrdreg $0xFFFFFFFF  }
0xa7: {  	s28 =	simm.s32 $_size_execute0_lowered;
	s3 =	sadd.s32 s3, s5;
	[dreg:$0x0] =	wrdreg $0x0  }
0xa8: {  	s5 =	sshll.u32 s28, $0x1;
	[dreg:$0x2] =	wrdreg s3  }
0xa9: {  	[dreg:$0x3] =	wrdreg s5  }
0xaa: {  	[dreg:$0x4] =	wrdreg $0xC0  }
0xab: {  	_ =	task [dreg:s7], $0x5FFFF  }
0xac: {  	[dreg:$0x1] =	wrdreg $0xFFFFFFFF  }
0xad: {  	[dreg:$0x0] =	wrdreg $0x60  }
0xae: {  	[dreg:$0x2] =	wrdreg s24  }
0xaf: {  	[dreg:$0x3] =	wrdreg s2  }
0xb0: {  	[dreg:$0x4] =	wrdreg $0xA0A00  }
0xb1: {  	[dreg:$0x5] =	wrdreg $0xA3200  }
0xb2: {  	[dreg:$0x6] =	wrdreg $0x9  }
0xb3: {  	_ =	task.clear_ibuf [dreg:s7], $0x7FFFF;
	_ =	strace $0x90000046  }
0xb4: {  	s29 =	simm.s32 $0x9;
	_ =	strace $0x80000048  }
0xb5: {  	_ =	swait.ge [sflag:s29], $0x1  }
0xb6: {  	[sflag:s29] =	ssyncadd.s32 $0xFFFFFFFF  }
0xb7: {  	_ =	strace $0x90000048  }
0xb8: {  	_ =	sfence  }
0xb9: {  	s30 =	sld [smem:$0x0];
	_ =	sdelay $0x2  }
0xba: {  	s31 =	sshll.u32 s1, $0xD;
	s1 =	sshrl.u32 s1, $0x2  }
0xbb: {  	s3 =	sand.u32 $0x4000, s31;
	s1 =	sadd.s32 s1, s30  }
0xbc: {  	s0 =	sor.u32 s3, s0;
	s1 =	sshll.u32 s1, $0x11  }
0xbd: {  	s0 =	sor.u32 s1, s0  }
0xbe: {  	s0 =	sadd.s32 $0x8F2B, s0  }
0xbf: {  	[sflag:s0] =	ssyncadd.remote.s32 $0x1  }
0xc0: {  	_ =	sfence.sel $0xFFFF  }
0xc1: {  	[dreg:$0x0] =	wrdreg $0xFFFFFFFF;
	(pc) =	sbr.abs _section_cstart, $3  }
0xc2: {  	[dreg:$0x1] =	wrdreg $0xFFFFFFFF  }
0xc3: {  	_ =	task.clear_ibuf [dreg:s7], $0x2FFFF;
	_ =	strace $0x9FFFFFFF  }
0xc4: {  	(tm) =	ssettm $0x7FFFFFFF  }
0xc5: {  	_ =	shalt  }
tec
execute0_lowered:
.L_overlay_start_1:
0x0: {  	(tag) =	ssettag $0x1  }
0x1: {  	s0 =	rddreg [dreg:$0x0];
	s1 =	srdreg.scid  }
0x2: {  	s6 =	stileid.u32;
	s10 =	rddreg [dreg:$0x1]  }
0x3: {  	s2 =	rddreg [dreg:$0x2];
	s15 =	simm.s32 $0x3;
	s16 =	simm.s32 $0x1  }
0x4: {  	s17 =	simm.s32 $0x2;
	s18 =	simm.s32 $0x4E20;
	s19 =	simm.s32 $0x7620  }
0x5: {  	s20 =	simm.s32 $0x80;
	s21 =	simm.s32 $0x9E20;
	s22 =	simm.s32 $0x9EA0  }
0x6: {  	s29 =	simm.s32 $0x9FA0;
	s31 =	simm.s32 $0x8E20;
	s14 =	simm.s32 $0x9620  }
0x7: {  	s23 =	simm.s32 $0x0;
	s1 =	sand.u32 $0x1, s1;
	s3 =	sshll.u32 s6, $0x1  }
0x8: {  	s30 =	simm.s32 $0x0;
	s11 =	smul.u32 $0x280, s6;
	s4 =	sor.u32 s1, s3  }
0x9: {  	s3 =	rddreg [dreg:$0x3];
	s25 =	ssub.s32 $0x2, s1;
	s1 =	smul.u32 $0x5000, s1  }
0xa: {  	s5 =	smul.u32 $0x4E2, s4;
	s4 =	simm.s32 $0x0;
	s26 =	sshrl.u32 s25, $0x1  }
0xb: {  	s7 =	sadd.s32 s11, s2;
	s8 =	sadd.s32 $0x4E20, s11;
	s9 =	sadd.s32 s11, s3  }
0xc: {  	[smem:$0x7FF] =	sst s4;
	s13 =	ssub.s32 s25, s26;
	s1 =	sadd.s32 s11, s1  }
0xd: {  	s11 =	sadd.s32 $0x7620, s11;
	s25 =	simm.s32 $0x9F20;
	_ =	strace $0x80000047  }
0xe: {  	s0 =	sadd.s32 s5, s0;
	s28 =	sshrl.u32 s1, $0x3;
	s13 =	smax.u32 s13, $0x1  }
0xf: {  	s1 =	simm.s32 $0xA020;
	s5 =	sadd.s32 $0xD600, s0;
	s10 =	sadd.s32 s10, s28  }
0x10: {  	v0 =	vimm.f32 $0.0e+00;
	v1 =	vlaneseq.u32;
	v2 =	vimm.f32 $1.000000000e+00;
	s6 =	sadd.s32 $0x3800, s0;
	s0 =	simm.s32 $0x6E20;
	s12 =	sadd.s32 $0x500, s10  }
.LBB2_1:
0x11: {  	[tilespmem:s4], [sflag:$0x1] =	stream.linear.gather [hbm4b:s5+s4], $0x2710, $0x38;
	[tilespmem:$0xA5A0] =	vst v63  }
0x12: {  	s24 =	simm.s32 $0x2710  }
0x13: {  	[tilespmem:s24], [sflag:$0x2] =	stream.linear.gather [hbm4b:s6+s4], $0x2710, $0x38;
	[tilespmem:$0xA5A0] =	vst v63  }
0x14: {  	s26 =	simm.s32 $0x0;
	s24 =	simm.s32 $0x40  }
.LBB2_2:
0x15: {  	p0 =	sne.s32 s24, $0x9FC0;
	[tilespmem:s26+$0x4E20] =	vst v0;
	s28 =	smov.u32 s24;
	s24 =	sadd.s32 $0x40, s24  }
.Ltmp0:
0x16: {  	[tilespmem:s26+$0x7620] =	vst v0;
	(pc) =	sbr.rel @p0 .LBB2_2-.Ltmp0, $2  }
0x17: {  	_ =	sdelay $0x2  }
0x18: {  	s26 =	sshra.s32 s28, $0x2  }
0x19: {  	[tilespmem:s26+$0x4E20] =	vst v0  }
0x1a: {  	[tilespmem:s26+$0x7620] =	vst v0  }
0x1b: {  	[spmem:s7] =	stream.linear.scatter [tilespmem:s8], [sflag:$0x3], $0x280, $0x38;
	[tilespmem:$0xA5A0] =	vst v63  }
0x1c: {  	_ =	swait.ge [sflag:s15], $0x280  }
0x1d: {  	[sflag:s15] =	ssyncset.done $0x0  }
0x1e: {  	v3 =	vmov s30;
	[sflag:s15] =	ssyncadd.s32 $0xFFFFFD80  }
0x1f: {  	v4 =	vor.u32 $0x10, v3;
	v5 =	vor.u32 $0x20, v3;
	v6 =	vor.u32 $0x70, v3;
	[spmem:s9] =	stream.linear.scatter [tilespmem:s11], [sflag:$0x3], $0x280, $0x38;
	[tilespmem:$0xA5A0] =	vst v63  }
0x20: {  	v7 =	vor.u32 $0x30, v3;
	v8 =	vor.u32 $0x40, v3;
	v6 =	vbroadcast v6, $0x0;
	_ =	swait.ge [sflag:s15], $0x280  }
0x21: {  	v9 =	vor.u32 $0x50, v3;
	v3 =	vor.u32 $0x60, v3;
	v4 =	vbroadcast v4, $0x0;
	[sflag:s15] =	ssyncset.done $0x0  }
0x22: {  	s26 =	simm.s32 $0x9E60;
	v5 =	vbroadcast v5, $0x0;
	v7 =	vbroadcast v7, $0x0;
	v6 =	vor.u32 v1, v6;
	[sflag:s15] =	ssyncadd.s32 $0xFFFFFD80  }
0x23: {  	v8 =	vbroadcast v8, $0x0;
	v9 =	vbroadcast v9, $0x0;
	v4 =	vor.u32 v1, v4;
	[tilespmem:s26+$0x30] =	vst v6  }
0x24: {  	v10 =	vor.u32 v1, v7;
	[tilespmem:s26+$0xFFFFFFD0] =	vst v4;
	v6 =	vbroadcast v3, $0x0  }
0x25: {  	s24 =	simm.s32 $0x80;
	v7 =	vor.u32 v1, v8;
	v4 =	vor.u32 v1, v5;
	v5 =	vor.u32 v1, v9;
	[tilespmem:s26+$0xFFFFFFF0] =	vst v10  }
0x26: {  	s28 =	simm.s32 $0x100;
	v3 =	vmov s24;
	[tilespmem:s26+$0xFFFFFFE0] =	vst v4;
	v4 =	vor.u32 s30, v1;
	v6 =	vor.u32 v1, v6  }
.LBB2_4:
0x27: {  	p0 =	sne.s32 s28, $0x200;
	v8 =	vor.u32 $0x10, v3;
	v9 =	vor.u32 $0x20, v3;
	v10 =	vor.u32 $0x70, v3;
	[tilespmem:s26+$0x0] =	vst v7  }
0x28: {  	v7 =	vor.u32 $0x30, v3;
	v11 =	vor.u32 $0x40, v3;
	v10 =	vbroadcast v10, $0x0;
	[tilespmem:s26+$0x10] =	vst v5  }
0x29: {  	v5 =	vbroadcast v8, $0x0;
	v8 =	vor.u32 $0x50, v3;
	v3 =	vor.u32 $0x60, v3;
	[tilespmem:s26+$0x20] =	vst v6  }
.Ltmp1:
0x2a: {  	v7 =	vbroadcast v7, $0x0;
	v6 =	vbroadcast v9, $0x0;
	v9 =	vor.u32 v1, v10;
	[tilespmem:s26+$0xFFFFFFC0] =	vst v4;
	s26 =	sadd.s32 $0x80, s26;
	(pc) =	sbr.rel @p0 .LBB2_4-.Ltmp1, $4  }
0x2b: {  	v8 =	vbroadcast v8, $0x0;
	v4 =	vor.u32 v1, v5;
	v5 =	vbroadcast v11, $0x0;
	[tilespmem:s26+$0x30] =	vst v9  }
0x2c: {  	v9 =	vbroadcast v3, $0x0;
	[tilespmem:s26+$0xFFFFFFD0] =	vst v4;
	v4 =	vor.u32 v1, v6;
	v6 =	vor.u32 v1, v7  }
0x2d: {  	v7 =	vor.u32 v1, v5;
	v5 =	vor.u32 v1, v8;
	[tilespmem:s26+$0xFFFFFFE0] =	vst v4  }
0x2e: {  	v3 =	vmov s28;
	v4 =	vor.u32 s24, v1;
	s24 =	smov.u32 s28;
	s28 =	sadd.s32 $0x80, s28;
	[tilespmem:s26+$0xFFFFFFF0] =	vst v6;
	v6 =	vor.u32 v1, v9  }
0x2f: {  	[tilespmem:s26+$0x0] =	vst v7  }
0x30: {  	v8 =	vor.u32 $0x70, v3;
	[tilespmem:s26+$0x10] =	vst v5  }
0x31: {  	v56 =	vor.u32 $0x10, v3;
	[tilespmem:s26+$0x20] =	vst v6;
	v8 =	vbroadcast v8, $0x0  }
0x32: {  	v57 =	vor.u32 $0x20, v3;
	[tilespmem:s26+$0xFFFFFFC0] =	vst v4;
	s28 =	sadd.s32 $0x80, s26;
	v63 =	vor.u32 s24, v1;
	v7 =	vbroadcast v56, $0x0  }
0x33: {  	v58 =	vor.u32 $0x30, v3;
	v5 =	vbroadcast v57, $0x0;
	[tilespmem:s28+$0xFFFFFFC0] =	vst v63;
	v8 =	vor.u32 v1, v8  }
0x34: {  	v59 =	vor.u32 $0x40, v3;
	v6 =	vbroadcast v58, $0x0;
	v7 =	vor.u32 v1, v7;
	[tilespmem:s28+$0x30] =	vst v8  }
0x35: {  	v60 =	vor.u32 $0x50, v3;
	v4 =	vbroadcast v59, $0x0;
	v5 =	vor.u32 v1, v5;
	[tilespmem:s28+$0xFFFFFFD0] =	vst v7  }
0x36: {  	v3 =	vor.u32 $0x60, v3;
	v61 =	vbroadcast v60, $0x0;
	v6 =	vor.u32 v1, v6;
	[tilespmem:s28+$0xFFFFFFE0] =	vst v5  }
0x37: {  	v3 =	vbroadcast v3, $0x0;
	v4 =	vor.u32 v1, v4;
	[tilespmem:s28+$0xFFFFFFF0] =	vst v6  }
0x38: {  	v62 =	vor.u32 v1, v61;
	[tilespmem:s28+$0x0] =	vst v4  }
0x39: {  	v3 =	vor.u32 v1, v3;
	[tilespmem:s28+$0x10] =	vst v62  }
0x3a: {  	[tilespmem:s28+$0x20] =	vst v3  }
0x3b: {  	_ =	swait.ge [sflag:s16], $0x2710  }
0x3c: {  	[sflag:s16] =	ssyncset.done $0x0  }
0x3d: {  	[sflag:s16] =	ssyncadd.s32 $0xFFFFD8F0  }
0x3e: {  	_ =	swait.ge [sflag:s17], $0x2710  }
0x3f: {  	[sflag:s17] =	ssyncset.done $0x0  }
0x40: {  	s24 =	simm.s32 $0x0;
	[sflag:s17] =	ssyncadd.s32 $0xFFFFD8F0  }
.LBB2_6:
0x41: {  	s26 =	sshra.s32 s24, $0x2  }
0x42: {  	v3 =	vld [tilespmem:s26+$0x0]  }
0x43: {  	v4 =	vld [tilespmem:s26+$0x2710];
	_ =	sdelay $0x4  }
0x44: {  	vm0 =	vne.s32 v3, v4  }
0x45: {  	vm1 =	veq.s32 v3, v4;
	_ =	sdelay $0x4  }
0x46: {  	[tilespmem:v3+s18+$0x0] =	vst.idx.add.f32.msk vm0, v2  }
0x47: {  	[tilespmem:v3+s19+$0x0] =	vst.idx.add.f32.msk vm1, v2  }
0x48: {  	v3 =	vld [tilespmem:s26+$0x10]  }
0x49: {  	v60 =	vld [tilespmem:s26+$0x2720];
	_ =	sdelay $0x4  }
0x4a: {  	vm8 =	vne.s32 v3, v60  }
0x4b: {  	vm9 =	veq.s32 v3, v60;
	_ =	sdelay $0x4  }
0x4c: {  	[tilespmem:v3+s18+$0x0] =	vst.idx.add.f32.msk vm8, v2  }
0x4d: {  	[tilespmem:v3+s19+$0x0] =	vst.idx.add.f32.msk vm9, v2  }
0x4e: {  	v3 =	vld [tilespmem:s26+$0x20]  }
0x4f: {  	v61 =	vld [tilespmem:s26+$0x2730];
	_ =	sdelay $0x4  }
0x50: {  	vm10 =	vne.s32 v3, v61  }
0x51: {  	vm11 =	veq.s32 v3, v61;
	_ =	sdelay $0x4  }
0x52: {  	[tilespmem:v3+s18+$0x0] =	vst.idx.add.f32.msk vm10, v2  }
0x53: {  	[tilespmem:v3+s19+$0x0] =	vst.idx.add.f32.msk vm11, v2  }
0x54: {  	v3 =	vld [tilespmem:s26+$0x30]  }
0x55: {  	v62 =	vld [tilespmem:s26+$0x2740];
	_ =	sdelay $0x4  }
0x56: {  	vm12 =	vne.s32 v3, v62  }
0x57: {  	vm13 =	veq.s32 v3, v62;
	_ =	sdelay $0x4  }
0x58: {  	[tilespmem:v3+s18+$0x0] =	vst.idx.add.f32.msk vm12, v2  }
0x59: {  	[tilespmem:v3+s19+$0x0] =	vst.idx.add.f32.msk vm13, v2  }
0x5a: {  	v3 =	vld [tilespmem:s26+$0x40]  }
0x5b: {  	v63 =	vld [tilespmem:s26+$0x2750];
	_ =	sdelay $0x4  }
0x5c: {  	vm14 =	vne.s32 v3, v63  }
0x5d: {  	vm15 =	veq.s32 v3, v63  }
0x5e: {  	p0 =	sne.s32 s24, $0x9B00  }
.Ltmp2:
0x5f: {  	_ = 	snop;
	(pc) =	sbr.rel @p0 .LBB2_6-.Ltmp2, $3  }
0x60: {  	_ =	sdelay $0x1  }
0x61: {  	[tilespmem:v3+s18+$0x0] =	vst.idx.add.f32.msk vm14, v2  }
0x62: {  	s24 =	sadd.s32 $0x140, s24;
	[tilespmem:v3+s19+$0x0] =	vst.idx.add.f32.msk vm15, v2  }
0x63: {  	[bflag:$0x0] =	sbarrier.arrive $0xFFFF  }
0x64: {  	[spmem:s2] =	stream.indirect.scatter.add.f32 [tilespmem:s18], [sflag:$0x3], $0x10, s21, s20, $0xb8;
	[tilespmem:$0xA5A0] =	vst v63  }
0x65: {  	_ =	swait.ge [sflag:s15], $0x800  }
0x66: {  	[sflag:s15] =	ssyncset.done $0x0  }
0x67: {  	[sflag:s15] =	ssyncadd.s32 $0xFFFFF800  }
0x68: {  	[spmem:s3] =	stream.indirect.scatter.add.f32 [tilespmem:s19], [sflag:$0x3], $0x10, s21, s20, $0xb8;
	[tilespmem:$0xA5A0] =	vst v63  }
0x69: {  	_ =	swait.ge [sflag:s15], $0x800  }
0x6a: {  	[sflag:s15] =	ssyncset.done $0x0  }
0x6b: {  	s24 =	simm.s32 $0x5620;
	[sflag:s15] =	ssyncadd.s32 $0xFFFFF800  }
0x6c: {  	[spmem:s2] =	stream.indirect.scatter.add.f32 [tilespmem:s24], [sflag:$0x3], $0x10, s22, s20, $0xb8;
	[tilespmem:$0xA5A0] =	vst v63  }
0x6d: {  	_ =	swait.ge [sflag:s15], $0x800  }
0x6e: {  	[sflag:s15] =	ssyncset.done $0x0  }
0x6f: {  	s26 =	simm.s32 $0x7E20;
	[sflag:s15] =	ssyncadd.s32 $0xFFFFF800  }
0x70: {  	[spmem:s3] =	stream.indirect.scatter.add.f32 [tilespmem:s26], [sflag:$0x3], $0x10, s22, s20, $0xb8;
	[tilespmem:$0xA5A0] =	vst v63  }
0x71: {  	_ =	swait.ge [sflag:s15], $0x800  }
0x72: {  	[sflag:s15] =	ssyncset.done $0x0  }
0x73: {  	s28 =	simm.s32 $0x5E20;
	[sflag:s15] =	ssyncadd.s32 $0xFFFFF800  }
0x74: {  	[spmem:s2] =	stream.indirect.scatter.add.f32 [tilespmem:s28], [sflag:$0x3], $0x10, s25, s20, $0xb8;
	[tilespmem:$0xA5A0] =	vst v63  }
0x75: {  	_ =	swait.ge [sflag:s15], $0x800  }
0x76: {  	[sflag:s15] =	ssyncset.done $0x0  }
0x77: {  	s26 =	simm.s32 $0x8620;
	[sflag:s15] =	ssyncadd.s32 $0xFFFFF800  }
0x78: {  	[spmem:s3] =	stream.indirect.scatter.add.f32 [tilespmem:s26], [sflag:$0x3], $0x10, s25, s20, $0xb8;
	[tilespmem:$0xA5A0] =	vst v63  }
0x79: {  	_ =	swait.ge [sflag:s15], $0x800  }
0x7a: {  	[sflag:s15] =	ssyncset.done $0x0  }
0x7b: {  	s28 =	simm.s32 $0x6620;
	[sflag:s15] =	ssyncadd.s32 $0xFFFFF800  }
0x7c: {  	[spmem:s2] =	stream.indirect.scatter.add.f32 [tilespmem:s28], [sflag:$0x3], $0x10, s29, s20, $0xb8;
	[tilespmem:$0xA5A0] =	vst v63  }
0x7d: {  	_ =	swait.ge [sflag:s15], $0x800  }
0x7e: {  	[sflag:s15] =	ssyncset.done $0x0  }
0x7f: {  	[sflag:s15] =	ssyncadd.s32 $0xFFFFF800  }
0x80: {  	[spmem:s3] =	stream.indirect.scatter.add.f32 [tilespmem:s31], [sflag:$0x3], $0x10, s29, s20, $0xb8;
	[tilespmem:$0xA5A0] =	vst v63  }
0x81: {  	_ =	swait.ge [sflag:s15], $0x800  }
0x82: {  	[sflag:s15] =	ssyncset.done $0x0  }
0x83: {  	[sflag:s15] =	ssyncadd.s32 $0xFFFFF800  }
0x84: {  	[spmem:s2] =	stream.indirect.scatter.add.f32 [tilespmem:s0], [sflag:$0x3], $0x10, s1, s20, $0xb8;
	[tilespmem:$0xA5A0] =	vst v63  }
0x85: {  	_ =	swait.ge [sflag:s15], $0x800  }
0x86: {  	[sflag:s15] =	ssyncset.done $0x0  }
0x87: {  	[sflag:s15] =	ssyncadd.s32 $0xFFFFF800  }
0x88: {  	[spmem:s3] =	stream.indirect.scatter.add.f32 [tilespmem:s14], [sflag:$0x3], $0x10, s1, s20, $0xb8;
	[tilespmem:$0xA5A0] =	vst v63  }
0x89: {  	_ =	swait.ge [sflag:s15], $0x800  }
0x8a: {  	s26 =	stileid.u32;
	[sflag:s15] =	ssyncset.done $0x0  }
0x8b: {  	s24 =	sshll.u32 s26, $0x6;
	[sflag:s15] =	ssyncadd.s32 $0xFFFFF800  }
0x8c: {  	s26 =	sshrl.u32 s7, $0x3;
	s24 =	sor.u32 $0x1C03, s24;
	[bflag:$0x0] =	sbarrier.arrive $0xFFFF  }
0x8d: {  	[hbm:s10], [sflag:s24] =	dma.local [spmem:s26], $0x50  }
0x8e: {  	s23 =	sadd.s32 $0x1, s23;
	_ =	swait.ge [sflag:s15], $0x50  }
0x8f: {  	p0 =	sne.s32 s23, s13;
	[sflag:s15] =	ssyncset.done $0x0  }
.Ltmp3:
0x90: {  	s28 =	sshrl.u32 s9, $0x3;
	[sflag:s15] =	ssyncadd.s32 $0xFFFFFFB0;
	(pc) =	sbr.rel @p0 .LBB2_1-.Ltmp3, $4  }
0x91: {  	[hbm:s12], [sflag:s24] =	dma.local [spmem:s28], $0x50  }
0x92: {  	_ =	swait.ge [sflag:s15], $0x50  }
0x93: {  	[sflag:s15] =	ssyncset.done $0x0  }
0x94: {  	[sflag:s15] =	ssyncadd.s32 $0xFFFFFFB0  }
0x95: {  	_ =	sfence.sel $0x180000  }
0x96: {  	[bflag:$0x0] =	sbarrier.arrive $0xFFFF  }
0x97: {  	_ =	strace $0x90000047  }
0x98: {  	s0 =	stileid.u32;
	[bflag:$0x2] =	sbarrier.arrive $0xFFFF  }
0x99: {  	p0 =	sne.s32 s0, $0x0;
	s0 =	rddreg [dreg:$0x4]  }
0x9a: {  	s0 =	sadd.s32 @!p0 $0x100000, s0  }
0x9b: {  	[sflag:s0] =	ssyncadd.tile.s32 @!p0 $0x1;
	_ =	shalt  }
.Lfunc_end2:
_tile_overlayer_lowered:
.L_overlay_start_2:
0x9c: {  	(tag) =	ssettag $0x2  }
0x9d: {  	s0 =	rddreg [dreg:$0x0];
	s2 =	stileid.u32  }
0x9e: {  	s1 =	rddreg [dreg:$0x1];
	p0 =	sne.s32 s2, $0x0  }
0x9f: {  	s3 =	rddreg [dreg:$0x2];
	[bflag:$0x3] =	sbarrier.arrive $0xFFFF;
	s2 =	simm.s32 @!p0 $0x1C03  }
0xa0: {  	[timem:s3], [sflag:s2] =	dma.local @!p0 [hbm:s0], s1  }
0xa1: {  	s0 =	simm.s32 @!p0 $0x3  }
0xa2: {  	_ =	swait.ge @!p0 [sflag:s0], s1  }
0xa3: {  	s1 =	ssub.s32 @!p0 $0x0, s1;
	[sflag:s0] =	ssyncset.done @!p0 $0x0  }
0xa4: {  	[sflag:s0] =	ssyncadd.s32 @!p0 s1  }
0xa5: {  	[bflag:$0x3] =	sbarrier.arrive $0xFFFF  }
0xa6: {  	_ =	shalt  }

</sc_bundles>
